<compile_context>
chip_gen: v7x
topology: tpu7x:2x2x1
jax: 0.10.2.dev20260603
libtpu: 0.0.44.dev20260713+nightly
codegen_flags: <defaults>
</compile_context>

<pallas_src>
import functools

import jax
import jax.numpy as jnp
from jax import lax
from jax.experimental import pallas as pl
from jax.experimental.pallas import tpu as pltpu
from jax.experimental.pallas import tpu_sc as plsc

N_NODES = 10000
N_FEAT = 128
N_HID = 64
N_CLS = 32

NPAD = 10240
BLK = 2048
NW = 32
NC = 2
NS = 16
ROWS_PER_TILE = NPAD // NS
CHUNK = 128


def _n_chunks(e):
    ch = -(-e // (NW * CHUNK))
    return -(-ch // 4) * 4


def _pad_edges(idx, n_chunks):
    e = idx.shape[0]
    total = NW * n_chunks * CHUNK
    pad = N_NODES + (jnp.arange(total - e, dtype=jnp.int32) % (NPAD - N_NODES))
    return jnp.concatenate([idx.astype(jnp.int32), pad]).reshape(NW, n_chunks, CHUNK)



def _sc_mesh():
    return plsc.VectorSubcoreMesh(core_axis_name="c", subcore_axis_name="s",
                                  num_cores=NC, num_subcores=NS)


def _make_deg_kernel(ch_r, ch_k):
    out_t = (jax.ShapeDtypeStruct((NC, NPAD, 128), jnp.float32),
             jax.ShapeDtypeStruct((NC, NPAD, 128), jnp.float32))

    @functools.partial(
        pl.kernel,
        out_type=out_t,
        mesh=_sc_mesh(),
        compiler_params=pltpu.CompilerParams(use_tc_tiling_on_sc=False),
        scratch_types=[
            pltpu.VMEM((ch_r, CHUNK), jnp.int32),
            pltpu.VMEM((ch_k, CHUNK), jnp.int32),
            pltpu.VMEM((CHUNK, 16), jnp.float32),
            pltpu.VMEM_SHARED((NPAD, 16), jnp.float32),
            pltpu.VMEM_SHARED((NPAD, 16), jnp.float32),
        ],
    )
    def deg_kernel(dstr_hbm, dstk_hbm, ones_hbm, zeros_hbm, outr_hbm, outk_hbm,
                   dstr_v, dstk_v, ones_v, acc_r, acc_k):
        c = lax.axis_index("c")
        s = lax.axis_index("s")
        w = s * NC + c
        r0 = s * ROWS_PER_TILE
        pltpu.sync_copy(zeros_hbm.at[pl.ds(r0, ROWS_PER_TILE)],
                        acc_r.at[pl.ds(r0, ROWS_PER_TILE)])
        pltpu.sync_copy(zeros_hbm.at[pl.ds(r0, ROWS_PER_TILE)],
                        acc_k.at[pl.ds(r0, ROWS_PER_TILE)])
        pltpu.sync_copy(dstr_hbm.at[w], dstr_v)
        pltpu.sync_copy(dstk_hbm.at[w], dstk_v)
        pltpu.sync_copy(ones_hbm, ones_v)
        plsc.subcore_barrier()

        def body_r(j, carry):
            pltpu.sync_copy(ones_v, acc_r.at[dstr_v.at[j]], add=True)
            return carry

        lax.fori_loop(0, ch_r, body_r, 0)

        def body_k(j, carry):
            pltpu.sync_copy(ones_v, acc_k.at[dstk_v.at[j]], add=True)
            return carry

        lax.fori_loop(0, ch_k, body_k, 0)
        plsc.subcore_barrier()
        pltpu.sync_copy(acc_r.at[pl.ds(r0, ROWS_PER_TILE)],
                        outr_hbm.at[c].at[pl.ds(r0, ROWS_PER_TILE), pl.ds(0, 16)])
        pltpu.sync_copy(acc_k.at[pl.ds(r0, ROWS_PER_TILE)],
                        outk_hbm.at[c].at[pl.ds(r0, ROWS_PER_TILE), pl.ds(0, 16)])

    return deg_kernel


def _make_agg_kernel(feat, ch_r, ch_k):
    out_t = (jax.ShapeDtypeStruct((NC, NPAD, 128), jnp.float32),
             jax.ShapeDtypeStruct((NC, NPAD, 128), jnp.float32))

    @functools.partial(
        pl.kernel,
        out_type=out_t,
        mesh=_sc_mesh(),
        compiler_params=pltpu.CompilerParams(use_tc_tiling_on_sc=False),
        scratch_types=[
            pltpu.VMEM((ch_r, CHUNK), jnp.int32),
            pltpu.VMEM((ch_r, CHUNK), jnp.int32),
            pltpu.VMEM((ch_k, CHUNK), jnp.int32),
            pltpu.VMEM((ch_k, CHUNK), jnp.int32),
            [pltpu.VMEM((CHUNK, feat), jnp.float32) for _ in range(4)],
            pltpu.VMEM_SHARED((NPAD, feat), jnp.float32),
            [pltpu.SemaphoreType.DMA for _ in range(4)],
            [pltpu.SemaphoreType.DMA for _ in range(4)],
        ],
    )
    def agg_kernel(table_r, table_k, srcr_hbm, dstr_hbm, srck_hbm, dstk_hbm,
                   zeros_hbm, outr_hbm, outk_hbm,
                   srcr_v, dstr_v, srck_v, dstk_v, bufs, acc,
                   sem_g, sem_s):
        c = lax.axis_index("c")
        s = lax.axis_index("s")
        w = s * NC + c
        r0 = s * ROWS_PER_TILE
        pltpu.sync_copy(zeros_hbm.at[pl.ds(r0, ROWS_PER_TILE)],
                        acc.at[pl.ds(r0, ROWS_PER_TILE)])
        pltpu.sync_copy(srcr_hbm.at[w], srcr_v)
        pltpu.sync_copy(dstr_hbm.at[w], dstr_v)
        pltpu.sync_copy(srck_hbm.at[w], srck_v)
        pltpu.sync_copy(dstk_hbm.at[w], dstk_v)
        plsc.subcore_barrier()

        def pipelined(src_v, dst_v, table, n_chunks):
            pltpu.async_copy(table.at[src_v.at[0]], bufs[0], sem_g[0])
            pltpu.async_copy(table.at[src_v.at[1]], bufs[1], sem_g[1])

            def body(g, carry):
                for b in range(4):
                    j = 4 * g + b
                    c2 = (b + 2) % 4
                    pltpu.make_async_copy(table.at[src_v.at[j]], bufs[b],
                                          sem_g[b]).wait()
                    pltpu.async_copy(bufs[b], acc.at[dst_v.at[j]], sem_s[b],
                                     add=True)

                    @pl.when(j >= 2)
                    def _():
                        pltpu.make_async_copy(
                            bufs[c2], acc.at[dst_v.at[j - 2]], sem_s[c2]
                        ).wait()

                    @pl.when(j + 2 < n_chunks)
                    def _():
                        pltpu.async_copy(table.at[src_v.at[j + 2]], bufs[c2],
                                         sem_g[c2])
                return carry

            lax.fori_loop(0, n_chunks // 4, body, 0)
            pltpu.make_async_copy(bufs[2], acc.at[dst_v.at[n_chunks - 2]],
                                  sem_s[2]).wait()
            pltpu.make_async_copy(bufs[3], acc.at[dst_v.at[n_chunks - 1]],
                                  sem_s[3]).wait()

        def flush(out_hbm):
            plsc.subcore_barrier()
            pltpu.sync_copy(acc.at[pl.ds(r0, ROWS_PER_TILE)],
                            out_hbm.at[c].at[pl.ds(r0, ROWS_PER_TILE),
                                             pl.ds(0, feat)])
            pltpu.sync_copy(zeros_hbm.at[pl.ds(r0, ROWS_PER_TILE)],
                            acc.at[pl.ds(r0, ROWS_PER_TILE)])
            plsc.subcore_barrier()

        pipelined(srcr_v, dstr_v, table_r, ch_r)
        flush(outr_hbm)
        pipelined(srck_v, dstk_v, table_k, ch_k)
        plsc.subcore_barrier()
        pltpu.sync_copy(acc.at[pl.ds(r0, ROWS_PER_TILE)],
                        outk_hbm.at[c].at[pl.ds(r0, ROWS_PER_TILE),
                                          pl.ds(0, feat)])

    return agg_kernel



def _tc0(x_pad, W1):
    grid = NPAD // BLK

    def body(x_ref, w_ref, h1_ref):
        h1_ref[...] = jnp.dot(x_ref[...], w_ref[...],
                              preferred_element_type=jnp.float32)

    return pl.pallas_call(
        body,
        grid=(grid,),
        in_specs=[
            pl.BlockSpec((BLK, N_FEAT), lambda i: (i, 0)),
            pl.BlockSpec((N_FEAT, N_HID), lambda i: (0, 0)),
        ],
        out_specs=pl.BlockSpec((BLK, N_HID), lambda i: (i, 0)),
        out_shape=jax.ShapeDtypeStruct((NPAD, N_HID), jnp.float32),
    )(x_pad, W1)


def _tc1(h1, degp_r, degp_k):
    grid = NPAD // BLK

    def body(h1_ref, dr_ref, dk_ref,
             hsr_ref, hsk_ref, dvr_ref, dvk_ref):
        h1 = h1_ref[...]
        deg_r = dr_ref[0, :, 0:1] + dr_ref[1, :, 0:1] + 1.0
        deg_k = dk_ref[0, :, 0:1] + dk_ref[1, :, 0:1] + 1.0
        dinv_r = lax.rsqrt(deg_r)
        dinv_k = lax.rsqrt(deg_k)
        hsr_ref[...] = h1 * dinv_r
        hsk_ref[...] = h1 * dinv_k
        dvr_ref[...] = dinv_r
        dvk_ref[...] = dinv_k

    return pl.pallas_call(
        body,
        grid=(grid,),
        in_specs=[
            pl.BlockSpec((BLK, N_HID), lambda i: (i, 0)),
            pl.BlockSpec((NC, BLK, 128), lambda i: (0, i, 0)),
            pl.BlockSpec((NC, BLK, 128), lambda i: (0, i, 0)),
        ],
        out_specs=[
            pl.BlockSpec((BLK, N_HID), lambda i: (i, 0)),
            pl.BlockSpec((BLK, N_HID), lambda i: (i, 0)),
            pl.BlockSpec((BLK, 1), lambda i: (i, 0)),
            pl.BlockSpec((BLK, 1), lambda i: (i, 0)),
        ],
        out_shape=[
            jax.ShapeDtypeStruct((NPAD, N_HID), jnp.float32),
            jax.ShapeDtypeStruct((NPAD, N_HID), jnp.float32),
            jax.ShapeDtypeStruct((NPAD, 1), jnp.float32),
            jax.ShapeDtypeStruct((NPAD, 1), jnp.float32),
        ],
    )(h1, degp_r, degp_k)


def _tc2(aggp_r, aggp_k, h1, dinv_r, dinv_k, b1, W2):
    grid = NPAD // BLK

    def body(ar_ref, ak_ref, h1_ref, dvr_ref, dvk_ref, b1_ref, w2_ref,
             h2_ref, hsr_ref, hsk_ref):
        dvr = dvr_ref[...]
        dvk = dvk_ref[...]
        h1 = h1_ref[...]
        b1 = b1_ref[...]
        agg_r = ar_ref[0, :, :N_HID] + ar_ref[1, :, :N_HID]
        agg_k = ak_ref[0, :, :N_HID] + ak_ref[1, :, :N_HID]
        conv_r = dvr * agg_r + (dvr * dvr) * h1 + b1
        conv_k = dvk * agg_k + (dvk * dvk) * h1 + b1
        r1 = jax.nn.relu(jnp.concatenate([conv_r, conv_k], axis=1))
        h2 = jnp.dot(r1, w2_ref[...], preferred_element_type=jnp.float32)
        h2_ref[...] = h2
        hsr_ref[...] = h2 * dvr
        hsk_ref[...] = h2 * dvk

    return pl.pallas_call(
        body,
        grid=(grid,),
        in_specs=[
            pl.BlockSpec((NC, BLK, 128), lambda i: (0, i, 0)),
            pl.BlockSpec((NC, BLK, 128), lambda i: (0, i, 0)),
            pl.BlockSpec((BLK, N_HID), lambda i: (i, 0)),
            pl.BlockSpec((BLK, 1), lambda i: (i, 0)),
            pl.BlockSpec((BLK, 1), lambda i: (i, 0)),
            pl.BlockSpec((1, N_HID), lambda i: (0, 0)),
            pl.BlockSpec((2 * N_HID, N_CLS), lambda i: (0, 0)),
        ],
        out_specs=[
            pl.BlockSpec((BLK, N_CLS), lambda i: (i, 0)),
            pl.BlockSpec((BLK, N_CLS), lambda i: (i, 0)),
            pl.BlockSpec((BLK, N_CLS), lambda i: (i, 0)),
        ],
        out_shape=[
            jax.ShapeDtypeStruct((NPAD, N_CLS), jnp.float32),
            jax.ShapeDtypeStruct((NPAD, N_CLS), jnp.float32),
            jax.ShapeDtypeStruct((NPAD, N_CLS), jnp.float32),
        ],
    )(aggp_r, aggp_k, h1, dinv_r, dinv_k, b1, W2)


def _tc3(aggp_r, aggp_k, h2, dinv_r, dinv_k, b2, Wl, bl):
    grid = NPAD // BLK

    def body(ar_ref, ak_ref, h2_ref, dvr_ref, dvk_ref, b2_ref, wl_ref, bl_ref,
             out_ref):
        dvr = dvr_ref[...]
        dvk = dvk_ref[...]
        h2 = h2_ref[...]
        b2 = b2_ref[...]
        agg_r = ar_ref[0, :, :N_CLS] + ar_ref[1, :, :N_CLS]
        agg_k = ak_ref[0, :, :N_CLS] + ak_ref[1, :, :N_CLS]
        conv_r = dvr * agg_r + (dvr * dvr) * h2 + b2
        conv_k = dvk * agg_k + (dvk * dvk) * h2 + b2
        r2 = jnp.concatenate([conv_r, conv_k], axis=1)
        final = jnp.dot(r2, wl_ref[...], preferred_element_type=jnp.float32)
        final = final + bl_ref[...]
        m = jnp.max(final, axis=1, keepdims=True)
        lse = jnp.log(jnp.sum(jnp.exp(final - m), axis=1, keepdims=True)) + m
        out_ref[...] = final - lse

    return pl.pallas_call(
        body,
        grid=(grid,),
        in_specs=[
            pl.BlockSpec((NC, BLK, 128), lambda i: (0, i, 0)),
            pl.BlockSpec((NC, BLK, 128), lambda i: (0, i, 0)),
            pl.BlockSpec((BLK, N_CLS), lambda i: (i, 0)),
            pl.BlockSpec((BLK, 1), lambda i: (i, 0)),
            pl.BlockSpec((BLK, 1), lambda i: (i, 0)),
            pl.BlockSpec((1, N_CLS), lambda i: (0, 0)),
            pl.BlockSpec((2 * N_CLS, N_CLS), lambda i: (0, 0)),
            pl.BlockSpec((1, N_CLS), lambda i: (0, 0)),
        ],
        out_specs=pl.BlockSpec((BLK, N_CLS), lambda i: (i, 0)),
        out_shape=jax.ShapeDtypeStruct((NPAD, N_CLS), jnp.float32),
    )(aggp_r, aggp_k, h2, dinv_r, dinv_k, b2, Wl, bl)



def kernel(x, edge_index, edge_index_knn, W1, b1, W2, b2, Wl, bl):
    e_r = edge_index.shape[1]
    e_k = edge_index_knn.shape[1]
    ch_r = _n_chunks(e_r)
    ch_k = _n_chunks(e_k)

    src_r = _pad_edges(edge_index[0], ch_r)
    dst_r = _pad_edges(edge_index[1], ch_r)
    src_k = _pad_edges(edge_index_knn[0], ch_k)
    dst_k = _pad_edges(edge_index_knn[1], ch_k)

    x_pad = jnp.zeros((NPAD, N_FEAT), jnp.float32).at[:N_NODES].set(x)
    ones16 = jnp.ones((CHUNK, 16), jnp.float32)
    zeros16 = jnp.zeros((NPAD, 16), jnp.float32)
    zeros_h = jnp.zeros((NPAD, N_HID), jnp.float32)
    zeros_c = jnp.zeros((NPAD, N_CLS), jnp.float32)
    b1r = b1.reshape(1, N_HID)
    b2r = b2.reshape(1, N_CLS)
    blr = bl.reshape(1, N_CLS)

    h1 = _tc0(x_pad, W1)
    degp_r, degp_k = _make_deg_kernel(ch_r, ch_k)(dst_r, dst_k, ones16, zeros16)

    hs1_r, hs1_k, dinv_r, dinv_k = _tc1(h1, degp_r, degp_k)

    agg1 = _make_agg_kernel(N_HID, ch_r, ch_k)
    aggp1_r, aggp1_k = agg1(hs1_r, hs1_k, src_r, dst_r, src_k, dst_k, zeros_h)

    h2, hs2_r, hs2_k = _tc2(aggp1_r, aggp1_k, h1, dinv_r, dinv_k, b1r, W2)

    agg2 = _make_agg_kernel(N_CLS, ch_r, ch_k)
    aggp2_r, aggp2_k = agg2(hs2_r, hs2_k, src_r, dst_r, src_k, dst_k, zeros_c)

    out = _tc3(aggp2_r, aggp2_k, h2, dinv_r, dinv_k, b2r, Wl, blr)
    return out[:N_NODES]

# --- scband reference (transcript-rebuilt; emitter-appended) ---
"""Pipeline reference for scband-gcn0100-20469814133396 (READ-ONLY COPY).

The authoritative reference and input builder live on the scoring server;
editing this copy changes nothing except your own understanding.
"""

import jax, jax.numpy as jnp
import numpy as np

N_NODES = 10000
N_EDGES = 320000
N_FEAT = 128
N_HID = 64
N_CLS = 32
KNN_K = 5


def gcn_conv(x, edge_index, W, b, num_nodes):
    # Faithful PyG GCNConv: add self loops, symmetric normalization, linear transform,
    # message = norm * x_src, scatter-add to dst, then add bias.
    h = x @ W
    src = edge_index[0]
    dst = edge_index[1]
    loop = jnp.arange(num_nodes, dtype=src.dtype)
    src = jnp.concatenate([src, loop])
    dst = jnp.concatenate([dst, loop])
    deg = jnp.zeros((num_nodes,), dtype=h.dtype).at[dst].add(1.0)
    deg_inv_sqrt = jnp.where(deg > 0, 1.0 / jnp.sqrt(deg), 0.0)
    norm = deg_inv_sqrt[src] * deg_inv_sqrt[dst]
    msg = h[src] * norm[:, None]
    out = jnp.zeros_like(h).at[dst].add(msg)
    return out + b


def setup_inputs(seed: int = 0) -> dict:
    key = jax.random.key(seed)
    ks = jax.random.split(key, 10)
    x = jax.random.normal(ks[0], (N_NODES, N_FEAT), dtype=jnp.float32)
    edge_index = jax.random.randint(ks[1], (2, N_EDGES), 0, N_NODES, dtype=jnp.int64 if jax.config.read('jax_enable_x64') else jnp.int32)
    # knn graph: source = arange repeated K times, dst = random neighbors (stand-in for cosine knn)
    src_knn = jnp.repeat(jnp.arange(N_NODES, dtype=edge_index.dtype), KNN_K)
    dst_knn = jax.random.randint(ks[2], (N_NODES * KNN_K,), 0, N_NODES, dtype=edge_index.dtype)
    edge_index_knn = jnp.stack([src_knn, dst_knn], axis=0)
    # parameters (glorot-ish scale)
    W1 = jax.random.normal(ks[3], (N_FEAT, N_HID), dtype=jnp.float32) * (1.0 / np.sqrt(N_FEAT))
    b1 = jnp.zeros((N_HID,), dtype=jnp.float32)
    W2 = jax.random.normal(ks[4], (2 * N_HID, N_CLS), dtype=jnp.float32) * (1.0 / np.sqrt(2 * N_HID))
    b2 = jnp.zeros((N_CLS,), dtype=jnp.float32)
    Wl = jax.random.normal(ks[5], (2 * N_CLS, N_CLS), dtype=jnp.float32) * (1.0 / np.sqrt(2 * N_CLS))
    bl = jnp.zeros((N_CLS,), dtype=jnp.float32)
    return {"x": x, "edge_index": edge_index, "edge_index_knn": edge_index_knn,
            "W1": W1, "b1": b1, "W2": W2, "b2": b2, "Wl": Wl, "bl": bl}


def reference(x, edge_index, edge_index_knn, W1, b1, W2, b2, Wl, bl):
    n = x.shape[0]
    h1 = gcn_conv(x, edge_index, W1, b1, n)
    h1_2 = gcn_conv(x, edge_index_knn, W1, b1, n)
    R1 = jnp.concatenate([h1, h1_2], axis=1)
    # dropout is a no-op in eval mode (training=False)
    R1 = jax.nn.relu(R1)
    h2 = gcn_conv(R1, edge_index, W2, b2, n)
    h2_2 = gcn_conv(R1, edge_index_knn, W2, b2, n)
    R2 = jnp.concatenate([h2, h2_2], axis=1)
    final_h = R2 @ Wl + bl
    return jax.nn.log_softmax(final_h, axis=1)

if __name__ == "__main__":
    import jax
    _d = setup_inputs()
    print(jax.jit(kernel)(*tuple(_d.values())))

</pallas_src>

<mosaic_0001>
#map = affine_map<(d0, d1) -> (0, 0, 0)>
#map1 = affine_map<(d0, d1) -> (0, 0)>
module attributes {stable_mosaic.version = 14 : i64} {
  func.func @deg_kernel(%arg0: i32, %arg1: i32, %arg2: memref<32x80x128xi32, #tpu.memory_space<hbm>>, %arg3: memref<32x16x128xi32, #tpu.memory_space<hbm>>, %arg4: memref<128x16xf32, #tpu.memory_space<hbm>>, %arg5: memref<10240x16xf32, #tpu.memory_space<hbm>>, %arg6: memref<2x10240x128xf32, #tpu.memory_space<hbm>>, %arg7: memref<2x10240x128xf32, #tpu.memory_space<hbm>>, %arg8: memref<80x128xi32, #tpu.memory_space<vmem>>, %arg9: memref<16x128xi32, #tpu.memory_space<vmem>>, %arg10: memref<128x16xf32, #tpu.memory_space<vmem>>, %arg11: memref<10240x16xf32, #tpu.memory_space<vmem_shared>>, %arg12: memref<10240x16xf32, #tpu.memory_space<vmem_shared>>) attributes {dimension_semantics = [#tpu.dimension_semantics<core_parallel>, #tpu.dimension_semantics<subcore_parallel>], iteration_bounds = array<i64: 2, 16>, scalar_prefetch = 0 : i64, scratch_operands = 5 : i64, tpu.core_type = #tpu.core_type<sc_vector_subcore>, window_params = [{transform_indices = #map}, {transform_indices = #map}, {transform_indices = #map1}, {transform_indices = #map1}, {transform_indices = #map}, {transform_indices = #map}]} {
    %mul3A = arith.constant 2 : i32
    %mul3A_0 = arith.muli %arg1, %mul3A : i32
    %add3A = arith.addi %mul3A_0, %arg0 : i32
    %mul3A_1 = arith.constant 640 : i32
    %mul3A_2 = arith.muli %arg1, %mul3A_1 : i32
    "tpu.region"() ({
      %run_scoped3A = tpu.sem_alloc : memref<!tpu.dma_semaphore, #tpu.memory_space<semaphore_mem>>
      %dma_start3A = arith.constant 0 : i32
      %dma_start3A_15 = tpu.memref_slice %arg11[%mul3A_2, %dma_start3A] : memref<10240x16xf32, #tpu.memory_space<vmem_shared>> -> memref<640x16xf32, #tpu.memory_space<vmem_shared>>
      %dma_start3A_16 = arith.constant 0 : i32
      %dma_start3A_17 = tpu.memref_slice %arg5[%mul3A_2, %dma_start3A_16] : memref<10240x16xf32, #tpu.memory_space<hbm>> -> memref<640x16xf32, #tpu.memory_space<hbm>>
      tpu.enqueue_dma source(%dma_start3A_17 : memref<640x16xf32, #tpu.memory_space<hbm>>) target(%dma_start3A_15 : memref<640x16xf32, #tpu.memory_space<vmem_shared>>) target_semaphore(%run_scoped3A : memref<!tpu.dma_semaphore, #tpu.memory_space<semaphore_mem>>)
      %dma_wait3A = arith.constant 0 : i32
      %dma_wait3A_18 = tpu.memref_slice %arg11[%mul3A_2, %dma_wait3A] : memref<10240x16xf32, #tpu.memory_space<vmem_shared>> -> memref<640x16xf32, #tpu.memory_space<vmem_shared>>
      %dma_wait3A_19 = arith.constant 0 : i32
      %dma_wait3A_20 = tpu.memref_slice %arg5[%mul3A_2, %dma_wait3A_19] : memref<10240x16xf32, #tpu.memory_space<hbm>> -> memref<640x16xf32, #tpu.memory_space<hbm>>
      tpu.wait_dma2 semaphore(%run_scoped3A : memref<!tpu.dma_semaphore, #tpu.memory_space<semaphore_mem>>) src(%dma_wait3A_20 : memref<640x16xf32, #tpu.memory_space<hbm>>) dst(%dma_wait3A_18 : memref<640x16xf32, #tpu.memory_space<vmem_shared>>)
      tpu.yield
    }) : () -> ()
    "tpu.region"() ({
      %run_scoped3A = tpu.sem_alloc : memref<!tpu.dma_semaphore, #tpu.memory_space<semaphore_mem>>
      %dma_start3A = arith.constant 0 : i32
      %dma_start3A_15 = tpu.memref_slice %arg12[%mul3A_2, %dma_start3A] : memref<10240x16xf32, #tpu.memory_space<vmem_shared>> -> memref<640x16xf32, #tpu.memory_space<vmem_shared>>
      %dma_start3A_16 = arith.constant 0 : i32
      %dma_start3A_17 = tpu.memref_slice %arg5[%mul3A_2, %dma_start3A_16] : memref<10240x16xf32, #tpu.memory_space<hbm>> -> memref<640x16xf32, #tpu.memory_space<hbm>>
      tpu.enqueue_dma source(%dma_start3A_17 : memref<640x16xf32, #tpu.memory_space<hbm>>) target(%dma_start3A_15 : memref<640x16xf32, #tpu.memory_space<vmem_shared>>) target_semaphore(%run_scoped3A : memref<!tpu.dma_semaphore, #tpu.memory_space<semaphore_mem>>)
      %dma_wait3A = arith.constant 0 : i32
      %dma_wait3A_18 = tpu.memref_slice %arg12[%mul3A_2, %dma_wait3A] : memref<10240x16xf32, #tpu.memory_space<vmem_shared>> -> memref<640x16xf32, #tpu.memory_space<vmem_shared>>
      %dma_wait3A_19 = arith.constant 0 : i32
      %dma_wait3A_20 = tpu.memref_slice %arg5[%mul3A_2, %dma_wait3A_19] : memref<10240x16xf32, #tpu.memory_space<hbm>> -> memref<640x16xf32, #tpu.memory_space<hbm>>
      tpu.wait_dma2 semaphore(%run_scoped3A : memref<!tpu.dma_semaphore, #tpu.memory_space<semaphore_mem>>) src(%dma_wait3A_20 : memref<640x16xf32, #tpu.memory_space<hbm>>) dst(%dma_wait3A_18 : memref<640x16xf32, #tpu.memory_space<vmem_shared>>)
      tpu.yield
    }) : () -> ()
    "tpu.region"() ({
      %run_scoped3A = tpu.sem_alloc : memref<!tpu.dma_semaphore, #tpu.memory_space<semaphore_mem>>
      %dma_start3A = arith.constant 0 : i32
      %dma_start3A_15 = arith.constant 0 : i32
      %dma_start3A_16 = tpu.memref_slice %arg2[%add3A, %dma_start3A, %dma_start3A_15] : memref<32x80x128xi32, #tpu.memory_space<hbm>> -> memref<1x80x128xi32, #tpu.memory_space<hbm>>
      %dma_start3A_17 = tpu.memref_squeeze %dma_start3A_16 : memref<1x80x128xi32, #tpu.memory_space<hbm>> -> memref<80x128xi32, #tpu.memory_space<hbm>>
      %dma_start3A_18 = arith.constant 0 : i32
      %dma_start3A_19 = arith.constant 0 : i32
      %dma_start3A_20 = tpu.memref_slice %arg2[%add3A, %dma_start3A_18, %dma_start3A_19] : memref<32x80x128xi32, #tpu.memory_space<hbm>> -> memref<1x80x128xi32, #tpu.memory_space<hbm>>
      %dma_start3A_21 = tpu.memref_squeeze %dma_start3A_20 : memref<1x80x128xi32, #tpu.memory_space<hbm>> -> memref<80x128xi32, #tpu.memory_space<hbm>>
      tpu.enqueue_dma source(%dma_start3A_21 : memref<80x128xi32, #tpu.memory_space<hbm>>) target(%arg8 : memref<80x128xi32, #tpu.memory_space<vmem>>) target_semaphore(%run_scoped3A : memref<!tpu.dma_semaphore, #tpu.memory_space<semaphore_mem>>)
      %dma_wait3A = arith.constant 0 : i32
      %dma_wait3A_22 = arith.constant 0 : i32
      %dma_wait3A_23 = tpu.memref_slice %arg2[%add3A, %dma_wait3A, %dma_wait3A_22] : memref<32x80x128xi32, #tpu.memory_space<hbm>> -> memref<1x80x128xi32, #tpu.memory_space<hbm>>
      %dma_wait3A_24 = tpu.memref_squeeze %dma_wait3A_23 : memref<1x80x128xi32, #tpu.memory_space<hbm>> -> memref<80x128xi32, #tpu.memory_space<hbm>>
      %dma_wait3A_25 = arith.constant 0 : i32
      %dma_wait3A_26 = arith.constant 0 : i32
      %dma_wait3A_27 = tpu.memref_slice %arg2[%add3A, %dma_wait3A_25, %dma_wait3A_26] : memref<32x80x128xi32, #tpu.memory_space<hbm>> -> memref<1x80x128xi32, #tpu.memory_space<hbm>>
      %dma_wait3A_28 = tpu.memref_squeeze %dma_wait3A_27 : memref<1x80x128xi32, #tpu.memory_space<hbm>> -> memref<80x128xi32, #tpu.memory_space<hbm>>
      tpu.wait_dma2 semaphore(%run_scoped3A : memref<!tpu.dma_semaphore, #tpu.memory_space<semaphore_mem>>) src(%dma_wait3A_28 : memref<80x128xi32, #tpu.memory_space<hbm>>) dst(%arg8 : memref<80x128xi32, #tpu.memory_space<vmem>>)
      tpu.yield
    }) : () -> ()
    "tpu.region"() ({
      %run_scoped3A = tpu.sem_alloc : memref<!tpu.dma_semaphore, #tpu.memory_space<semaphore_mem>>
      %dma_start3A = arith.constant 0 : i32
      %dma_start3A_15 = arith.constant 0 : i32
      %dma_start3A_16 = tpu.memref_slice %arg3[%add3A, %dma_start3A, %dma_start3A_15] : memref<32x16x128xi32, #tpu.memory_space<hbm>> -> memref<1x16x128xi32, #tpu.memory_space<hbm>>
      %dma_start3A_17 = tpu.memref_squeeze %dma_start3A_16 : memref<1x16x128xi32, #tpu.memory_space<hbm>> -> memref<16x128xi32, #tpu.memory_space<hbm>>
      %dma_start3A_18 = arith.constant 0 : i32
      %dma_start3A_19 = arith.constant 0 : i32
      %dma_start3A_20 = tpu.memref_slice %arg3[%add3A, %dma_start3A_18, %dma_start3A_19] : memref<32x16x128xi32, #tpu.memory_space<hbm>> -> memref<1x16x128xi32, #tpu.memory_space<hbm>>
      %dma_start3A_21 = tpu.memref_squeeze %dma_start3A_20 : memref<1x16x128xi32, #tpu.memory_space<hbm>> -> memref<16x128xi32, #tpu.memory_space<hbm>>
      tpu.enqueue_dma source(%dma_start3A_21 : memref<16x128xi32, #tpu.memory_space<hbm>>) target(%arg9 : memref<16x128xi32, #tpu.memory_space<vmem>>) target_semaphore(%run_scoped3A : memref<!tpu.dma_semaphore, #tpu.memory_space<semaphore_mem>>)
      %dma_wait3A = arith.constant 0 : i32
      %dma_wait3A_22 = arith.constant 0 : i32
      %dma_wait3A_23 = tpu.memref_slice %arg3[%add3A, %dma_wait3A, %dma_wait3A_22] : memref<32x16x128xi32, #tpu.memory_space<hbm>> -> memref<1x16x128xi32, #tpu.memory_space<hbm>>
      %dma_wait3A_24 = tpu.memref_squeeze %dma_wait3A_23 : memref<1x16x128xi32, #tpu.memory_space<hbm>> -> memref<16x128xi32, #tpu.memory_space<hbm>>
      %dma_wait3A_25 = arith.constant 0 : i32
      %dma_wait3A_26 = arith.constant 0 : i32
      %dma_wait3A_27 = tpu.memref_slice %arg3[%add3A, %dma_wait3A_25, %dma_wait3A_26] : memref<32x16x128xi32, #tpu.memory_space<hbm>> -> memref<1x16x128xi32, #tpu.memory_space<hbm>>
      %dma_wait3A_28 = tpu.memref_squeeze %dma_wait3A_27 : memref<1x16x128xi32, #tpu.memory_space<hbm>> -> memref<16x128xi32, #tpu.memory_space<hbm>>
      tpu.wait_dma2 semaphore(%run_scoped3A : memref<!tpu.dma_semaphore, #tpu.memory_space<semaphore_mem>>) src(%dma_wait3A_28 : memref<16x128xi32, #tpu.memory_space<hbm>>) dst(%arg9 : memref<16x128xi32, #tpu.memory_space<vmem>>)
      tpu.yield
    }) : () -> ()
    "tpu.region"() ({
      %run_scoped3A = tpu.sem_alloc : memref<!tpu.dma_semaphore, #tpu.memory_space<semaphore_mem>>
      tpu.enqueue_dma source(%arg4 : memref<128x16xf32, #tpu.memory_space<hbm>>) target(%arg10 : memref<128x16xf32, #tpu.memory_space<vmem>>) target_semaphore(%run_scoped3A : memref<!tpu.dma_semaphore, #tpu.memory_space<semaphore_mem>>)
      tpu.wait_dma2 semaphore(%run_scoped3A : memref<!tpu.dma_semaphore, #tpu.memory_space<semaphore_mem>>) src(%arg4 : memref<128x16xf32, #tpu.memory_space<hbm>>) dst(%arg10 : memref<128x16xf32, #tpu.memory_space<vmem>>)
      tpu.yield
    }) : () -> ()
    %barrier3A = arith.constant 0 : index
    tpu.barrier barrier_id(%barrier3A)
    %scan3A = arith.constant 0 : i32
    %scan3A_3 = arith.constant 0 : i32
    %scan3A_4 = arith.constant 80 : i32
    %scan3A_5 = arith.addi %scan3A_3, %scan3A_4 : i32
    %scan3A_6 = arith.constant 1 : i32
    scf.for %scan3A_15 = %scan3A_3 to %scan3A_5 step %scan3A_6  : i32 {
      "tpu.region"() ({
        %run_scoped3A = tpu.sem_alloc : memref<!tpu.dma_semaphore, #tpu.memory_space<semaphore_mem>>
        %dma_start3A = arith.constant 0 : i32
        %dma_start3A_16 = tpu.memref_slice %arg8[%scan3A_15, %dma_start3A] : memref<80x128xi32, #tpu.memory_space<vmem>> -> memref<1x128xi32, #tpu.memory_space<vmem>>
        %dma_start3A_17 = tpu.memref_squeeze %dma_start3A_16 : memref<1x128xi32, #tpu.memory_space<vmem>> -> memref<128xi32, #tpu.memory_space<vmem>>
        %dma_start3A_18 = arith.constant 0 : i32
        %dma_start3A_19 = arith.constant 0 : i32
        %dma_start3A_20 = tpu.memref_slice %arg11[%dma_start3A_18, %dma_start3A_19] : memref<10240x16xf32, #tpu.memory_space<vmem_shared>> -> memref<10240x16xf32, #tpu.memory_space<vmem_shared>>
        tpu.enqueue_indirect_dma source(%arg10 : memref<128x16xf32, #tpu.memory_space<vmem>>) target(%dma_start3A_20 : memref<10240x16xf32, #tpu.memory_space<vmem_shared>>) offsets(%dma_start3A_17 : memref<128xi32, #tpu.memory_space<vmem>>) semaphore(%run_scoped3A : memref<!tpu.dma_semaphore, #tpu.memory_space<semaphore_mem>>) {add = true}
        %dma_wait3A = arith.constant 0 : i32
        %dma_wait3A_21 = tpu.memref_slice %arg8[%scan3A_15, %dma_wait3A] : memref<80x128xi32, #tpu.memory_space<vmem>> -> memref<1x128xi32, #tpu.memory_space<vmem>>
        %dma_wait3A_22 = tpu.memref_squeeze %dma_wait3A_21 : memref<1x128xi32, #tpu.memory_space<vmem>> -> memref<128xi32, #tpu.memory_space<vmem>>
        %dma_wait3A_23 = arith.constant 0 : i32
        %dma_wait3A_24 = arith.constant 0 : i32
        %dma_wait3A_25 = tpu.memref_slice %arg11[%dma_wait3A_23, %dma_wait3A_24] : memref<10240x16xf32, #tpu.memory_space<vmem_shared>> -> memref<10240x16xf32, #tpu.memory_space<vmem_shared>>
        tpu.wait_indirect_dma semaphore(%run_scoped3A : memref<!tpu.dma_semaphore, #tpu.memory_space<semaphore_mem>>) src(%arg10 : memref<128x16xf32, #tpu.memory_space<vmem>>) dst(%dma_wait3A_25 : memref<10240x16xf32, #tpu.memory_space<vmem_shared>>)
        tpu.yield
      }) : () -> ()
    }
    %scan3A_7 = arith.constant 80 : i32
    %scan3A_8 = arith.constant 0 : i32
    %scan3A_9 = arith.constant 0 : i32
    %scan3A_10 = arith.constant 16 : i32
    %scan3A_11 = arith.addi %scan3A_9, %scan3A_10 : i32
    %scan3A_12 = arith.constant 1 : i32
    scf.for %scan3A_15 = %scan3A_9 to %scan3A_11 step %scan3A_12  : i32 {
      "tpu.region"() ({
        %run_scoped3A = tpu.sem_alloc : memref<!tpu.dma_semaphore, #tpu.memory_space<semaphore_mem>>
        %dma_start3A = arith.constant 0 : i32
        %dma_start3A_16 = tpu.memref_slice %arg9[%scan3A_15, %dma_start3A] : memref<16x128xi32, #tpu.memory_space<vmem>> -> memref<1x128xi32, #tpu.memory_space<vmem>>
        %dma_start3A_17 = tpu.memref_squeeze %dma_start3A_16 : memref<1x128xi32, #tpu.memory_space<vmem>> -> memref<128xi32, #tpu.memory_space<vmem>>
        %dma_start3A_18 = arith.constant 0 : i32
        %dma_start3A_19 = arith.constant 0 : i32
        %dma_start3A_20 = tpu.memref_slice %arg12[%dma_start3A_18, %dma_start3A_19] : memref<10240x16xf32, #tpu.memory_space<vmem_shared>> -> memref<10240x16xf32, #tpu.memory_space<vmem_shared>>
        tpu.enqueue_indirect_dma source(%arg10 : memref<128x16xf32, #tpu.memory_space<vmem>>) target(%dma_start3A_20 : memref<10240x16xf32, #tpu.memory_space<vmem_shared>>) offsets(%dma_start3A_17 : memref<128xi32, #tpu.memory_space<vmem>>) semaphore(%run_scoped3A : memref<!tpu.dma_semaphore, #tpu.memory_space<semaphore_mem>>) {add = true}
        %dma_wait3A = arith.constant 0 : i32
        %dma_wait3A_21 = tpu.memref_slice %arg9[%scan3A_15, %dma_wait3A] : memref<16x128xi32, #tpu.memory_space<vmem>> -> memref<1x128xi32, #tpu.memory_space<vmem>>
        %dma_wait3A_22 = tpu.memref_squeeze %dma_wait3A_21 : memref<1x128xi32, #tpu.memory_space<vmem>> -> memref<128xi32, #tpu.memory_space<vmem>>
        %dma_wait3A_23 = arith.constant 0 : i32
        %dma_wait3A_24 = arith.constant 0 : i32
        %dma_wait3A_25 = tpu.memref_slice %arg12[%dma_wait3A_23, %dma_wait3A_24] : memref<10240x16xf32, #tpu.memory_space<vmem_shared>> -> memref<10240x16xf32, #tpu.memory_space<vmem_shared>>
        tpu.wait_indirect_dma semaphore(%run_scoped3A : memref<!tpu.dma_semaphore, #tpu.memory_space<semaphore_mem>>) src(%arg10 : memref<128x16xf32, #tpu.memory_space<vmem>>) dst(%dma_wait3A_25 : memref<10240x16xf32, #tpu.memory_space<vmem_shared>>)
        tpu.yield
      }) : () -> ()
    }
    %scan3A_13 = arith.constant 16 : i32
    %barrier3A_14 = arith.constant 0 : index
    tpu.barrier barrier_id(%barrier3A_14)
    "tpu.region"() ({
      %run_scoped3A = tpu.sem_alloc : memref<!tpu.dma_semaphore, #tpu.memory_space<semaphore_mem>>
      %dma_start3A = arith.constant 0 : i32
      %dma_start3A_15 = arith.constant 0 : i32
      %dma_start3A_16 = tpu.memref_slice %arg6[%arg0, %dma_start3A, %dma_start3A_15] : memref<2x10240x128xf32, #tpu.memory_space<hbm>> -> memref<1x10240x128xf32, #tpu.memory_space<hbm>>
      %dma_start3A_17 = tpu.memref_squeeze %dma_start3A_16 : memref<1x10240x128xf32, #tpu.memory_space<hbm>> -> memref<10240x128xf32, #tpu.memory_space<hbm>>
      %dma_start3A_18 = arith.constant 0 : i32
      %dma_start3A_19 = tpu.memref_slice %dma_start3A_17[%mul3A_2, %dma_start3A_18] : memref<10240x128xf32, #tpu.memory_space<hbm>> -> memref<640x16xf32, #tpu.memory_space<hbm>>
      %dma_start3A_20 = arith.constant 0 : i32
      %dma_start3A_21 = tpu.memref_slice %arg11[%mul3A_2, %dma_start3A_20] : memref<10240x16xf32, #tpu.memory_space<vmem_shared>> -> memref<640x16xf32, #tpu.memory_space<vmem_shared>>
      tpu.enqueue_dma source(%dma_start3A_21 : memref<640x16xf32, #tpu.memory_space<vmem_shared>>) target(%dma_start3A_19 : memref<640x16xf32, #tpu.memory_space<hbm>>) target_semaphore(%run_scoped3A : memref<!tpu.dma_semaphore, #tpu.memory_space<semaphore_mem>>)
      %dma_wait3A = arith.constant 0 : i32
      %dma_wait3A_22 = arith.constant 0 : i32
      %dma_wait3A_23 = tpu.memref_slice %arg6[%arg0, %dma_wait3A, %dma_wait3A_22] : memref<2x10240x128xf32, #tpu.memory_space<hbm>> -> memref<1x10240x128xf32, #tpu.memory_space<hbm>>
      %dma_wait3A_24 = tpu.memref_squeeze %dma_wait3A_23 : memref<1x10240x128xf32, #tpu.memory_space<hbm>> -> memref<10240x128xf32, #tpu.memory_space<hbm>>
      %dma_wait3A_25 = arith.constant 0 : i32
      %dma_wait3A_26 = tpu.memref_slice %dma_wait3A_24[%mul3A_2, %dma_wait3A_25] : memref<10240x128xf32, #tpu.memory_space<hbm>> -> memref<640x16xf32, #tpu.memory_space<hbm>>
      %dma_wait3A_27 = arith.constant 0 : i32
      %dma_wait3A_28 = tpu.memref_slice %arg11[%mul3A_2, %dma_wait3A_27] : memref<10240x16xf32, #tpu.memory_space<vmem_shared>> -> memref<640x16xf32, #tpu.memory_space<vmem_shared>>
      tpu.wait_dma2 semaphore(%run_scoped3A : memref<!tpu.dma_semaphore, #tpu.memory_space<semaphore_mem>>) src(%dma_wait3A_28 : memref<640x16xf32, #tpu.memory_space<vmem_shared>>) dst(%dma_wait3A_26 : memref<640x16xf32, #tpu.memory_space<hbm>>)
      tpu.yield
    }) : () -> ()
    "tpu.region"() ({
      %run_scoped3A = tpu.sem_alloc : memref<!tpu.dma_semaphore, #tpu.memory_space<semaphore_mem>>
      %dma_start3A = arith.constant 0 : i32
      %dma_start3A_15 = arith.constant 0 : i32
      %dma_start3A_16 = tpu.memref_slice %arg7[%arg0, %dma_start3A, %dma_start3A_15] : memref<2x10240x128xf32, #tpu.memory_space<hbm>> -> memref<1x10240x128xf32, #tpu.memory_space<hbm>>
      %dma_start3A_17 = tpu.memref_squeeze %dma_start3A_16 : memref<1x10240x128xf32, #tpu.memory_space<hbm>> -> memref<10240x128xf32, #tpu.memory_space<hbm>>
      %dma_start3A_18 = arith.constant 0 : i32
      %dma_start3A_19 = tpu.memref_slice %dma_start3A_17[%mul3A_2, %dma_start3A_18] : memref<10240x128xf32, #tpu.memory_space<hbm>> -> memref<640x16xf32, #tpu.memory_space<hbm>>
      %dma_start3A_20 = arith.constant 0 : i32
      %dma_start3A_21 = tpu.memref_slice %arg12[%mul3A_2, %dma_start3A_20] : memref<10240x16xf32, #tpu.memory_space<vmem_shared>> -> memref<640x16xf32, #tpu.memory_space<vmem_shared>>
      tpu.enqueue_dma source(%dma_start3A_21 : memref<640x16xf32, #tpu.memory_space<vmem_shared>>) target(%dma_start3A_19 : memref<640x16xf32, #tpu.memory_space<hbm>>) target_semaphore(%run_scoped3A : memref<!tpu.dma_semaphore, #tpu.memory_space<semaphore_mem>>)
      %dma_wait3A = arith.constant 0 : i32
      %dma_wait3A_22 = arith.constant 0 : i32
      %dma_wait3A_23 = tpu.memref_slice %arg7[%arg0, %dma_wait3A, %dma_wait3A_22] : memref<2x10240x128xf32, #tpu.memory_space<hbm>> -> memref<1x10240x128xf32, #tpu.memory_space<hbm>>
      %dma_wait3A_24 = tpu.memref_squeeze %dma_wait3A_23 : memref<1x10240x128xf32, #tpu.memory_space<hbm>> -> memref<10240x128xf32, #tpu.memory_space<hbm>>
      %dma_wait3A_25 = arith.constant 0 : i32
      %dma_wait3A_26 = tpu.memref_slice %dma_wait3A_24[%mul3A_2, %dma_wait3A_25] : memref<10240x128xf32, #tpu.memory_space<hbm>> -> memref<640x16xf32, #tpu.memory_space<hbm>>
      %dma_wait3A_27 = arith.constant 0 : i32
      %dma_wait3A_28 = tpu.memref_slice %arg12[%mul3A_2, %dma_wait3A_27] : memref<10240x16xf32, #tpu.memory_space<vmem_shared>> -> memref<640x16xf32, #tpu.memory_space<vmem_shared>>
      tpu.wait_dma2 semaphore(%run_scoped3A : memref<!tpu.dma_semaphore, #tpu.memory_space<semaphore_mem>>) src(%dma_wait3A_28 : memref<640x16xf32, #tpu.memory_space<vmem_shared>>) dst(%dma_wait3A_26 : memref<640x16xf32, #tpu.memory_space<hbm>>)
      tpu.yield
    }) : () -> ()
    return
  }
}

#map = affine_map<(d0, d1) -> (0, 0)>
#map1 = affine_map<(d0, d1) -> (0, 0, 0)>
module attributes {stable_mosaic.version = 14 : i64} {
  func.func @agg_kernel(%arg0: i32, %arg1: i32, %arg2: memref<10240x64xf32, #tpu.memory_space<hbm>>, %arg3: memref<10240x64xf32, #tpu.memory_space<hbm>>, %arg4: memref<32x80x128xi32, #tpu.memory_space<hbm>>, %arg5: memref<32x80x128xi32, #tpu.memory_space<hbm>>, %arg6: memref<32x16x128xi32, #tpu.memory_space<hbm>>, %arg7: memref<32x16x128xi32, #tpu.memory_space<hbm>>, %arg8: memref<10240x64xf32, #tpu.memory_space<hbm>>, %arg9: memref<2x10240x128xf32, #tpu.memory_space<hbm>>, %arg10: memref<2x10240x128xf32, #tpu.memory_space<hbm>>, %arg11: memref<80x128xi32, #tpu.memory_space<vmem>>, %arg12: memref<80x128xi32, #tpu.memory_space<vmem>>, %arg13: memref<16x128xi32, #tpu.memory_space<vmem>>, %arg14: memref<16x128xi32, #tpu.memory_space<vmem>>, %arg15: memref<128x64xf32, #tpu.memory_space<vmem>>, %arg16: memref<128x64xf32, #tpu.memory_space<vmem>>, %arg17: memref<128x64xf32, #tpu.memory_space<vmem>>, %arg18: memref<128x64xf32, #tpu.memory_space<vmem>>, %arg19: memref<10240x64xf32, #tpu.memory_space<vmem_shared>>, %arg20: memref<!tpu.dma_semaphore, #tpu.memory_space<semaphore_mem>>, %arg21: memref<!tpu.dma_semaphore, #tpu.memory_space<semaphore_mem>>, %arg22: memref<!tpu.dma_semaphore, #tpu.memory_space<semaphore_mem>>, %arg23: memref<!tpu.dma_semaphore, #tpu.memory_space<semaphore_mem>>, %arg24: memref<!tpu.dma_semaphore, #tpu.memory_space<semaphore_mem>>, %arg25: memref<!tpu.dma_semaphore, #tpu.memory_space<semaphore_mem>>, %arg26: memref<!tpu.dma_semaphore, #tpu.memory_space<semaphore_mem>>, %arg27: memref<!tpu.dma_semaphore, #tpu.memory_space<semaphore_mem>>) attributes {dimension_semantics = [#tpu.dimension_semantics<core_parallel>, #tpu.dimension_semantics<subcore_parallel>], iteration_bounds = array<i64: 2, 16>, scalar_prefetch = 0 : i64, scratch_operands = 17 : i64, tpu.core_type = #tpu.core_type<sc_vector_subcore>, window_params = [{transform_indices = #map}, {transform_indices = #map}, {transform_indices = #map1}, {transform_indices = #map1}, {transform_indices = #map1}, {transform_indices = #map1}, {transform_indices = #map}, {transform_indices = #map1}, {transform_indices = #map1}]} {
    %mul3A = arith.constant 2 : i32
    %mul3A_0 = arith.muli %arg1, %mul3A : i32
    %add3A = arith.addi %mul3A_0, %arg0 : i32
    %mul3A_1 = arith.constant 640 : i32
    %mul3A_2 = arith.muli %arg1, %mul3A_1 : i32
    "tpu.region"() ({
      %run_scoped3A = tpu.sem_alloc : memref<!tpu.dma_semaphore, #tpu.memory_space<semaphore_mem>>
      %dma_start3A_71 = arith.constant 0 : i32
      %dma_start3A_72 = tpu.memref_slice %arg19[%mul3A_2, %dma_start3A_71] : memref<10240x64xf32, #tpu.memory_space<vmem_shared>> -> memref<640x64xf32, #tpu.memory_space<vmem_shared>>
      %dma_start3A_73 = arith.constant 0 : i32
      %dma_start3A_74 = tpu.memref_slice %arg8[%mul3A_2, %dma_start3A_73] : memref<10240x64xf32, #tpu.memory_space<hbm>> -> memref<640x64xf32, #tpu.memory_space<hbm>>
      tpu.enqueue_dma source(%dma_start3A_74 : memref<640x64xf32, #tpu.memory_space<hbm>>) target(%dma_start3A_72 : memref<640x64xf32, #tpu.memory_space<vmem_shared>>) target_semaphore(%run_scoped3A : memref<!tpu.dma_semaphore, #tpu.memory_space<semaphore_mem>>)
      %dma_wait3A_75 = arith.constant 0 : i32
      %dma_wait3A_76 = tpu.memref_slice %arg19[%mul3A_2, %dma_wait3A_75] : memref<10240x64xf32, #tpu.memory_space<vmem_shared>> -> memref<640x64xf32, #tpu.memory_space<vmem_shared>>
      %dma_wait3A_77 = arith.constant 0 : i32
      %dma_wait3A_78 = tpu.memref_slice %arg8[%mul3A_2, %dma_wait3A_77] : memref<10240x64xf32, #tpu.memory_space<hbm>> -> memref<640x64xf32, #tpu.memory_space<hbm>>
      tpu.wait_dma2 semaphore(%run_scoped3A : memref<!tpu.dma_semaphore, #tpu.memory_space<semaphore_mem>>) src(%dma_wait3A_78 : memref<640x64xf32, #tpu.memory_space<hbm>>) dst(%dma_wait3A_76 : memref<640x64xf32, #tpu.memory_space<vmem_shared>>)
      tpu.yield
    }) : () -> ()
    "tpu.region"() ({
      %run_scoped3A = tpu.sem_alloc : memref<!tpu.dma_semaphore, #tpu.memory_space<semaphore_mem>>
      %dma_start3A_71 = arith.constant 0 : i32
      %dma_start3A_72 = arith.constant 0 : i32
      %dma_start3A_73 = tpu.memref_slice %arg4[%add3A, %dma_start3A_71, %dma_start3A_72] : memref<32x80x128xi32, #tpu.memory_space<hbm>> -> memref<1x80x128xi32, #tpu.memory_space<hbm>>
      %dma_start3A_74 = tpu.memref_squeeze %dma_start3A_73 : memref<1x80x128xi32, #tpu.memory_space<hbm>> -> memref<80x128xi32, #tpu.memory_space<hbm>>
      %dma_start3A_75 = arith.constant 0 : i32
      %dma_start3A_76 = arith.constant 0 : i32
      %dma_start3A_77 = tpu.memref_slice %arg4[%add3A, %dma_start3A_75, %dma_start3A_76] : memref<32x80x128xi32, #tpu.memory_space<hbm>> -> memref<1x80x128xi32, #tpu.memory_space<hbm>>
      %dma_start3A_78 = tpu.memref_squeeze %dma_start3A_77 : memref<1x80x128xi32, #tpu.memory_space<hbm>> -> memref<80x128xi32, #tpu.memory_space<hbm>>
      tpu.enqueue_dma source(%dma_start3A_78 : memref<80x128xi32, #tpu.memory_space<hbm>>) target(%arg11 : memref<80x128xi32, #tpu.memory_space<vmem>>) target_semaphore(%run_scoped3A : memref<!tpu.dma_semaphore, #tpu.memory_space<semaphore_mem>>)
      %dma_wait3A_79 = arith.constant 0 : i32
      %dma_wait3A_80 = arith.constant 0 : i32
      %dma_wait3A_81 = tpu.memref_slice %arg4[%add3A, %dma_wait3A_79, %dma_wait3A_80] : memref<32x80x128xi32, #tpu.memory_space<hbm>> -> memref<1x80x128xi32, #tpu.memory_space<hbm>>
      %dma_wait3A_82 = tpu.memref_squeeze %dma_wait3A_81 : memref<1x80x128xi32, #tpu.memory_space<hbm>> -> memref<80x128xi32, #tpu.memory_space<hbm>>
      %dma_wait3A_83 = arith.constant 0 : i32
      %dma_wait3A_84 = arith.constant 0 : i32
      %dma_wait3A_85 = tpu.memref_slice %arg4[%add3A, %dma_wait3A_83, %dma_wait3A_84] : memref<32x80x128xi32, #tpu.memory_space<hbm>> -> memref<1x80x128xi32, #tpu.memory_space<hbm>>
      %dma_wait3A_86 = tpu.memref_squeeze %dma_wait3A_85 : memref<1x80x128xi32, #tpu.memory_space<hbm>> -> memref<80x128xi32, #tpu.memory_space<hbm>>
      tpu.wait_dma2 semaphore(%run_scoped3A : memref<!tpu.dma_semaphore, #tpu.memory_space<semaphore_mem>>) src(%dma_wait3A_86 : memref<80x128xi32, #tpu.memory_space<hbm>>) dst(%arg11 : memref<80x128xi32, #tpu.memory_space<vmem>>)
      tpu.yield
    }) : () -> ()
    "tpu.region"() ({
      %run_scoped3A = tpu.sem_alloc : memref<!tpu.dma_semaphore, #tpu.memory_space<semaphore_mem>>
      %dma_start3A_71 = arith.constant 0 : i32
      %dma_start3A_72 = arith.constant 0 : i32
      %dma_start3A_73 = tpu.memref_slice %arg5[%add3A, %dma_start3A_71, %dma_start3A_72] : memref<32x80x128xi32, #tpu.memory_space<hbm>> -> memref<1x80x128xi32, #tpu.memory_space<hbm>>
      %dma_start3A_74 = tpu.memref_squeeze %dma_start3A_73 : memref<1x80x128xi32, #tpu.memory_space<hbm>> -> memref<80x128xi32, #tpu.memory_space<hbm>>
      %dma_start3A_75 = arith.constant 0 : i32
      %dma_start3A_76 = arith.constant 0 : i32
      %dma_start3A_77 = tpu.memref_slice %arg5[%add3A, %dma_start3A_75, %dma_start3A_76] : memref<32x80x128xi32, #tpu.memory_space<hbm>> -> memref<1x80x128xi32, #tpu.memory_space<hbm>>
      %dma_start3A_78 = tpu.memref_squeeze %dma_start3A_77 : memref<1x80x128xi32, #tpu.memory_space<hbm>> -> memref<80x128xi32, #tpu.memory_space<hbm>>
      tpu.enqueue_dma source(%dma_start3A_78 : memref<80x128xi32, #tpu.memory_space<hbm>>) target(%arg12 : memref<80x128xi32, #tpu.memory_space<vmem>>) target_semaphore(%run_scoped3A : memref<!tpu.dma_semaphore, #tpu.memory_space<semaphore_mem>>)
      %dma_wait3A_79 = arith.constant 0 : i32
      %dma_wait3A_80 = arith.constant 0 : i32
      %dma_wait3A_81 = tpu.memref_slice %arg5[%add3A, %dma_wait3A_79, %dma_wait3A_80] : memref<32x80x128xi32, #tpu.memory_space<hbm>> -> memref<1x80x128xi32, #tpu.memory_space<hbm>>
      %dma_wait3A_82 = tpu.memref_squeeze %dma_wait3A_81 : memref<1x80x128xi32, #tpu.memory_space<hbm>> -> memref<80x128xi32, #tpu.memory_space<hbm>>
      %dma_wait3A_83 = arith.constant 0 : i32
      %dma_wait3A_84 = arith.constant 0 : i32
      %dma_wait3A_85 = tpu.memref_slice %arg5[%add3A, %dma_wait3A_83, %dma_wait3A_84] : memref<32x80x128xi32, #tpu.memory_space<hbm>> -> memref<1x80x128xi32, #tpu.memory_space<hbm>>
      %dma_wait3A_86 = tpu.memref_squeeze %dma_wait3A_85 : memref<1x80x128xi32, #tpu.memory_space<hbm>> -> memref<80x128xi32, #tpu.memory_space<hbm>>
      tpu.wait_dma2 semaphore(%run_scoped3A : memref<!tpu.dma_semaphore, #tpu.memory_space<semaphore_mem>>) src(%dma_wait3A_86 : memref<80x128xi32, #tpu.memory_space<hbm>>) dst(%arg12 : memref<80x128xi32, #tpu.memory_space<vmem>>)
      tpu.yield
    }) : () -> ()
    "tpu.region"() ({
      %run_scoped3A = tpu.sem_alloc : memref<!tpu.dma_semaphore, #tpu.memory_space<semaphore_mem>>
      %dma_start3A_71 = arith.constant 0 : i32
      %dma_start3A_72 = arith.constant 0 : i32
      %dma_start3A_73 = tpu.memref_slice %arg6[%add3A, %dma_start3A_71, %dma_start3A_72] : memref<32x16x128xi32, #tpu.memory_space<hbm>> -> memref<1x16x128xi32, #tpu.memory_space<hbm>>
      %dma_start3A_74 = tpu.memref_squeeze %dma_start3A_73 : memref<1x16x128xi32, #tpu.memory_space<hbm>> -> memref<16x128xi32, #tpu.memory_space<hbm>>
      %dma_start3A_75 = arith.constant 0 : i32
      %dma_start3A_76 = arith.constant 0 : i32
      %dma_start3A_77 = tpu.memref_slice %arg6[%add3A, %dma_start3A_75, %dma_start3A_76] : memref<32x16x128xi32, #tpu.memory_space<hbm>> -> memref<1x16x128xi32, #tpu.memory_space<hbm>>
      %dma_start3A_78 = tpu.memref_squeeze %dma_start3A_77 : memref<1x16x128xi32, #tpu.memory_space<hbm>> -> memref<16x128xi32, #tpu.memory_space<hbm>>
      tpu.enqueue_dma source(%dma_start3A_78 : memref<16x128xi32, #tpu.memory_space<hbm>>) target(%arg13 : memref<16x128xi32, #tpu.memory_space<vmem>>) target_semaphore(%run_scoped3A : memref<!tpu.dma_semaphore, #tpu.memory_space<semaphore_mem>>)
      %dma_wait3A_79 = arith.constant 0 : i32
      %dma_wait3A_80 = arith.constant 0 : i32
      %dma_wait3A_81 = tpu.memref_slice %arg6[%add3A, %dma_wait3A_79, %dma_wait3A_80] : memref<32x16x128xi32, #tpu.memory_space<hbm>> -> memref<1x16x128xi32, #tpu.memory_space<hbm>>
      %dma_wait3A_82 = tpu.memref_squeeze %dma_wait3A_81 : memref<1x16x128xi32, #tpu.memory_space<hbm>> -> memref<16x128xi32, #tpu.memory_space<hbm>>
      %dma_wait3A_83 = arith.constant 0 : i32
      %dma_wait3A_84 = arith.constant 0 : i32
      %dma_wait3A_85 = tpu.memref_slice %arg6[%add3A, %dma_wait3A_83, %dma_wait3A_84] : memref<32x16x128xi32, #tpu.memory_space<hbm>> -> memref<1x16x128xi32, #tpu.memory_space<hbm>>
      %dma_wait3A_86 = tpu.memref_squeeze %dma_wait3A_85 : memref<1x16x128xi32, #tpu.memory_space<hbm>> -> memref<16x128xi32, #tpu.memory_space<hbm>>
      tpu.wait_dma2 semaphore(%run_scoped3A : memref<!tpu.dma_semaphore, #tpu.memory_space<semaphore_mem>>) src(%dma_wait3A_86 : memref<16x128xi32, #tpu.memory_space<hbm>>) dst(%arg13 : memref<16x128xi32, #tpu.memory_space<vmem>>)
      tpu.yield
    }) : () -> ()
    "tpu.region"() ({
      %run_scoped3A = tpu.sem_alloc : memref<!tpu.dma_semaphore, #tpu.memory_space<semaphore_mem>>
      %dma_start3A_71 = arith.constant 0 : i32
      %dma_start3A_72 = arith.constant 0 : i32
      %dma_start3A_73 = tpu.memref_slice %arg7[%add3A, %dma_start3A_71, %dma_start3A_72] : memref<32x16x128xi32, #tpu.memory_space<hbm>> -> memref<1x16x128xi32, #tpu.memory_space<hbm>>
      %dma_start3A_74 = tpu.memref_squeeze %dma_start3A_73 : memref<1x16x128xi32, #tpu.memory_space<hbm>> -> memref<16x128xi32, #tpu.memory_space<hbm>>
      %dma_start3A_75 = arith.constant 0 : i32
      %dma_start3A_76 = arith.constant 0 : i32
      %dma_start3A_77 = tpu.memref_slice %arg7[%add3A, %dma_start3A_75, %dma_start3A_76] : memref<32x16x128xi32, #tpu.memory_space<hbm>> -> memref<1x16x128xi32, #tpu.memory_space<hbm>>
      %dma_start3A_78 = tpu.memref_squeeze %dma_start3A_77 : memref<1x16x128xi32, #tpu.memory_space<hbm>> -> memref<16x128xi32, #tpu.memory_space<hbm>>
      tpu.enqueue_dma source(%dma_start3A_78 : memref<16x128xi32, #tpu.memory_space<hbm>>) target(%arg14 : memref<16x128xi32, #tpu.memory_space<vmem>>) target_semaphore(%run_scoped3A : memref<!tpu.dma_semaphore, #tpu.memory_space<semaphore_mem>>)
      %dma_wait3A_79 = arith.constant 0 : i32
      %dma_wait3A_80 = arith.constant 0 : i32
      %dma_wait3A_81 = tpu.memref_slice %arg7[%add3A, %dma_wait3A_79, %dma_wait3A_80] : memref<32x16x128xi32, #tpu.memory_space<hbm>> -> memref<1x16x128xi32, #tpu.memory_space<hbm>>
      %dma_wait3A_82 = tpu.memref_squeeze %dma_wait3A_81 : memref<1x16x128xi32, #tpu.memory_space<hbm>> -> memref<16x128xi32, #tpu.memory_space<hbm>>
      %dma_wait3A_83 = arith.constant 0 : i32
      %dma_wait3A_84 = arith.constant 0 : i32
      %dma_wait3A_85 = tpu.memref_slice %arg7[%add3A, %dma_wait3A_83, %dma_wait3A_84] : memref<32x16x128xi32, #tpu.memory_space<hbm>> -> memref<1x16x128xi32, #tpu.memory_space<hbm>>
      %dma_wait3A_86 = tpu.memref_squeeze %dma_wait3A_85 : memref<1x16x128xi32, #tpu.memory_space<hbm>> -> memref<16x128xi32, #tpu.memory_space<hbm>>
      tpu.wait_dma2 semaphore(%run_scoped3A : memref<!tpu.dma_semaphore, #tpu.memory_space<semaphore_mem>>) src(%dma_wait3A_86 : memref<16x128xi32, #tpu.memory_space<hbm>>) dst(%arg14 : memref<16x128xi32, #tpu.memory_space<vmem>>)
      tpu.yield
    }) : () -> ()
    %barrier3A = arith.constant 0 : index
    tpu.barrier barrier_id(%barrier3A)
    %dma_start3A = arith.constant 0 : i32
    %dma_start3A_3 = arith.constant 0 : i32
    %dma_start3A_4 = tpu.memref_slice %arg11[%dma_start3A, %dma_start3A_3] : memref<80x128xi32, #tpu.memory_space<vmem>> -> memref<1x128xi32, #tpu.memory_space<vmem>>
    %dma_start3A_5 = tpu.memref_squeeze %dma_start3A_4 : memref<1x128xi32, #tpu.memory_space<vmem>> -> memref<128xi32, #tpu.memory_space<vmem>>
    %dma_start3A_6 = arith.constant 0 : i32
    %dma_start3A_7 = arith.constant 0 : i32
    %dma_start3A_8 = tpu.memref_slice %arg2[%dma_start3A_6, %dma_start3A_7] : memref<10240x64xf32, #tpu.memory_space<hbm>> -> memref<10240x64xf32, #tpu.memory_space<hbm>>
    tpu.enqueue_indirect_dma source(%dma_start3A_8 : memref<10240x64xf32, #tpu.memory_space<hbm>>) target(%arg15 : memref<128x64xf32, #tpu.memory_space<vmem>>) offsets(%dma_start3A_5 : memref<128xi32, #tpu.memory_space<vmem>>) semaphore(%arg20 : memref<!tpu.dma_semaphore, #tpu.memory_space<semaphore_mem>>)
    %dma_start3A_9 = arith.constant 1 : i32
    %dma_start3A_10 = arith.constant 0 : i32
    %dma_start3A_11 = tpu.memref_slice %arg11[%dma_start3A_9, %dma_start3A_10] : memref<80x128xi32, #tpu.memory_space<vmem>> -> memref<1x128xi32, #tpu.memory_space<vmem>>
    %dma_start3A_12 = tpu.memref_squeeze %dma_start3A_11 : memref<1x128xi32, #tpu.memory_space<vmem>> -> memref<128xi32, #tpu.memory_space<vmem>>
    %dma_start3A_13 = arith.constant 0 : i32
    %dma_start3A_14 = arith.constant 0 : i32
    %dma_start3A_15 = tpu.memref_slice %arg2[%dma_start3A_13, %dma_start3A_14] : memref<10240x64xf32, #tpu.memory_space<hbm>> -> memref<10240x64xf32, #tpu.memory_space<hbm>>
    tpu.enqueue_indirect_dma source(%dma_start3A_15 : memref<10240x64xf32, #tpu.memory_space<hbm>>) target(%arg16 : memref<128x64xf32, #tpu.memory_space<vmem>>) offsets(%dma_start3A_12 : memref<128xi32, #tpu.memory_space<vmem>>) semaphore(%arg21 : memref<!tpu.dma_semaphore, #tpu.memory_space<semaphore_mem>>)
    %scan3A = arith.constant 0 : i32
    %scan3A_16 = arith.constant 0 : i32
    %scan3A_17 = arith.constant 20 : i32
    %scan3A_18 = arith.addi %scan3A_16, %scan3A_17 : i32
    %scan3A_19 = arith.constant 1 : i32
    scf.for %scan3A_71 = %scan3A_16 to %scan3A_18 step %scan3A_19  : i32 {
      %mul3A_72 = arith.constant 4 : i32
      %mul3A_73 = arith.muli %mul3A_72, %scan3A_71 : i32
      %add3A_74 = arith.constant 0 : i32
      %add3A_75 = arith.addi %mul3A_73, %add3A_74 : i32
      %dma_wait3A_76 = arith.constant 0 : i32
      %dma_wait3A_77 = tpu.memref_slice %arg11[%add3A_75, %dma_wait3A_76] : memref<80x128xi32, #tpu.memory_space<vmem>> -> memref<1x128xi32, #tpu.memory_space<vmem>>
      %dma_wait3A_78 = tpu.memref_squeeze %dma_wait3A_77 : memref<1x128xi32, #tpu.memory_space<vmem>> -> memref<128xi32, #tpu.memory_space<vmem>>
      %dma_wait3A_79 = arith.constant 0 : i32
      %dma_wait3A_80 = arith.constant 0 : i32
      %dma_wait3A_81 = tpu.memref_slice %arg2[%dma_wait3A_79, %dma_wait3A_80] : memref<10240x64xf32, #tpu.memory_space<hbm>> -> memref<10240x64xf32, #tpu.memory_space<hbm>>
      tpu.wait_indirect_dma semaphore(%arg20 : memref<!tpu.dma_semaphore, #tpu.memory_space<semaphore_mem>>) src(%dma_wait3A_81 : memref<10240x64xf32, #tpu.memory_space<hbm>>) dst(%arg15 : memref<128x64xf32, #tpu.memory_space<vmem>>)
      %dma_start3A_82 = arith.constant 0 : i32
      %dma_start3A_83 = tpu.memref_slice %arg12[%add3A_75, %dma_start3A_82] : memref<80x128xi32, #tpu.memory_space<vmem>> -> memref<1x128xi32, #tpu.memory_space<vmem>>
      %dma_start3A_84 = tpu.memref_squeeze %dma_start3A_83 : memref<1x128xi32, #tpu.memory_space<vmem>> -> memref<128xi32, #tpu.memory_space<vmem>>
      %dma_start3A_85 = arith.constant 0 : i32
      %dma_start3A_86 = arith.constant 0 : i32
      %dma_start3A_87 = tpu.memref_slice %arg19[%dma_start3A_85, %dma_start3A_86] : memref<10240x64xf32, #tpu.memory_space<vmem_shared>> -> memref<10240x64xf32, #tpu.memory_space<vmem_shared>>
      tpu.enqueue_indirect_dma source(%arg15 : memref<128x64xf32, #tpu.memory_space<vmem>>) target(%dma_start3A_87 : memref<10240x64xf32, #tpu.memory_space<vmem_shared>>) offsets(%dma_start3A_84 : memref<128xi32, #tpu.memory_space<vmem>>) semaphore(%arg24 : memref<!tpu.dma_semaphore, #tpu.memory_space<semaphore_mem>>) {add = true}
      %ge3A = arith.constant 2 : i32
      %ge3A_88 = arith.cmpi sge, %add3A_75, %ge3A : i32
      %convert_element_type3A = arith.extui %ge3A_88 : i1 to i32
      %cond3A = arith.constant 0 : i32
      %cond3A_89 = arith.cmpi ne, %convert_element_type3A, %cond3A : i32
      scf.if %cond3A_89 {
        %sub3A = arith.constant 2 : i32
        %sub3A_180 = arith.subi %add3A_75, %sub3A : i32
        %dma_wait3A_181 = arith.constant 0 : i32
        %dma_wait3A_182 = tpu.memref_slice %arg12[%sub3A_180, %dma_wait3A_181] : memref<80x128xi32, #tpu.memory_space<vmem>> -> memref<1x128xi32, #tpu.memory_space<vmem>>
        %dma_wait3A_183 = tpu.memref_squeeze %dma_wait3A_182 : memref<1x128xi32, #tpu.memory_space<vmem>> -> memref<128xi32, #tpu.memory_space<vmem>>
        %dma_wait3A_184 = arith.constant 0 : i32
        %dma_wait3A_185 = arith.constant 0 : i32
        %dma_wait3A_186 = tpu.memref_slice %arg19[%dma_wait3A_184, %dma_wait3A_185] : memref<10240x64xf32, #tpu.memory_space<vmem_shared>> -> memref<10240x64xf32, #tpu.memory_space<vmem_shared>>
        tpu.wait_indirect_dma semaphore(%arg26 : memref<!tpu.dma_semaphore, #tpu.memory_space<semaphore_mem>>) src(%arg17 : memref<128x64xf32, #tpu.memory_space<vmem>>) dst(%dma_wait3A_186 : memref<10240x64xf32, #tpu.memory_space<vmem_shared>>)
      } else {
      }
      %add3A_90 = arith.constant 2 : i32
      %add3A_91 = arith.addi %add3A_75, %add3A_90 : i32
      %lt3A = arith.constant 80 : i32
      %lt3A_92 = arith.cmpi slt, %add3A_91, %lt3A : i32
      %convert_element_type3A_93 = arith.extui %lt3A_92 : i1 to i32
      %cond3A_94 = arith.constant 0 : i32
      %cond3A_95 = arith.cmpi ne, %convert_element_type3A_93, %cond3A_94 : i32
      scf.if %cond3A_95 {
        %add3A_180 = arith.constant 2 : i32
        %add3A_181 = arith.addi %add3A_75, %add3A_180 : i32
        %dma_start3A_182 = arith.constant 0 : i32
        %dma_start3A_183 = tpu.memref_slice %arg11[%add3A_181, %dma_start3A_182] : memref<80x128xi32, #tpu.memory_space<vmem>> -> memref<1x128xi32, #tpu.memory_space<vmem>>
        %dma_start3A_184 = tpu.memref_squeeze %dma_start3A_183 : memref<1x128xi32, #tpu.memory_space<vmem>> -> memref<128xi32, #tpu.memory_space<vmem>>
        %dma_start3A_185 = arith.constant 0 : i32
        %dma_start3A_186 = arith.constant 0 : i32
        %dma_start3A_187 = tpu.memref_slice %arg2[%dma_start3A_185, %dma_start3A_186] : memref<10240x64xf32, #tpu.memory_space<hbm>> -> memref<10240x64xf32, #tpu.memory_space<hbm>>
        tpu.enqueue_indirect_dma source(%dma_start3A_187 : memref<10240x64xf32, #tpu.memory_space<hbm>>) target(%arg17 : memref<128x64xf32, #tpu.memory_space<vmem>>) offsets(%dma_start3A_184 : memref<128xi32, #tpu.memory_space<vmem>>) semaphore(%arg22 : memref<!tpu.dma_semaphore, #tpu.memory_space<semaphore_mem>>)
      } else {
      }
      %mul3A_96 = arith.constant 4 : i32
      %mul3A_97 = arith.muli %mul3A_96, %scan3A_71 : i32
      %add3A_98 = arith.constant 1 : i32
      %add3A_99 = arith.addi %mul3A_97, %add3A_98 : i32
      %dma_wait3A_100 = arith.constant 0 : i32
      %dma_wait3A_101 = tpu.memref_slice %arg11[%add3A_99, %dma_wait3A_100] : memref<80x128xi32, #tpu.memory_space<vmem>> -> memref<1x128xi32, #tpu.memory_space<vmem>>
      %dma_wait3A_102 = tpu.memref_squeeze %dma_wait3A_101 : memref<1x128xi32, #tpu.memory_space<vmem>> -> memref<128xi32, #tpu.memory_space<vmem>>
      %dma_wait3A_103 = arith.constant 0 : i32
      %dma_wait3A_104 = arith.constant 0 : i32
      %dma_wait3A_105 = tpu.memref_slice %arg2[%dma_wait3A_103, %dma_wait3A_104] : memref<10240x64xf32, #tpu.memory_space<hbm>> -> memref<10240x64xf32, #tpu.memory_space<hbm>>
      tpu.wait_indirect_dma semaphore(%arg21 : memref<!tpu.dma_semaphore, #tpu.memory_space<semaphore_mem>>) src(%dma_wait3A_105 : memref<10240x64xf32, #tpu.memory_space<hbm>>) dst(%arg16 : memref<128x64xf32, #tpu.memory_space<vmem>>)
      %dma_start3A_106 = arith.constant 0 : i32
      %dma_start3A_107 = tpu.memref_slice %arg12[%add3A_99, %dma_start3A_106] : memref<80x128xi32, #tpu.memory_space<vmem>> -> memref<1x128xi32, #tpu.memory_space<vmem>>
      %dma_start3A_108 = tpu.memref_squeeze %dma_start3A_107 : memref<1x128xi32, #tpu.memory_space<vmem>> -> memref<128xi32, #tpu.memory_space<vmem>>
      %dma_start3A_109 = arith.constant 0 : i32
      %dma_start3A_110 = arith.constant 0 : i32
      %dma_start3A_111 = tpu.memref_slice %arg19[%dma_start3A_109, %dma_start3A_110] : memref<10240x64xf32, #tpu.memory_space<vmem_shared>> -> memref<10240x64xf32, #tpu.memory_space<vmem_shared>>
      tpu.enqueue_indirect_dma source(%arg16 : memref<128x64xf32, #tpu.memory_space<vmem>>) target(%dma_start3A_111 : memref<10240x64xf32, #tpu.memory_space<vmem_shared>>) offsets(%dma_start3A_108 : memref<128xi32, #tpu.memory_space<vmem>>) semaphore(%arg25 : memref<!tpu.dma_semaphore, #tpu.memory_space<semaphore_mem>>) {add = true}
      %ge3A_112 = arith.constant 2 : i32
      %ge3A_113 = arith.cmpi sge, %add3A_99, %ge3A_112 : i32
      %convert_element_type3A_114 = arith.extui %ge3A_113 : i1 to i32
      %cond3A_115 = arith.constant 0 : i32
      %cond3A_116 = arith.cmpi ne, %convert_element_type3A_114, %cond3A_115 : i32
      scf.if %cond3A_116 {
        %sub3A = arith.constant 2 : i32
        %sub3A_180 = arith.subi %add3A_99, %sub3A : i32
        %dma_wait3A_181 = arith.constant 0 : i32
        %dma_wait3A_182 = tpu.memref_slice %arg12[%sub3A_180, %dma_wait3A_181] : memref<80x128xi32, #tpu.memory_space<vmem>> -> memref<1x128xi32, #tpu.memory_space<vmem>>
        %dma_wait3A_183 = tpu.memref_squeeze %dma_wait3A_182 : memref<1x128xi32, #tpu.memory_space<vmem>> -> memref<128xi32, #tpu.memory_space<vmem>>
        %dma_wait3A_184 = arith.constant 0 : i32
        %dma_wait3A_185 = arith.constant 0 : i32
        %dma_wait3A_186 = tpu.memref_slice %arg19[%dma_wait3A_184, %dma_wait3A_185] : memref<10240x64xf32, #tpu.memory_space<vmem_shared>> -> memref<10240x64xf32, #tpu.memory_space<vmem_shared>>
        tpu.wait_indirect_dma semaphore(%arg27 : memref<!tpu.dma_semaphore, #tpu.memory_space<semaphore_mem>>) src(%arg18 : memref<128x64xf32, #tpu.memory_space<vmem>>) dst(%dma_wait3A_186 : memref<10240x64xf32, #tpu.memory_space<vmem_shared>>)
      } else {
      }
      %add3A_117 = arith.constant 2 : i32
      %add3A_118 = arith.addi %add3A_99, %add3A_117 : i32
      %lt3A_119 = arith.constant 80 : i32
      %lt3A_120 = arith.cmpi slt, %add3A_118, %lt3A_119 : i32
      %convert_element_type3A_121 = arith.extui %lt3A_120 : i1 to i32
      %cond3A_122 = arith.constant 0 : i32
      %cond3A_123 = arith.cmpi ne, %convert_element_type3A_121, %cond3A_122 : i32
      scf.if %cond3A_123 {
        %add3A_180 = arith.constant 2 : i32
        %add3A_181 = arith.addi %add3A_99, %add3A_180 : i32
        %dma_start3A_182 = arith.constant 0 : i32
        %dma_start3A_183 = tpu.memref_slice %arg11[%add3A_181, %dma_start3A_182] : memref<80x128xi32, #tpu.memory_space<vmem>> -> memref<1x128xi32, #tpu.memory_space<vmem>>
        %dma_start3A_184 = tpu.memref_squeeze %dma_start3A_183 : memref<1x128xi32, #tpu.memory_space<vmem>> -> memref<128xi32, #tpu.memory_space<vmem>>
        %dma_start3A_185 = arith.constant 0 : i32
        %dma_start3A_186 = arith.constant 0 : i32
        %dma_start3A_187 = tpu.memref_slice %arg2[%dma_start3A_185, %dma_start3A_186] : memref<10240x64xf32, #tpu.memory_space<hbm>> -> memref<10240x64xf32, #tpu.memory_space<hbm>>
        tpu.enqueue_indirect_dma source(%dma_start3A_187 : memref<10240x64xf32, #tpu.memory_space<hbm>>) target(%arg18 : memref<128x64xf32, #tpu.memory_space<vmem>>) offsets(%dma_start3A_184 : memref<128xi32, #tpu.memory_space<vmem>>) semaphore(%arg23 : memref<!tpu.dma_semaphore, #tpu.memory_space<semaphore_mem>>)
      } else {
      }
      %mul3A_124 = arith.constant 4 : i32
      %mul3A_125 = arith.muli %mul3A_124, %scan3A_71 : i32
      %add3A_126 = arith.constant 2 : i32
      %add3A_127 = arith.addi %mul3A_125, %add3A_126 : i32
      %dma_wait3A_128 = arith.constant 0 : i32
      %dma_wait3A_129 = tpu.memref_slice %arg11[%add3A_127, %dma_wait3A_128] : memref<80x128xi32, #tpu.memory_space<vmem>> -> memref<1x128xi32, #tpu.memory_space<vmem>>
      %dma_wait3A_130 = tpu.memref_squeeze %dma_wait3A_129 : memref<1x128xi32, #tpu.memory_space<vmem>> -> memref<128xi32, #tpu.memory_space<vmem>>
      %dma_wait3A_131 = arith.constant 0 : i32
      %dma_wait3A_132 = arith.constant 0 : i32
      %dma_wait3A_133 = tpu.memref_slice %arg2[%dma_wait3A_131, %dma_wait3A_132] : memref<10240x64xf32, #tpu.memory_space<hbm>> -> memref<10240x64xf32, #tpu.memory_space<hbm>>
      tpu.wait_indirect_dma semaphore(%arg22 : memref<!tpu.dma_semaphore, #tpu.memory_space<semaphore_mem>>) src(%dma_wait3A_133 : memref<10240x64xf32, #tpu.memory_space<hbm>>) dst(%arg17 : memref<128x64xf32, #tpu.memory_space<vmem>>)
      %dma_start3A_134 = arith.constant 0 : i32
      %dma_start3A_135 = tpu.memref_slice %arg12[%add3A_127, %dma_start3A_134] : memref<80x128xi32, #tpu.memory_space<vmem>> -> memref<1x128xi32, #tpu.memory_space<vmem>>
      %dma_start3A_136 = tpu.memref_squeeze %dma_start3A_135 : memref<1x128xi32, #tpu.memory_space<vmem>> -> memref<128xi32, #tpu.memory_space<vmem>>
      %dma_start3A_137 = arith.constant 0 : i32
      %dma_start3A_138 = arith.constant 0 : i32
      %dma_start3A_139 = tpu.memref_slice %arg19[%dma_start3A_137, %dma_start3A_138] : memref<10240x64xf32, #tpu.memory_space<vmem_shared>> -> memref<10240x64xf32, #tpu.memory_space<vmem_shared>>
      tpu.enqueue_indirect_dma source(%arg17 : memref<128x64xf32, #tpu.memory_space<vmem>>) target(%dma_start3A_139 : memref<10240x64xf32, #tpu.memory_space<vmem_shared>>) offsets(%dma_start3A_136 : memref<128xi32, #tpu.memory_space<vmem>>) semaphore(%arg26 : memref<!tpu.dma_semaphore, #tpu.memory_space<semaphore_mem>>) {add = true}
      %ge3A_140 = arith.constant 2 : i32
      %ge3A_141 = arith.cmpi sge, %add3A_127, %ge3A_140 : i32
      %convert_element_type3A_142 = arith.extui %ge3A_141 : i1 to i32
      %cond3A_143 = arith.constant 0 : i32
      %cond3A_144 = arith.cmpi ne, %convert_element_type3A_142, %cond3A_143 : i32
      scf.if %cond3A_144 {
        %sub3A = arith.constant 2 : i32
        %sub3A_180 = arith.subi %add3A_127, %sub3A : i32
        %dma_wait3A_181 = arith.constant 0 : i32
        %dma_wait3A_182 = tpu.memref_slice %arg12[%sub3A_180, %dma_wait3A_181] : memref<80x128xi32, #tpu.memory_space<vmem>> -> memref<1x128xi32, #tpu.memory_space<vmem>>
        %dma_wait3A_183 = tpu.memref_squeeze %dma_wait3A_182 : memref<1x128xi32, #tpu.memory_space<vmem>> -> memref<128xi32, #tpu.memory_space<vmem>>
        %dma_wait3A_184 = arith.constant 0 : i32
        %dma_wait3A_185 = arith.constant 0 : i32
        %dma_wait3A_186 = tpu.memref_slice %arg19[%dma_wait3A_184, %dma_wait3A_185] : memref<10240x64xf32, #tpu.memory_space<vmem_shared>> -> memref<10240x64xf32, #tpu.memory_space<vmem_shared>>
        tpu.wait_indirect_dma semaphore(%arg24 : memref<!tpu.dma_semaphore, #tpu.memory_space<semaphore_mem>>) src(%arg15 : memref<128x64xf32, #tpu.memory_space<vmem>>) dst(%dma_wait3A_186 : memref<10240x64xf32, #tpu.memory_space<vmem_shared>>)
      } else {
      }
      %add3A_145 = arith.constant 2 : i32
      %add3A_146 = arith.addi %add3A_127, %add3A_145 : i32
      %lt3A_147 = arith.constant 80 : i32
      %lt3A_148 = arith.cmpi slt, %add3A_146, %lt3A_147 : i32
      %convert_element_type3A_149 = arith.extui %lt3A_148 : i1 to i32
      %cond3A_150 = arith.constant 0 : i32
      %cond3A_151 = arith.cmpi ne, %convert_element_type3A_149, %cond3A_150 : i32
      scf.if %cond3A_151 {
        %add3A_180 = arith.constant 2 : i32
        %add3A_181 = arith.addi %add3A_127, %add3A_180 : i32
        %dma_start3A_182 = arith.constant 0 : i32
        %dma_start3A_183 = tpu.memref_slice %arg11[%add3A_181, %dma_start3A_182] : memref<80x128xi32, #tpu.memory_space<vmem>> -> memref<1x128xi32, #tpu.memory_space<vmem>>
        %dma_start3A_184 = tpu.memref_squeeze %dma_start3A_183 : memref<1x128xi32, #tpu.memory_space<vmem>> -> memref<128xi32, #tpu.memory_space<vmem>>
        %dma_start3A_185 = arith.constant 0 : i32
        %dma_start3A_186 = arith.constant 0 : i32
        %dma_start3A_187 = tpu.memref_slice %arg2[%dma_start3A_185, %dma_start3A_186] : memref<10240x64xf32, #tpu.memory_space<hbm>> -> memref<10240x64xf32, #tpu.memory_space<hbm>>
        tpu.enqueue_indirect_dma source(%dma_start3A_187 : memref<10240x64xf32, #tpu.memory_space<hbm>>) target(%arg15 : memref<128x64xf32, #tpu.memory_space<vmem>>) offsets(%dma_start3A_184 : memref<128xi32, #tpu.memory_space<vmem>>) semaphore(%arg20 : memref<!tpu.dma_semaphore, #tpu.memory_space<semaphore_mem>>)
      } else {
      }
      %mul3A_152 = arith.constant 4 : i32
      %mul3A_153 = arith.muli %mul3A_152, %scan3A_71 : i32
      %add3A_154 = arith.constant 3 : i32
      %add3A_155 = arith.addi %mul3A_153, %add3A_154 : i32
      %dma_wait3A_156 = arith.constant 0 : i32
      %dma_wait3A_157 = tpu.memref_slice %arg11[%add3A_155, %dma_wait3A_156] : memref<80x128xi32, #tpu.memory_space<vmem>> -> memref<1x128xi32, #tpu.memory_space<vmem>>
      %dma_wait3A_158 = tpu.memref_squeeze %dma_wait3A_157 : memref<1x128xi32, #tpu.memory_space<vmem>> -> memref<128xi32, #tpu.memory_space<vmem>>
      %dma_wait3A_159 = arith.constant 0 : i32
      %dma_wait3A_160 = arith.constant 0 : i32
      %dma_wait3A_161 = tpu.memref_slice %arg2[%dma_wait3A_159, %dma_wait3A_160] : memref<10240x64xf32, #tpu.memory_space<hbm>> -> memref<10240x64xf32, #tpu.memory_space<hbm>>
      tpu.wait_indirect_dma semaphore(%arg23 : memref<!tpu.dma_semaphore, #tpu.memory_space<semaphore_mem>>) src(%dma_wait3A_161 : memref<10240x64xf32, #tpu.memory_space<hbm>>) dst(%arg18 : memref<128x64xf32, #tpu.memory_space<vmem>>)
      %dma_start3A_162 = arith.constant 0 : i32
      %dma_start3A_163 = tpu.memref_slice %arg12[%add3A_155, %dma_start3A_162] : memref<80x128xi32, #tpu.memory_space<vmem>> -> memref<1x128xi32, #tpu.memory_space<vmem>>
      %dma_start3A_164 = tpu.memref_squeeze %dma_start3A_163 : memref<1x128xi32, #tpu.memory_space<vmem>> -> memref<128xi32, #tpu.memory_space<vmem>>
      %dma_start3A_165 = arith.constant 0 : i32
      %dma_start3A_166 = arith.constant 0 : i32
      %dma_start3A_167 = tpu.memref_slice %arg19[%dma_start3A_165, %dma_start3A_166] : memref<10240x64xf32, #tpu.memory_space<vmem_shared>> -> memref<10240x64xf32, #tpu.memory_space<vmem_shared>>
      tpu.enqueue_indirect_dma source(%arg18 : memref<128x64xf32, #tpu.memory_space<vmem>>) target(%dma_start3A_167 : memref<10240x64xf32, #tpu.memory_space<vmem_shared>>) offsets(%dma_start3A_164 : memref<128xi32, #tpu.memory_space<vmem>>) semaphore(%arg27 : memref<!tpu.dma_semaphore, #tpu.memory_space<semaphore_mem>>) {add = true}
      %ge3A_168 = arith.constant 2 : i32
      %ge3A_169 = arith.cmpi sge, %add3A_155, %ge3A_168 : i32
      %convert_element_type3A_170 = arith.extui %ge3A_169 : i1 to i32
      %cond3A_171 = arith.constant 0 : i32
      %cond3A_172 = arith.cmpi ne, %convert_element_type3A_170, %cond3A_171 : i32
      scf.if %cond3A_172 {
        %sub3A = arith.constant 2 : i32
        %sub3A_180 = arith.subi %add3A_155, %sub3A : i32
        %dma_wait3A_181 = arith.constant 0 : i32
        %dma_wait3A_182 = tpu.memref_slice %arg12[%sub3A_180, %dma_wait3A_181] : memref<80x128xi32, #tpu.memory_space<vmem>> -> memref<1x128xi32, #tpu.memory_space<vmem>>
        %dma_wait3A_183 = tpu.memref_squeeze %dma_wait3A_182 : memref<1x128xi32, #tpu.memory_space<vmem>> -> memref<128xi32, #tpu.memory_space<vmem>>
        %dma_wait3A_184 = arith.constant 0 : i32
        %dma_wait3A_185 = arith.constant 0 : i32
        %dma_wait3A_186 = tpu.memref_slice %arg19[%dma_wait3A_184, %dma_wait3A_185] : memref<10240x64xf32, #tpu.memory_space<vmem_shared>> -> memref<10240x64xf32, #tpu.memory_space<vmem_shared>>
        tpu.wait_indirect_dma semaphore(%arg25 : memref<!tpu.dma_semaphore, #tpu.memory_space<semaphore_mem>>) src(%arg16 : memref<128x64xf32, #tpu.memory_space<vmem>>) dst(%dma_wait3A_186 : memref<10240x64xf32, #tpu.memory_space<vmem_shared>>)
      } else {
      }
      %add3A_173 = arith.constant 2 : i32
      %add3A_174 = arith.addi %add3A_155, %add3A_173 : i32
      %lt3A_175 = arith.constant 80 : i32
      %lt3A_176 = arith.cmpi slt, %add3A_174, %lt3A_175 : i32
      %convert_element_type3A_177 = arith.extui %lt3A_176 : i1 to i32
      %cond3A_178 = arith.constant 0 : i32
      %cond3A_179 = arith.cmpi ne, %convert_element_type3A_177, %cond3A_178 : i32
      scf.if %cond3A_179 {
        %add3A_180 = arith.constant 2 : i32
        %add3A_181 = arith.addi %add3A_155, %add3A_180 : i32
        %dma_start3A_182 = arith.constant 0 : i32
        %dma_start3A_183 = tpu.memref_slice %arg11[%add3A_181, %dma_start3A_182] : memref<80x128xi32, #tpu.memory_space<vmem>> -> memref<1x128xi32, #tpu.memory_space<vmem>>
        %dma_start3A_184 = tpu.memref_squeeze %dma_start3A_183 : memref<1x128xi32, #tpu.memory_space<vmem>> -> memref<128xi32, #tpu.memory_space<vmem>>
        %dma_start3A_185 = arith.constant 0 : i32
        %dma_start3A_186 = arith.constant 0 : i32
        %dma_start3A_187 = tpu.memref_slice %arg2[%dma_start3A_185, %dma_start3A_186] : memref<10240x64xf32, #tpu.memory_space<hbm>> -> memref<10240x64xf32, #tpu.memory_space<hbm>>
        tpu.enqueue_indirect_dma source(%dma_start3A_187 : memref<10240x64xf32, #tpu.memory_space<hbm>>) target(%arg16 : memref<128x64xf32, #tpu.memory_space<vmem>>) offsets(%dma_start3A_184 : memref<128xi32, #tpu.memory_space<vmem>>) semaphore(%arg21 : memref<!tpu.dma_semaphore, #tpu.memory_space<semaphore_mem>>)
      } else {
      }
    }
    %scan3A_20 = arith.constant 20 : i32
    %dma_wait3A = arith.constant 78 : i32
    %dma_wait3A_21 = arith.constant 0 : i32
    %dma_wait3A_22 = tpu.memref_slice %arg12[%dma_wait3A, %dma_wait3A_21] : memref<80x128xi32, #tpu.memory_space<vmem>> -> memref<1x128xi32, #tpu.memory_space<vmem>>
    %dma_wait3A_23 = tpu.memref_squeeze %dma_wait3A_22 : memref<1x128xi32, #tpu.memory_space<vmem>> -> memref<128xi32, #tpu.memory_space<vmem>>
    %dma_wait3A_24 = arith.constant 0 : i32
    %dma_wait3A_25 = arith.constant 0 : i32
    %dma_wait3A_26 = tpu.memref_slice %arg19[%dma_wait3A_24, %dma_wait3A_25] : memref<10240x64xf32, #tpu.memory_space<vmem_shared>> -> memref<10240x64xf32, #tpu.memory_space<vmem_shared>>
    tpu.wait_indirect_dma semaphore(%arg26 : memref<!tpu.dma_semaphore, #tpu.memory_space<semaphore_mem>>) src(%arg17 : memref<128x64xf32, #tpu.memory_space<vmem>>) dst(%dma_wait3A_26 : memref<10240x64xf32, #tpu.memory_space<vmem_shared>>)
    %dma_wait3A_27 = arith.constant 79 : i32
    %dma_wait3A_28 = arith.constant 0 : i32
    %dma_wait3A_29 = tpu.memref_slice %arg12[%dma_wait3A_27, %dma_wait3A_28] : memref<80x128xi32, #tpu.memory_space<vmem>> -> memref<1x128xi32, #tpu.memory_space<vmem>>
    %dma_wait3A_30 = tpu.memref_squeeze %dma_wait3A_29 : memref<1x128xi32, #tpu.memory_space<vmem>> -> memref<128xi32, #tpu.memory_space<vmem>>
    %dma_wait3A_31 = arith.constant 0 : i32
    %dma_wait3A_32 = arith.constant 0 : i32
    %dma_wait3A_33 = tpu.memref_slice %arg19[%dma_wait3A_31, %dma_wait3A_32] : memref<10240x64xf32, #tpu.memory_space<vmem_shared>> -> memref<10240x64xf32, #tpu.memory_space<vmem_shared>>
    tpu.wait_indirect_dma semaphore(%arg27 : memref<!tpu.dma_semaphore, #tpu.memory_space<semaphore_mem>>) src(%arg18 : memref<128x64xf32, #tpu.memory_space<vmem>>) dst(%dma_wait3A_33 : memref<10240x64xf32, #tpu.memory_space<vmem_shared>>)
    %barrier3A_34 = arith.constant 0 : index
    tpu.barrier barrier_id(%barrier3A_34)
    "tpu.region"() ({
      %run_scoped3A = tpu.sem_alloc : memref<!tpu.dma_semaphore, #tpu.memory_space<semaphore_mem>>
      %dma_start3A_71 = arith.constant 0 : i32
      %dma_start3A_72 = arith.constant 0 : i32
      %dma_start3A_73 = tpu.memref_slice %arg9[%arg0, %dma_start3A_71, %dma_start3A_72] : memref<2x10240x128xf32, #tpu.memory_space<hbm>> -> memref<1x10240x128xf32, #tpu.memory_space<hbm>>
      %dma_start3A_74 = tpu.memref_squeeze %dma_start3A_73 : memref<1x10240x128xf32, #tpu.memory_space<hbm>> -> memref<10240x128xf32, #tpu.memory_space<hbm>>
      %dma_start3A_75 = arith.constant 0 : i32
      %dma_start3A_76 = tpu.memref_slice %dma_start3A_74[%mul3A_2, %dma_start3A_75] : memref<10240x128xf32, #tpu.memory_space<hbm>> -> memref<640x64xf32, #tpu.memory_space<hbm>>
      %dma_start3A_77 = arith.constant 0 : i32
      %dma_start3A_78 = tpu.memref_slice %arg19[%mul3A_2, %dma_start3A_77] : memref<10240x64xf32, #tpu.memory_space<vmem_shared>> -> memref<640x64xf32, #tpu.memory_space<vmem_shared>>
      tpu.enqueue_dma source(%dma_start3A_78 : memref<640x64xf32, #tpu.memory_space<vmem_shared>>) target(%dma_start3A_76 : memref<640x64xf32, #tpu.memory_space<hbm>>) target_semaphore(%run_scoped3A : memref<!tpu.dma_semaphore, #tpu.memory_space<semaphore_mem>>)
      %dma_wait3A_79 = arith.constant 0 : i32
      %dma_wait3A_80 = arith.constant 0 : i32
      %dma_wait3A_81 = tpu.memref_slice %arg9[%arg0, %dma_wait3A_79, %dma_wait3A_80] : memref<2x10240x128xf32, #tpu.memory_space<hbm>> -> memref<1x10240x128xf32, #tpu.memory_space<hbm>>
      %dma_wait3A_82 = tpu.memref_squeeze %dma_wait3A_81 : memref<1x10240x128xf32, #tpu.memory_space<hbm>> -> memref<10240x128xf32, #tpu.memory_space<hbm>>
      %dma_wait3A_83 = arith.constant 0 : i32
      %dma_wait3A_84 = tpu.memref_slice %dma_wait3A_82[%mul3A_2, %dma_wait3A_83] : memref<10240x128xf32, #tpu.memory_space<hbm>> -> memref<640x64xf32, #tpu.memory_space<hbm>>
      %dma_wait3A_85 = arith.constant 0 : i32
      %dma_wait3A_86 = tpu.memref_slice %arg19[%mul3A_2, %dma_wait3A_85] : memref<10240x64xf32, #tpu.memory_space<vmem_shared>> -> memref<640x64xf32, #tpu.memory_space<vmem_shared>>
      tpu.wait_dma2 semaphore(%run_scoped3A : memref<!tpu.dma_semaphore, #tpu.memory_space<semaphore_mem>>) src(%dma_wait3A_86 : memref<640x64xf32, #tpu.memory_space<vmem_shared>>) dst(%dma_wait3A_84 : memref<640x64xf32, #tpu.memory_space<hbm>>)
      tpu.yield
    }) : () -> ()
    "tpu.region"() ({
      %run_scoped3A = tpu.sem_alloc : memref<!tpu.dma_semaphore, #tpu.memory_space<semaphore_mem>>
      %dma_start3A_71 = arith.constant 0 : i32
      %dma_start3A_72 = tpu.memref_slice %arg19[%mul3A_2, %dma_start3A_71] : memref<10240x64xf32, #tpu.memory_space<vmem_shared>> -> memref<640x64xf32, #tpu.memory_space<vmem_shared>>
      %dma_start3A_73 = arith.constant 0 : i32
      %dma_start3A_74 = tpu.memref_slice %arg8[%mul3A_2, %dma_start3A_73] : memref<10240x64xf32, #tpu.memory_space<hbm>> -> memref<640x64xf32, #tpu.memory_space<hbm>>
      tpu.enqueue_dma source(%dma_start3A_74 : memref<640x64xf32, #tpu.memory_space<hbm>>) target(%dma_start3A_72 : memref<640x64xf32, #tpu.memory_space<vmem_shared>>) target_semaphore(%run_scoped3A : memref<!tpu.dma_semaphore, #tpu.memory_space<semaphore_mem>>)
      %dma_wait3A_75 = arith.constant 0 : i32
      %dma_wait3A_76 = tpu.memref_slice %arg19[%mul3A_2, %dma_wait3A_75] : memref<10240x64xf32, #tpu.memory_space<vmem_shared>> -> memref<640x64xf32, #tpu.memory_space<vmem_shared>>
      %dma_wait3A_77 = arith.constant 0 : i32
      %dma_wait3A_78 = tpu.memref_slice %arg8[%mul3A_2, %dma_wait3A_77] : memref<10240x64xf32, #tpu.memory_space<hbm>> -> memref<640x64xf32, #tpu.memory_space<hbm>>
      tpu.wait_dma2 semaphore(%run_scoped3A : memref<!tpu.dma_semaphore, #tpu.memory_space<semaphore_mem>>) src(%dma_wait3A_78 : memref<640x64xf32, #tpu.memory_space<hbm>>) dst(%dma_wait3A_76 : memref<640x64xf32, #tpu.memory_space<vmem_shared>>)
      tpu.yield
    }) : () -> ()
    %barrier3A_35 = arith.constant 0 : index
    tpu.barrier barrier_id(%barrier3A_35)
    %dma_start3A_36 = arith.constant 0 : i32
    %dma_start3A_37 = arith.constant 0 : i32
    %dma_start3A_38 = tpu.memref_slice %arg13[%dma_start3A_36, %dma_start3A_37] : memref<16x128xi32, #tpu.memory_space<vmem>> -> memref<1x128xi32, #tpu.memory_space<vmem>>
    %dma_start3A_39 = tpu.memref_squeeze %dma_start3A_38 : memref<1x128xi32, #tpu.memory_space<vmem>> -> memref<128xi32, #tpu.memory_space<vmem>>
    %dma_start3A_40 = arith.constant 0 : i32
    %dma_start3A_41 = arith.constant 0 : i32
    %dma_start3A_42 = tpu.memref_slice %arg3[%dma_start3A_40, %dma_start3A_41] : memref<10240x64xf32, #tpu.memory_space<hbm>> -> memref<10240x64xf32, #tpu.memory_space<hbm>>
    tpu.enqueue_indirect_dma source(%dma_start3A_42 : memref<10240x64xf32, #tpu.memory_space<hbm>>) target(%arg15 : memref<128x64xf32, #tpu.memory_space<vmem>>) offsets(%dma_start3A_39 : memref<128xi32, #tpu.memory_space<vmem>>) semaphore(%arg20 : memref<!tpu.dma_semaphore, #tpu.memory_space<semaphore_mem>>)
    %dma_start3A_43 = arith.constant 1 : i32
    %dma_start3A_44 = arith.constant 0 : i32
    %dma_start3A_45 = tpu.memref_slice %arg13[%dma_start3A_43, %dma_start3A_44] : memref<16x128xi32, #tpu.memory_space<vmem>> -> memref<1x128xi32, #tpu.memory_space<vmem>>
    %dma_start3A_46 = tpu.memref_squeeze %dma_start3A_45 : memref<1x128xi32, #tpu.memory_space<vmem>> -> memref<128xi32, #tpu.memory_space<vmem>>
    %dma_start3A_47 = arith.constant 0 : i32
    %dma_start3A_48 = arith.constant 0 : i32
    %dma_start3A_49 = tpu.memref_slice %arg3[%dma_start3A_47, %dma_start3A_48] : memref<10240x64xf32, #tpu.memory_space<hbm>> -> memref<10240x64xf32, #tpu.memory_space<hbm>>
    tpu.enqueue_indirect_dma source(%dma_start3A_49 : memref<10240x64xf32, #tpu.memory_space<hbm>>) target(%arg16 : memref<128x64xf32, #tpu.memory_space<vmem>>) offsets(%dma_start3A_46 : memref<128xi32, #tpu.memory_space<vmem>>) semaphore(%arg21 : memref<!tpu.dma_semaphore, #tpu.memory_space<semaphore_mem>>)
    %scan3A_50 = arith.constant 0 : i32
    %scan3A_51 = arith.constant 0 : i32
    %scan3A_52 = arith.constant 4 : i32
    %scan3A_53 = arith.addi %scan3A_51, %scan3A_52 : i32
    %scan3A_54 = arith.constant 1 : i32
    scf.for %scan3A_71 = %scan3A_51 to %scan3A_53 step %scan3A_54  : i32 {
      %mul3A_72 = arith.constant 4 : i32
      %mul3A_73 = arith.muli %mul3A_72, %scan3A_71 : i32
      %add3A_74 = arith.constant 0 : i32
      %add3A_75 = arith.addi %mul3A_73, %add3A_74 : i32
      %dma_wait3A_76 = arith.constant 0 : i32
      %dma_wait3A_77 = tpu.memref_slice %arg13[%add3A_75, %dma_wait3A_76] : memref<16x128xi32, #tpu.memory_space<vmem>> -> memref<1x128xi32, #tpu.memory_space<vmem>>
      %dma_wait3A_78 = tpu.memref_squeeze %dma_wait3A_77 : memref<1x128xi32, #tpu.memory_space<vmem>> -> memref<128xi32, #tpu.memory_space<vmem>>
      %dma_wait3A_79 = arith.constant 0 : i32
      %dma_wait3A_80 = arith.constant 0 : i32
      %dma_wait3A_81 = tpu.memref_slice %arg3[%dma_wait3A_79, %dma_wait3A_80] : memref<10240x64xf32, #tpu.memory_space<hbm>> -> memref<10240x64xf32, #tpu.memory_space<hbm>>
      tpu.wait_indirect_dma semaphore(%arg20 : memref<!tpu.dma_semaphore, #tpu.memory_space<semaphore_mem>>) src(%dma_wait3A_81 : memref<10240x64xf32, #tpu.memory_space<hbm>>) dst(%arg15 : memref<128x64xf32, #tpu.memory_space<vmem>>)
      %dma_start3A_82 = arith.constant 0 : i32
      %dma_start3A_83 = tpu.memref_slice %arg14[%add3A_75, %dma_start3A_82] : memref<16x128xi32, #tpu.memory_space<vmem>> -> memref<1x128xi32, #tpu.memory_space<vmem>>
      %dma_start3A_84 = tpu.memref_squeeze %dma_start3A_83 : memref<1x128xi32, #tpu.memory_space<vmem>> -> memref<128xi32, #tpu.memory_space<vmem>>
      %dma_start3A_85 = arith.constant 0 : i32
      %dma_start3A_86 = arith.constant 0 : i32
      %dma_start3A_87 = tpu.memref_slice %arg19[%dma_start3A_85, %dma_start3A_86] : memref<10240x64xf32, #tpu.memory_space<vmem_shared>> -> memref<10240x64xf32, #tpu.memory_space<vmem_shared>>
      tpu.enqueue_indirect_dma source(%arg15 : memref<128x64xf32, #tpu.memory_space<vmem>>) target(%dma_start3A_87 : memref<10240x64xf32, #tpu.memory_space<vmem_shared>>) offsets(%dma_start3A_84 : memref<128xi32, #tpu.memory_space<vmem>>) semaphore(%arg24 : memref<!tpu.dma_semaphore, #tpu.memory_space<semaphore_mem>>) {add = true}
      %ge3A = arith.constant 2 : i32
      %ge3A_88 = arith.cmpi sge, %add3A_75, %ge3A : i32
      %convert_element_type3A = arith.extui %ge3A_88 : i1 to i32
      %cond3A = arith.constant 0 : i32
      %cond3A_89 = arith.cmpi ne, %convert_element_type3A, %cond3A : i32
      scf.if %cond3A_89 {
        %sub3A = arith.constant 2 : i32
        %sub3A_180 = arith.subi %add3A_75, %sub3A : i32
        %dma_wait3A_181 = arith.constant 0 : i32
        %dma_wait3A_182 = tpu.memref_slice %arg14[%sub3A_180, %dma_wait3A_181] : memref<16x128xi32, #tpu.memory_space<vmem>> -> memref<1x128xi32, #tpu.memory_space<vmem>>
        %dma_wait3A_183 = tpu.memref_squeeze %dma_wait3A_182 : memref<1x128xi32, #tpu.memory_space<vmem>> -> memref<128xi32, #tpu.memory_space<vmem>>
        %dma_wait3A_184 = arith.constant 0 : i32
        %dma_wait3A_185 = arith.constant 0 : i32
        %dma_wait3A_186 = tpu.memref_slice %arg19[%dma_wait3A_184, %dma_wait3A_185] : memref<10240x64xf32, #tpu.memory_space<vmem_shared>> -> memref<10240x64xf32, #tpu.memory_space<vmem_shared>>
        tpu.wait_indirect_dma semaphore(%arg26 : memref<!tpu.dma_semaphore, #tpu.memory_space<semaphore_mem>>) src(%arg17 : memref<128x64xf32, #tpu.memory_space<vmem>>) dst(%dma_wait3A_186 : memref<10240x64xf32, #tpu.memory_space<vmem_shared>>)
      } else {
      }
      %add3A_90 = arith.constant 2 : i32
      %add3A_91 = arith.addi %add3A_75, %add3A_90 : i32
      %lt3A = arith.constant 16 : i32
      %lt3A_92 = arith.cmpi slt, %add3A_91, %lt3A : i32
      %convert_element_type3A_93 = arith.extui %lt3A_92 : i1 to i32
      %cond3A_94 = arith.constant 0 : i32
      %cond3A_95 = arith.cmpi ne, %convert_element_type3A_93, %cond3A_94 : i32
      scf.if %cond3A_95 {
        %add3A_180 = arith.constant 2 : i32
        %add3A_181 = arith.addi %add3A_75, %add3A_180 : i32
        %dma_start3A_182 = arith.constant 0 : i32
        %dma_start3A_183 = tpu.memref_slice %arg13[%add3A_181, %dma_start3A_182] : memref<16x128xi32, #tpu.memory_space<vmem>> -> memref<1x128xi32, #tpu.memory_space<vmem>>
        %dma_start3A_184 = tpu.memref_squeeze %dma_start3A_183 : memref<1x128xi32, #tpu.memory_space<vmem>> -> memref<128xi32, #tpu.memory_space<vmem>>
        %dma_start3A_185 = arith.constant 0 : i32
        %dma_start3A_186 = arith.constant 0 : i32
        %dma_start3A_187 = tpu.memref_slice %arg3[%dma_start3A_185, %dma_start3A_186] : memref<10240x64xf32, #tpu.memory_space<hbm>> -> memref<10240x64xf32, #tpu.memory_space<hbm>>
        tpu.enqueue_indirect_dma source(%dma_start3A_187 : memref<10240x64xf32, #tpu.memory_space<hbm>>) target(%arg17 : memref<128x64xf32, #tpu.memory_space<vmem>>) offsets(%dma_start3A_184 : memref<128xi32, #tpu.memory_space<vmem>>) semaphore(%arg22 : memref<!tpu.dma_semaphore, #tpu.memory_space<semaphore_mem>>)
      } else {
      }
      %mul3A_96 = arith.constant 4 : i32
      %mul3A_97 = arith.muli %mul3A_96, %scan3A_71 : i32
      %add3A_98 = arith.constant 1 : i32
      %add3A_99 = arith.addi %mul3A_97, %add3A_98 : i32
      %dma_wait3A_100 = arith.constant 0 : i32
      %dma_wait3A_101 = tpu.memref_slice %arg13[%add3A_99, %dma_wait3A_100] : memref<16x128xi32, #tpu.memory_space<vmem>> -> memref<1x128xi32, #tpu.memory_space<vmem>>
      %dma_wait3A_102 = tpu.memref_squeeze %dma_wait3A_101 : memref<1x128xi32, #tpu.memory_space<vmem>> -> memref<128xi32, #tpu.memory_space<vmem>>
      %dma_wait3A_103 = arith.constant 0 : i32
      %dma_wait3A_104 = arith.constant 0 : i32
      %dma_wait3A_105 = tpu.memref_slice %arg3[%dma_wait3A_103, %dma_wait3A_104] : memref<10240x64xf32, #tpu.memory_space<hbm>> -> memref<10240x64xf32, #tpu.memory_space<hbm>>
      tpu.wait_indirect_dma semaphore(%arg21 : memref<!tpu.dma_semaphore, #tpu.memory_space<semaphore_mem>>) src(%dma_wait3A_105 : memref<10240x64xf32, #tpu.memory_space<hbm>>) dst(%arg16 : memref<128x64xf32, #tpu.memory_space<vmem>>)
      %dma_start3A_106 = arith.constant 0 : i32
      %dma_start3A_107 = tpu.memref_slice %arg14[%add3A_99, %dma_start3A_106] : memref<16x128xi32, #tpu.memory_space<vmem>> -> memref<1x128xi32, #tpu.memory_space<vmem>>
      %dma_start3A_108 = tpu.memref_squeeze %dma_start3A_107 : memref<1x128xi32, #tpu.memory_space<vmem>> -> memref<128xi32, #tpu.memory_space<vmem>>
      %dma_start3A_109 = arith.constant 0 : i32
      %dma_start3A_110 = arith.constant 0 : i32
      %dma_start3A_111 = tpu.memref_slice %arg19[%dma_start3A_109, %dma_start3A_110] : memref<10240x64xf32, #tpu.memory_space<vmem_shared>> -> memref<10240x64xf32, #tpu.memory_space<vmem_shared>>
      tpu.enqueue_indirect_dma source(%arg16 : memref<128x64xf32, #tpu.memory_space<vmem>>) target(%dma_start3A_111 : memref<10240x64xf32, #tpu.memory_space<vmem_shared>>) offsets(%dma_start3A_108 : memref<128xi32, #tpu.memory_space<vmem>>) semaphore(%arg25 : memref<!tpu.dma_semaphore, #tpu.memory_space<semaphore_mem>>) {add = true}
      %ge3A_112 = arith.constant 2 : i32
      %ge3A_113 = arith.cmpi sge, %add3A_99, %ge3A_112 : i32
      %convert_element_type3A_114 = arith.extui %ge3A_113 : i1 to i32
      %cond3A_115 = arith.constant 0 : i32
      %cond3A_116 = arith.cmpi ne, %convert_element_type3A_114, %cond3A_115 : i32
      scf.if %cond3A_116 {
        %sub3A = arith.constant 2 : i32
        %sub3A_180 = arith.subi %add3A_99, %sub3A : i32
        %dma_wait3A_181 = arith.constant 0 : i32
        %dma_wait3A_182 = tpu.memref_slice %arg14[%sub3A_180, %dma_wait3A_181] : memref<16x128xi32, #tpu.memory_space<vmem>> -> memref<1x128xi32, #tpu.memory_space<vmem>>
        %dma_wait3A_183 = tpu.memref_squeeze %dma_wait3A_182 : memref<1x128xi32, #tpu.memory_space<vmem>> -> memref<128xi32, #tpu.memory_space<vmem>>
        %dma_wait3A_184 = arith.constant 0 : i32
        %dma_wait3A_185 = arith.constant 0 : i32
        %dma_wait3A_186 = tpu.memref_slice %arg19[%dma_wait3A_184, %dma_wait3A_185] : memref<10240x64xf32, #tpu.memory_space<vmem_shared>> -> memref<10240x64xf32, #tpu.memory_space<vmem_shared>>
        tpu.wait_indirect_dma semaphore(%arg27 : memref<!tpu.dma_semaphore, #tpu.memory_space<semaphore_mem>>) src(%arg18 : memref<128x64xf32, #tpu.memory_space<vmem>>) dst(%dma_wait3A_186 : memref<10240x64xf32, #tpu.memory_space<vmem_shared>>)
      } else {
      }
      %add3A_117 = arith.constant 2 : i32
      %add3A_118 = arith.addi %add3A_99, %add3A_117 : i32
      %lt3A_119 = arith.constant 16 : i32
      %lt3A_120 = arith.cmpi slt, %add3A_118, %lt3A_119 : i32
      %convert_element_type3A_121 = arith.extui %lt3A_120 : i1 to i32
      %cond3A_122 = arith.constant 0 : i32
      %cond3A_123 = arith.cmpi ne, %convert_element_type3A_121, %cond3A_122 : i32
      scf.if %cond3A_123 {
        %add3A_180 = arith.constant 2 : i32
        %add3A_181 = arith.addi %add3A_99, %add3A_180 : i32
        %dma_start3A_182 = arith.constant 0 : i32
        %dma_start3A_183 = tpu.memref_slice %arg13[%add3A_181, %dma_start3A_182] : memref<16x128xi32, #tpu.memory_space<vmem>> -> memref<1x128xi32, #tpu.memory_space<vmem>>
        %dma_start3A_184 = tpu.memref_squeeze %dma_start3A_183 : memref<1x128xi32, #tpu.memory_space<vmem>> -> memref<128xi32, #tpu.memory_space<vmem>>
        %dma_start3A_185 = arith.constant 0 : i32
        %dma_start3A_186 = arith.constant 0 : i32
        %dma_start3A_187 = tpu.memref_slice %arg3[%dma_start3A_185, %dma_start3A_186] : memref<10240x64xf32, #tpu.memory_space<hbm>> -> memref<10240x64xf32, #tpu.memory_space<hbm>>
        tpu.enqueue_indirect_dma source(%dma_start3A_187 : memref<10240x64xf32, #tpu.memory_space<hbm>>) target(%arg18 : memref<128x64xf32, #tpu.memory_space<vmem>>) offsets(%dma_start3A_184 : memref<128xi32, #tpu.memory_space<vmem>>) semaphore(%arg23 : memref<!tpu.dma_semaphore, #tpu.memory_space<semaphore_mem>>)
      } else {
      }
      %mul3A_124 = arith.constant 4 : i32
      %mul3A_125 = arith.muli %mul3A_124, %scan3A_71 : i32
      %add3A_126 = arith.constant 2 : i32
      %add3A_127 = arith.addi %mul3A_125, %add3A_126 : i32
      %dma_wait3A_128 = arith.constant 0 : i32
      %dma_wait3A_129 = tpu.memref_slice %arg13[%add3A_127, %dma_wait3A_128] : memref<16x128xi32, #tpu.memory_space<vmem>> -> memref<1x128xi32, #tpu.memory_space<vmem>>
      %dma_wait3A_130 = tpu.memref_squeeze %dma_wait3A_129 : memref<1x128xi32, #tpu.memory_space<vmem>> -> memref<128xi32, #tpu.memory_space<vmem>>
      %dma_wait3A_131 = arith.constant 0 : i32
      %dma_wait3A_132 = arith.constant 0 : i32
      %dma_wait3A_133 = tpu.memref_slice %arg3[%dma_wait3A_131, %dma_wait3A_132] : memref<10240x64xf32, #tpu.memory_space<hbm>> -> memref<10240x64xf32, #tpu.memory_space<hbm>>
      tpu.wait_indirect_dma semaphore(%arg22 : memref<!tpu.dma_semaphore, #tpu.memory_space<semaphore_mem>>) src(%dma_wait3A_133 : memref<10240x64xf32, #tpu.memory_space<hbm>>) dst(%arg17 : memref<128x64xf32, #tpu.memory_space<vmem>>)
      %dma_start3A_134 = arith.constant 0 : i32
      %dma_start3A_135 = tpu.memref_slice %arg14[%add3A_127, %dma_start3A_134] : memref<16x128xi32, #tpu.memory_space<vmem>> -> memref<1x128xi32, #tpu.memory_space<vmem>>
      %dma_start3A_136 = tpu.memref_squeeze %dma_start3A_135 : memref<1x128xi32, #tpu.memory_space<vmem>> -> memref<128xi32, #tpu.memory_space<vmem>>
      %dma_start3A_137 = arith.constant 0 : i32
      %dma_start3A_138 = arith.constant 0 : i32
      %dma_start3A_139 = tpu.memref_slice %arg19[%dma_start3A_137, %dma_start3A_138] : memref<10240x64xf32, #tpu.memory_space<vmem_shared>> -> memref<10240x64xf32, #tpu.memory_space<vmem_shared>>
      tpu.enqueue_indirect_dma source(%arg17 : memref<128x64xf32, #tpu.memory_space<vmem>>) target(%dma_start3A_139 : memref<10240x64xf32, #tpu.memory_space<vmem_shared>>) offsets(%dma_start3A_136 : memref<128xi32, #tpu.memory_space<vmem>>) semaphore(%arg26 : memref<!tpu.dma_semaphore, #tpu.memory_space<semaphore_mem>>) {add = true}
      %ge3A_140 = arith.constant 2 : i32
      %ge3A_141 = arith.cmpi sge, %add3A_127, %ge3A_140 : i32
      %convert_element_type3A_142 = arith.extui %ge3A_141 : i1 to i32
      %cond3A_143 = arith.constant 0 : i32
      %cond3A_144 = arith.cmpi ne, %convert_element_type3A_142, %cond3A_143 : i32
      scf.if %cond3A_144 {
        %sub3A = arith.constant 2 : i32
        %sub3A_180 = arith.subi %add3A_127, %sub3A : i32
        %dma_wait3A_181 = arith.constant 0 : i32
        %dma_wait3A_182 = tpu.memref_slice %arg14[%sub3A_180, %dma_wait3A_181] : memref<16x128xi32, #tpu.memory_space<vmem>> -> memref<1x128xi32, #tpu.memory_space<vmem>>
        %dma_wait3A_183 = tpu.memref_squeeze %dma_wait3A_182 : memref<1x128xi32, #tpu.memory_space<vmem>> -> memref<128xi32, #tpu.memory_space<vmem>>
        %dma_wait3A_184 = arith.constant 0 : i32
        %dma_wait3A_185 = arith.constant 0 : i32
        %dma_wait3A_186 = tpu.memref_slice %arg19[%dma_wait3A_184, %dma_wait3A_185] : memref<10240x64xf32, #tpu.memory_space<vmem_shared>> -> memref<10240x64xf32, #tpu.memory_space<vmem_shared>>
        tpu.wait_indirect_dma semaphore(%arg24 : memref<!tpu.dma_semaphore, #tpu.memory_space<semaphore_mem>>) src(%arg15 : memref<128x64xf32, #tpu.memory_space<vmem>>) dst(%dma_wait3A_186 : memref<10240x64xf32, #tpu.memory_space<vmem_shared>>)
      } else {
      }
      %add3A_145 = arith.constant 2 : i32
      %add3A_146 = arith.addi %add3A_127, %add3A_145 : i32
      %lt3A_147 = arith.constant 16 : i32
      %lt3A_148 = arith.cmpi slt, %add3A_146, %lt3A_147 : i32
      %convert_element_type3A_149 = arith.extui %lt3A_148 : i1 to i32
      %cond3A_150 = arith.constant 0 : i32
      %cond3A_151 = arith.cmpi ne, %convert_element_type3A_149, %cond3A_150 : i32
      scf.if %cond3A_151 {
        %add3A_180 = arith.constant 2 : i32
        %add3A_181 = arith.addi %add3A_127, %add3A_180 : i32
        %dma_start3A_182 = arith.constant 0 : i32
        %dma_start3A_183 = tpu.memref_slice %arg13[%add3A_181, %dma_start3A_182] : memref<16x128xi32, #tpu.memory_space<vmem>> -> memref<1x128xi32, #tpu.memory_space<vmem>>
        %dma_start3A_184 = tpu.memref_squeeze %dma_start3A_183 : memref<1x128xi32, #tpu.memory_space<vmem>> -> memref<128xi32, #tpu.memory_space<vmem>>
        %dma_start3A_185 = arith.constant 0 : i32
        %dma_start3A_186 = arith.constant 0 : i32
        %dma_start3A_187 = tpu.memref_slice %arg3[%dma_start3A_185, %dma_start3A_186] : memref<10240x64xf32, #tpu.memory_space<hbm>> -> memref<10240x64xf32, #tpu.memory_space<hbm>>
        tpu.enqueue_indirect_dma source(%dma_start3A_187 : memref<10240x64xf32, #tpu.memory_space<hbm>>) target(%arg15 : memref<128x64xf32, #tpu.memory_space<vmem>>) offsets(%dma_start3A_184 : memref<128xi32, #tpu.memory_space<vmem>>) semaphore(%arg20 : memref<!tpu.dma_semaphore, #tpu.memory_space<semaphore_mem>>)
      } else {
      }
      %mul3A_152 = arith.constant 4 : i32
      %mul3A_153 = arith.muli %mul3A_152, %scan3A_71 : i32
      %add3A_154 = arith.constant 3 : i32
      %add3A_155 = arith.addi %mul3A_153, %add3A_154 : i32
      %dma_wait3A_156 = arith.constant 0 : i32
      %dma_wait3A_157 = tpu.memref_slice %arg13[%add3A_155, %dma_wait3A_156] : memref<16x128xi32, #tpu.memory_space<vmem>> -> memref<1x128xi32, #tpu.memory_space<vmem>>
      %dma_wait3A_158 = tpu.memref_squeeze %dma_wait3A_157 : memref<1x128xi32, #tpu.memory_space<vmem>> -> memref<128xi32, #tpu.memory_space<vmem>>
      %dma_wait3A_159 = arith.constant 0 : i32
      %dma_wait3A_160 = arith.constant 0 : i32
      %dma_wait3A_161 = tpu.memref_slice %arg3[%dma_wait3A_159, %dma_wait3A_160] : memref<10240x64xf32, #tpu.memory_space<hbm>> -> memref<10240x64xf32, #tpu.memory_space<hbm>>
      tpu.wait_indirect_dma semaphore(%arg23 : memref<!tpu.dma_semaphore, #tpu.memory_space<semaphore_mem>>) src(%dma_wait3A_161 : memref<10240x64xf32, #tpu.memory_space<hbm>>) dst(%arg18 : memref<128x64xf32, #tpu.memory_space<vmem>>)
      %dma_start3A_162 = arith.constant 0 : i32
      %dma_start3A_163 = tpu.memref_slice %arg14[%add3A_155, %dma_start3A_162] : memref<16x128xi32, #tpu.memory_space<vmem>> -> memref<1x128xi32, #tpu.memory_space<vmem>>
      %dma_start3A_164 = tpu.memref_squeeze %dma_start3A_163 : memref<1x128xi32, #tpu.memory_space<vmem>> -> memref<128xi32, #tpu.memory_space<vmem>>
      %dma_start3A_165 = arith.constant 0 : i32
      %dma_start3A_166 = arith.constant 0 : i32
      %dma_start3A_167 = tpu.memref_slice %arg19[%dma_start3A_165, %dma_start3A_166] : memref<10240x64xf32, #tpu.memory_space<vmem_shared>> -> memref<10240x64xf32, #tpu.memory_space<vmem_shared>>
      tpu.enqueue_indirect_dma source(%arg18 : memref<128x64xf32, #tpu.memory_space<vmem>>) target(%dma_start3A_167 : memref<10240x64xf32, #tpu.memory_space<vmem_shared>>) offsets(%dma_start3A_164 : memref<128xi32, #tpu.memory_space<vmem>>) semaphore(%arg27 : memref<!tpu.dma_semaphore, #tpu.memory_space<semaphore_mem>>) {add = true}
      %ge3A_168 = arith.constant 2 : i32
      %ge3A_169 = arith.cmpi sge, %add3A_155, %ge3A_168 : i32
      %convert_element_type3A_170 = arith.extui %ge3A_169 : i1 to i32
      %cond3A_171 = arith.constant 0 : i32
      %cond3A_172 = arith.cmpi ne, %convert_element_type3A_170, %cond3A_171 : i32
      scf.if %cond3A_172 {
        %sub3A = arith.constant 2 : i32
        %sub3A_180 = arith.subi %add3A_155, %sub3A : i32
        %dma_wait3A_181 = arith.constant 0 : i32
        %dma_wait3A_182 = tpu.memref_slice %arg14[%sub3A_180, %dma_wait3A_181] : memref<16x128xi32, #tpu.memory_space<vmem>> -> memref<1x128xi32, #tpu.memory_space<vmem>>
        %dma_wait3A_183 = tpu.memref_squeeze %dma_wait3A_182 : memref<1x128xi32, #tpu.memory_space<vmem>> -> memref<128xi32, #tpu.memory_space<vmem>>
        %dma_wait3A_184 = arith.constant 0 : i32
        %dma_wait3A_185 = arith.constant 0 : i32
        %dma_wait3A_186 = tpu.memref_slice %arg19[%dma_wait3A_184, %dma_wait3A_185] : memref<10240x64xf32, #tpu.memory_space<vmem_shared>> -> memref<10240x64xf32, #tpu.memory_space<vmem_shared>>
        tpu.wait_indirect_dma semaphore(%arg25 : memref<!tpu.dma_semaphore, #tpu.memory_space<semaphore_mem>>) src(%arg16 : memref<128x64xf32, #tpu.memory_space<vmem>>) dst(%dma_wait3A_186 : memref<10240x64xf32, #tpu.memory_space<vmem_shared>>)
      } else {
      }
      %add3A_173 = arith.constant 2 : i32
      %add3A_174 = arith.addi %add3A_155, %add3A_173 : i32
      %lt3A_175 = arith.constant 16 : i32
      %lt3A_176 = arith.cmpi slt, %add3A_174, %lt3A_175 : i32
      %convert_element_type3A_177 = arith.extui %lt3A_176 : i1 to i32
      %cond3A_178 = arith.constant 0 : i32
      %cond3A_179 = arith.cmpi ne, %convert_element_type3A_177, %cond3A_178 : i32
      scf.if %cond3A_179 {
        %add3A_180 = arith.constant 2 : i32
        %add3A_181 = arith.addi %add3A_155, %add3A_180 : i32
        %dma_start3A_182 = arith.constant 0 : i32
        %dma_start3A_183 = tpu.memref_slice %arg13[%add3A_181, %dma_start3A_182] : memref<16x128xi32, #tpu.memory_space<vmem>> -> memref<1x128xi32, #tpu.memory_space<vmem>>
        %dma_start3A_184 = tpu.memref_squeeze %dma_start3A_183 : memref<1x128xi32, #tpu.memory_space<vmem>> -> memref<128xi32, #tpu.memory_space<vmem>>
        %dma_start3A_185 = arith.constant 0 : i32
        %dma_start3A_186 = arith.constant 0 : i32
        %dma_start3A_187 = tpu.memref_slice %arg3[%dma_start3A_185, %dma_start3A_186] : memref<10240x64xf32, #tpu.memory_space<hbm>> -> memref<10240x64xf32, #tpu.memory_space<hbm>>
        tpu.enqueue_indirect_dma source(%dma_start3A_187 : memref<10240x64xf32, #tpu.memory_space<hbm>>) target(%arg16 : memref<128x64xf32, #tpu.memory_space<vmem>>) offsets(%dma_start3A_184 : memref<128xi32, #tpu.memory_space<vmem>>) semaphore(%arg21 : memref<!tpu.dma_semaphore, #tpu.memory_space<semaphore_mem>>)
      } else {
      }
    }
    %scan3A_55 = arith.constant 4 : i32
    %dma_wait3A_56 = arith.constant 14 : i32
    %dma_wait3A_57 = arith.constant 0 : i32
    %dma_wait3A_58 = tpu.memref_slice %arg14[%dma_wait3A_56, %dma_wait3A_57] : memref<16x128xi32, #tpu.memory_space<vmem>> -> memref<1x128xi32, #tpu.memory_space<vmem>>
    %dma_wait3A_59 = tpu.memref_squeeze %dma_wait3A_58 : memref<1x128xi32, #tpu.memory_space<vmem>> -> memref<128xi32, #tpu.memory_space<vmem>>
    %dma_wait3A_60 = arith.constant 0 : i32
    %dma_wait3A_61 = arith.constant 0 : i32
    %dma_wait3A_62 = tpu.memref_slice %arg19[%dma_wait3A_60, %dma_wait3A_61] : memref<10240x64xf32, #tpu.memory_space<vmem_shared>> -> memref<10240x64xf32, #tpu.memory_space<vmem_shared>>
    tpu.wait_indirect_dma semaphore(%arg26 : memref<!tpu.dma_semaphore, #tpu.memory_space<semaphore_mem>>) src(%arg17 : memref<128x64xf32, #tpu.memory_space<vmem>>) dst(%dma_wait3A_62 : memref<10240x64xf32, #tpu.memory_space<vmem_shared>>)
    %dma_wait3A_63 = arith.constant 15 : i32
    %dma_wait3A_64 = arith.constant 0 : i32
    %dma_wait3A_65 = tpu.memref_slice %arg14[%dma_wait3A_63, %dma_wait3A_64] : memref<16x128xi32, #tpu.memory_space<vmem>> -> memref<1x128xi32, #tpu.memory_space<vmem>>
    %dma_wait3A_66 = tpu.memref_squeeze %dma_wait3A_65 : memref<1x128xi32, #tpu.memory_space<vmem>> -> memref<128xi32, #tpu.memory_space<vmem>>
    %dma_wait3A_67 = arith.constant 0 : i32
    %dma_wait3A_68 = arith.constant 0 : i32
    %dma_wait3A_69 = tpu.memref_slice %arg19[%dma_wait3A_67, %dma_wait3A_68] : memref<10240x64xf32, #tpu.memory_space<vmem_shared>> -> memref<10240x64xf32, #tpu.memory_space<vmem_shared>>
    tpu.wait_indirect_dma semaphore(%arg27 : memref<!tpu.dma_semaphore, #tpu.memory_space<semaphore_mem>>) src(%arg18 : memref<128x64xf32, #tpu.memory_space<vmem>>) dst(%dma_wait3A_69 : memref<10240x64xf32, #tpu.memory_space<vmem_shared>>)
    %barrier3A_70 = arith.constant 0 : index
    tpu.barrier barrier_id(%barrier3A_70)
    "tpu.region"() ({
      %run_scoped3A = tpu.sem_alloc : memref<!tpu.dma_semaphore, #tpu.memory_space<semaphore_mem>>
      %dma_start3A_71 = arith.constant 0 : i32
      %dma_start3A_72 = arith.constant 0 : i32
      %dma_start3A_73 = tpu.memref_slice %arg10[%arg0, %dma_start3A_71, %dma_start3A_72] : memref<2x10240x128xf32, #tpu.memory_space<hbm>> -> memref<1x10240x128xf32, #tpu.memory_space<hbm>>
      %dma_start3A_74 = tpu.memref_squeeze %dma_start3A_73 : memref<1x10240x128xf32, #tpu.memory_space<hbm>> -> memref<10240x128xf32, #tpu.memory_space<hbm>>
      %dma_start3A_75 = arith.constant 0 : i32
      %dma_start3A_76 = tpu.memref_slice %dma_start3A_74[%mul3A_2, %dma_start3A_75] : memref<10240x128xf32, #tpu.memory_space<hbm>> -> memref<640x64xf32, #tpu.memory_space<hbm>>
      %dma_start3A_77 = arith.constant 0 : i32
      %dma_start3A_78 = tpu.memref_slice %arg19[%mul3A_2, %dma_start3A_77] : memref<10240x64xf32, #tpu.memory_space<vmem_shared>> -> memref<640x64xf32, #tpu.memory_space<vmem_shared>>
      tpu.enqueue_dma source(%dma_start3A_78 : memref<640x64xf32, #tpu.memory_space<vmem_shared>>) target(%dma_start3A_76 : memref<640x64xf32, #tpu.memory_space<hbm>>) target_semaphore(%run_scoped3A : memref<!tpu.dma_semaphore, #tpu.memory_space<semaphore_mem>>)
      %dma_wait3A_79 = arith.constant 0 : i32
      %dma_wait3A_80 = arith.constant 0 : i32
      %dma_wait3A_81 = tpu.memref_slice %arg10[%arg0, %dma_wait3A_79, %dma_wait3A_80] : memref<2x10240x128xf32, #tpu.memory_space<hbm>> -> memref<1x10240x128xf32, #tpu.memory_space<hbm>>
      %dma_wait3A_82 = tpu.memref_squeeze %dma_wait3A_81 : memref<1x10240x128xf32, #tpu.memory_space<hbm>> -> memref<10240x128xf32, #tpu.memory_space<hbm>>
      %dma_wait3A_83 = arith.constant 0 : i32
      %dma_wait3A_84 = tpu.memref_slice %dma_wait3A_82[%mul3A_2, %dma_wait3A_83] : memref<10240x128xf32, #tpu.memory_space<hbm>> -> memref<640x64xf32, #tpu.memory_space<hbm>>
      %dma_wait3A_85 = arith.constant 0 : i32
      %dma_wait3A_86 = tpu.memref_slice %arg19[%mul3A_2, %dma_wait3A_85] : memref<10240x64xf32, #tpu.memory_space<vmem_shared>> -> memref<640x64xf32, #tpu.memory_space<vmem_shared>>
      tpu.wait_dma2 semaphore(%run_scoped3A : memref<!tpu.dma_semaphore, #tpu.memory_space<semaphore_mem>>) src(%dma_wait3A_86 : memref<640x64xf32, #tpu.memory_space<vmem_shared>>) dst(%dma_wait3A_84 : memref<640x64xf32, #tpu.memory_space<hbm>>)
      tpu.yield
    }) : () -> ()
    return
  }
}

#map = affine_map<(d0, d1) -> (0, 0)>
#map1 = affine_map<(d0, d1) -> (0, 0, 0)>
module attributes {stable_mosaic.version = 14 : i64} {
  func.func @agg_kernel(%arg0: i32, %arg1: i32, %arg2: memref<10240x32xf32, #tpu.memory_space<hbm>>, %arg3: memref<10240x32xf32, #tpu.memory_space<hbm>>, %arg4: memref<32x80x128xi32, #tpu.memory_space<hbm>>, %arg5: memref<32x80x128xi32, #tpu.memory_space<hbm>>, %arg6: memref<32x16x128xi32, #tpu.memory_space<hbm>>, %arg7: memref<32x16x128xi32, #tpu.memory_space<hbm>>, %arg8: memref<10240x32xf32, #tpu.memory_space<hbm>>, %arg9: memref<2x10240x128xf32, #tpu.memory_space<hbm>>, %arg10: memref<2x10240x128xf32, #tpu.memory_space<hbm>>, %arg11: memref<80x128xi32, #tpu.memory_space<vmem>>, %arg12: memref<80x128xi32, #tpu.memory_space<vmem>>, %arg13: memref<16x128xi32, #tpu.memory_space<vmem>>, %arg14: memref<16x128xi32, #tpu.memory_space<vmem>>, %arg15: memref<128x32xf32, #tpu.memory_space<vmem>>, %arg16: memref<128x32xf32, #tpu.memory_space<vmem>>, %arg17: memref<128x32xf32, #tpu.memory_space<vmem>>, %arg18: memref<128x32xf32, #tpu.memory_space<vmem>>, %arg19: memref<10240x32xf32, #tpu.memory_space<vmem_shared>>, %arg20: memref<!tpu.dma_semaphore, #tpu.memory_space<semaphore_mem>>, %arg21: memref<!tpu.dma_semaphore, #tpu.memory_space<semaphore_mem>>, %arg22: memref<!tpu.dma_semaphore, #tpu.memory_space<semaphore_mem>>, %arg23: memref<!tpu.dma_semaphore, #tpu.memory_space<semaphore_mem>>, %arg24: memref<!tpu.dma_semaphore, #tpu.memory_space<semaphore_mem>>, %arg25: memref<!tpu.dma_semaphore, #tpu.memory_space<semaphore_mem>>, %arg26: memref<!tpu.dma_semaphore, #tpu.memory_space<semaphore_mem>>, %arg27: memref<!tpu.dma_semaphore, #tpu.memory_space<semaphore_mem>>) attributes {dimension_semantics = [#tpu.dimension_semantics<core_parallel>, #tpu.dimension_semantics<subcore_parallel>], iteration_bounds = array<i64: 2, 16>, scalar_prefetch = 0 : i64, scratch_operands = 17 : i64, tpu.core_type = #tpu.core_type<sc_vector_subcore>, window_params = [{transform_indices = #map}, {transform_indices = #map}, {transform_indices = #map1}, {transform_indices = #map1}, {transform_indices = #map1}, {transform_indices = #map1}, {transform_indices = #map}, {transform_indices = #map1}, {transform_indices = #map1}]} {
    %mul3A = arith.constant 2 : i32
    %mul3A_0 = arith.muli %arg1, %mul3A : i32
    %add3A = arith.addi %mul3A_0, %arg0 : i32
    %mul3A_1 = arith.constant 640 : i32
    %mul3A_2 = arith.muli %arg1, %mul3A_1 : i32
    "tpu.region"() ({
      %run_scoped3A = tpu.sem_alloc : memref<!tpu.dma_semaphore, #tpu.memory_space<semaphore_mem>>
      %dma_start3A_71 = arith.constant 0 : i32
      %dma_start3A_72 = tpu.memref_slice %arg19[%mul3A_2, %dma_start3A_71] : memref<10240x32xf32, #tpu.memory_space<vmem_shared>> -> memref<640x32xf32, #tpu.memory_space<vmem_shared>>
      %dma_start3A_73 = arith.constant 0 : i32
      %dma_start3A_74 = tpu.memref_slice %arg8[%mul3A_2, %dma_start3A_73] : memref<10240x32xf32, #tpu.memory_space<hbm>> -> memref<640x32xf32, #tpu.memory_space<hbm>>
      tpu.enqueue_dma source(%dma_start3A_74 : memref<640x32xf32, #tpu.memory_space<hbm>>) target(%dma_start3A_72 : memref<640x32xf32, #tpu.memory_space<vmem_shared>>) target_semaphore(%run_scoped3A : memref<!tpu.dma_semaphore, #tpu.memory_space<semaphore_mem>>)
      %dma_wait3A_75 = arith.constant 0 : i32
      %dma_wait3A_76 = tpu.memref_slice %arg19[%mul3A_2, %dma_wait3A_75] : memref<10240x32xf32, #tpu.memory_space<vmem_shared>> -> memref<640x32xf32, #tpu.memory_space<vmem_shared>>
      %dma_wait3A_77 = arith.constant 0 : i32
      %dma_wait3A_78 = tpu.memref_slice %arg8[%mul3A_2, %dma_wait3A_77] : memref<10240x32xf32, #tpu.memory_space<hbm>> -> memref<640x32xf32, #tpu.memory_space<hbm>>
      tpu.wait_dma2 semaphore(%run_scoped3A : memref<!tpu.dma_semaphore, #tpu.memory_space<semaphore_mem>>) src(%dma_wait3A_78 : memref<640x32xf32, #tpu.memory_space<hbm>>) dst(%dma_wait3A_76 : memref<640x32xf32, #tpu.memory_space<vmem_shared>>)
      tpu.yield
    }) : () -> ()
    "tpu.region"() ({
      %run_scoped3A = tpu.sem_alloc : memref<!tpu.dma_semaphore, #tpu.memory_space<semaphore_mem>>
      %dma_start3A_71 = arith.constant 0 : i32
      %dma_start3A_72 = arith.constant 0 : i32
      %dma_start3A_73 = tpu.memref_slice %arg4[%add3A, %dma_start3A_71, %dma_start3A_72] : memref<32x80x128xi32, #tpu.memory_space<hbm>> -> memref<1x80x128xi32, #tpu.memory_space<hbm>>
      %dma_start3A_74 = tpu.memref_squeeze %dma_start3A_73 : memref<1x80x128xi32, #tpu.memory_space<hbm>> -> memref<80x128xi32, #tpu.memory_space<hbm>>
      %dma_start3A_75 = arith.constant 0 : i32
      %dma_start3A_76 = arith.constant 0 : i32
      %dma_start3A_77 = tpu.memref_slice %arg4[%add3A, %dma_start3A_75, %dma_start3A_76] : memref<32x80x128xi32, #tpu.memory_space<hbm>> -> memref<1x80x128xi32, #tpu.memory_space<hbm>>
      %dma_start3A_78 = tpu.memref_squeeze %dma_start3A_77 : memref<1x80x128xi32, #tpu.memory_space<hbm>> -> memref<80x128xi32, #tpu.memory_space<hbm>>
      tpu.enqueue_dma source(%dma_start3A_78 : memref<80x128xi32, #tpu.memory_space<hbm>>) target(%arg11 : memref<80x128xi32, #tpu.memory_space<vmem>>) target_semaphore(%run_scoped3A : memref<!tpu.dma_semaphore, #tpu.memory_space<semaphore_mem>>)
      %dma_wait3A_79 = arith.constant 0 : i32
      %dma_wait3A_80 = arith.constant 0 : i32
      %dma_wait3A_81 = tpu.memref_slice %arg4[%add3A, %dma_wait3A_79, %dma_wait3A_80] : memref<32x80x128xi32, #tpu.memory_space<hbm>> -> memref<1x80x128xi32, #tpu.memory_space<hbm>>
      %dma_wait3A_82 = tpu.memref_squeeze %dma_wait3A_81 : memref<1x80x128xi32, #tpu.memory_space<hbm>> -> memref<80x128xi32, #tpu.memory_space<hbm>>
      %dma_wait3A_83 = arith.constant 0 : i32
      %dma_wait3A_84 = arith.constant 0 : i32
      %dma_wait3A_85 = tpu.memref_slice %arg4[%add3A, %dma_wait3A_83, %dma_wait3A_84] : memref<32x80x128xi32, #tpu.memory_space<hbm>> -> memref<1x80x128xi32, #tpu.memory_space<hbm>>
      %dma_wait3A_86 = tpu.memref_squeeze %dma_wait3A_85 : memref<1x80x128xi32, #tpu.memory_space<hbm>> -> memref<80x128xi32, #tpu.memory_space<hbm>>
      tpu.wait_dma2 semaphore(%run_scoped3A : memref<!tpu.dma_semaphore, #tpu.memory_space<semaphore_mem>>) src(%dma_wait3A_86 : memref<80x128xi32, #tpu.memory_space<hbm>>) dst(%arg11 : memref<80x128xi32, #tpu.memory_space<vmem>>)
      tpu.yield
    }) : () -> ()
    "tpu.region"() ({
      %run_scoped3A = tpu.sem_alloc : memref<!tpu.dma_semaphore, #tpu.memory_space<semaphore_mem>>
      %dma_start3A_71 = arith.constant 0 : i32
      %dma_start3A_72 = arith.constant 0 : i32
      %dma_start3A_73 = tpu.memref_slice %arg5[%add3A, %dma_start3A_71, %dma_start3A_72] : memref<32x80x128xi32, #tpu.memory_space<hbm>> -> memref<1x80x128xi32, #tpu.memory_space<hbm>>
      %dma_start3A_74 = tpu.memref_squeeze %dma_start3A_73 : memref<1x80x128xi32, #tpu.memory_space<hbm>> -> memref<80x128xi32, #tpu.memory_space<hbm>>
      %dma_start3A_75 = arith.constant 0 : i32
      %dma_start3A_76 = arith.constant 0 : i32
      %dma_start3A_77 = tpu.memref_slice %arg5[%add3A, %dma_start3A_75, %dma_start3A_76] : memref<32x80x128xi32, #tpu.memory_space<hbm>> -> memref<1x80x128xi32, #tpu.memory_space<hbm>>
      %dma_start3A_78 = tpu.memref_squeeze %dma_start3A_77 : memref<1x80x128xi32, #tpu.memory_space<hbm>> -> memref<80x128xi32, #tpu.memory_space<hbm>>
      tpu.enqueue_dma source(%dma_start3A_78 : memref<80x128xi32, #tpu.memory_space<hbm>>) target(%arg12 : memref<80x128xi32, #tpu.memory_space<vmem>>) target_semaphore(%run_scoped3A : memref<!tpu.dma_semaphore, #tpu.memory_space<semaphore_mem>>)
      %dma_wait3A_79 = arith.constant 0 : i32
      %dma_wait3A_80 = arith.constant 0 : i32
      %dma_wait3A_81 = tpu.memref_slice %arg5[%add3A, %dma_wait3A_79, %dma_wait3A_80] : memref<32x80x128xi32, #tpu.memory_space<hbm>> -> memref<1x80x128xi32, #tpu.memory_space<hbm>>
      %dma_wait3A_82 = tpu.memref_squeeze %dma_wait3A_81 : memref<1x80x128xi32, #tpu.memory_space<hbm>> -> memref<80x128xi32, #tpu.memory_space<hbm>>
      %dma_wait3A_83 = arith.constant 0 : i32
      %dma_wait3A_84 = arith.constant 0 : i32
      %dma_wait3A_85 = tpu.memref_slice %arg5[%add3A, %dma_wait3A_83, %dma_wait3A_84] : memref<32x80x128xi32, #tpu.memory_space<hbm>> -> memref<1x80x128xi32, #tpu.memory_space<hbm>>
      %dma_wait3A_86 = tpu.memref_squeeze %dma_wait3A_85 : memref<1x80x128xi32, #tpu.memory_space<hbm>> -> memref<80x128xi32, #tpu.memory_space<hbm>>
      tpu.wait_dma2 semaphore(%run_scoped3A : memref<!tpu.dma_semaphore, #tpu.memory_space<semaphore_mem>>) src(%dma_wait3A_86 : memref<80x128xi32, #tpu.memory_space<hbm>>) dst(%arg12 : memref<80x128xi32, #tpu.memory_space<vmem>>)
      tpu.yield
    }) : () -> ()
    "tpu.region"() ({
      %run_scoped3A = tpu.sem_alloc : memref<!tpu.dma_semaphore, #tpu.memory_space<semaphore_mem>>
      %dma_start3A_71 = arith.constant 0 : i32
      %dma_start3A_72 = arith.constant 0 : i32
      %dma_start3A_73 = tpu.memref_slice %arg6[%add3A, %dma_start3A_71, %dma_start3A_72] : memref<32x16x128xi32, #tpu.memory_space<hbm>> -> memref<1x16x128xi32, #tpu.memory_space<hbm>>
      %dma_start3A_74 = tpu.memref_squeeze %dma_start3A_73 : memref<1x16x128xi32, #tpu.memory_space<hbm>> -> memref<16x128xi32, #tpu.memory_space<hbm>>
      %dma_start3A_75 = arith.constant 0 : i32
      %dma_start3A_76 = arith.constant 0 : i32
      %dma_start3A_77 = tpu.memref_slice %arg6[%add3A, %dma_start3A_75, %dma_start3A_76] : memref<32x16x128xi32, #tpu.memory_space<hbm>> -> memref<1x16x128xi32, #tpu.memory_space<hbm>>
      %dma_start3A_78 = tpu.memref_squeeze %dma_start3A_77 : memref<1x16x128xi32, #tpu.memory_space<hbm>> -> memref<16x128xi32, #tpu.memory_space<hbm>>
      tpu.enqueue_dma source(%dma_start3A_78 : memref<16x128xi32, #tpu.memory_space<hbm>>) target(%arg13 : memref<16x128xi32, #tpu.memory_space<vmem>>) target_semaphore(%run_scoped3A : memref<!tpu.dma_semaphore, #tpu.memory_space<semaphore_mem>>)
      %dma_wait3A_79 = arith.constant 0 : i32
      %dma_wait3A_80 = arith.constant 0 : i32
      %dma_wait3A_81 = tpu.memref_slice %arg6[%add3A, %dma_wait3A_79, %dma_wait3A_80] : memref<32x16x128xi32, #tpu.memory_space<hbm>> -> memref<1x16x128xi32, #tpu.memory_space<hbm>>
      %dma_wait3A_82 = tpu.memref_squeeze %dma_wait3A_81 : memref<1x16x128xi32, #tpu.memory_space<hbm>> -> memref<16x128xi32, #tpu.memory_space<hbm>>
      %dma_wait3A_83 = arith.constant 0 : i32
      %dma_wait3A_84 = arith.constant 0 : i32
      %dma_wait3A_85 = tpu.memref_slice %arg6[%add3A, %dma_wait3A_83, %dma_wait3A_84] : memref<32x16x128xi32, #tpu.memory_space<hbm>> -> memref<1x16x128xi32, #tpu.memory_space<hbm>>
      %dma_wait3A_86 = tpu.memref_squeeze %dma_wait3A_85 : memref<1x16x128xi32, #tpu.memory_space<hbm>> -> memref<16x128xi32, #tpu.memory_space<hbm>>
      tpu.wait_dma2 semaphore(%run_scoped3A : memref<!tpu.dma_semaphore, #tpu.memory_space<semaphore_mem>>) src(%dma_wait3A_86 : memref<16x128xi32, #tpu.memory_space<hbm>>) dst(%arg13 : memref<16x128xi32, #tpu.memory_space<vmem>>)
      tpu.yield
    }) : () -> ()
    "tpu.region"() ({
      %run_scoped3A = tpu.sem_alloc : memref<!tpu.dma_semaphore, #tpu.memory_space<semaphore_mem>>
      %dma_start3A_71 = arith.constant 0 : i32
      %dma_start3A_72 = arith.constant 0 : i32
      %dma_start3A_73 = tpu.memref_slice %arg7[%add3A, %dma_start3A_71, %dma_start3A_72] : memref<32x16x128xi32, #tpu.memory_space<hbm>> -> memref<1x16x128xi32, #tpu.memory_space<hbm>>
      %dma_start3A_74 = tpu.memref_squeeze %dma_start3A_73 : memref<1x16x128xi32, #tpu.memory_space<hbm>> -> memref<16x128xi32, #tpu.memory_space<hbm>>
      %dma_start3A_75 = arith.constant 0 : i32
      %dma_start3A_76 = arith.constant 0 : i32
      %dma_start3A_77 = tpu.memref_slice %arg7[%add3A, %dma_start3A_75, %dma_start3A_76] : memref<32x16x128xi32, #tpu.memory_space<hbm>> -> memref<1x16x128xi32, #tpu.memory_space<hbm>>
      %dma_start3A_78 = tpu.memref_squeeze %dma_start3A_77 : memref<1x16x128xi32, #tpu.memory_space<hbm>> -> memref<16x128xi32, #tpu.memory_space<hbm>>
      tpu.enqueue_dma source(%dma_start3A_78 : memref<16x128xi32, #tpu.memory_space<hbm>>) target(%arg14 : memref<16x128xi32, #tpu.memory_space<vmem>>) target_semaphore(%run_scoped3A : memref<!tpu.dma_semaphore, #tpu.memory_space<semaphore_mem>>)
      %dma_wait3A_79 = arith.constant 0 : i32
      %dma_wait3A_80 = arith.constant 0 : i32
      %dma_wait3A_81 = tpu.memref_slice %arg7[%add3A, %dma_wait3A_79, %dma_wait3A_80] : memref<32x16x128xi32, #tpu.memory_space<hbm>> -> memref<1x16x128xi32, #tpu.memory_space<hbm>>
      %dma_wait3A_82 = tpu.memref_squeeze %dma_wait3A_81 : memref<1x16x128xi32, #tpu.memory_space<hbm>> -> memref<16x128xi32, #tpu.memory_space<hbm>>
      %dma_wait3A_83 = arith.constant 0 : i32
      %dma_wait3A_84 = arith.constant 0 : i32
      %dma_wait3A_85 = tpu.memref_slice %arg7[%add3A, %dma_wait3A_83, %dma_wait3A_84] : memref<32x16x128xi32, #tpu.memory_space<hbm>> -> memref<1x16x128xi32, #tpu.memory_space<hbm>>
      %dma_wait3A_86 = tpu.memref_squeeze %dma_wait3A_85 : memref<1x16x128xi32, #tpu.memory_space<hbm>> -> memref<16x128xi32, #tpu.memory_space<hbm>>
      tpu.wait_dma2 semaphore(%run_scoped3A : memref<!tpu.dma_semaphore, #tpu.memory_space<semaphore_mem>>) src(%dma_wait3A_86 : memref<16x128xi32, #tpu.memory_space<hbm>>) dst(%arg14 : memref<16x128xi32, #tpu.memory_space<vmem>>)
      tpu.yield
    }) : () -> ()
    %barrier3A = arith.constant 0 : index
    tpu.barrier barrier_id(%barrier3A)
    %dma_start3A = arith.constant 0 : i32
    %dma_start3A_3 = arith.constant 0 : i32
    %dma_start3A_4 = tpu.memref_slice %arg11[%dma_start3A, %dma_start3A_3] : memref<80x128xi32, #tpu.memory_space<vmem>> -> memref<1x128xi32, #tpu.memory_space<vmem>>
    %dma_start3A_5 = tpu.memref_squeeze %dma_start3A_4 : memref<1x128xi32, #tpu.memory_space<vmem>> -> memref<128xi32, #tpu.memory_space<vmem>>
    %dma_start3A_6 = arith.constant 0 : i32
    %dma_start3A_7 = arith.constant 0 : i32
    %dma_start3A_8 = tpu.memref_slice %arg2[%dma_start3A_6, %dma_start3A_7] : memref<10240x32xf32, #tpu.memory_space<hbm>> -> memref<10240x32xf32, #tpu.memory_space<hbm>>
    tpu.enqueue_indirect_dma source(%dma_start3A_8 : memref<10240x32xf32, #tpu.memory_space<hbm>>) target(%arg15 : memref<128x32xf32, #tpu.memory_space<vmem>>) offsets(%dma_start3A_5 : memref<128xi32, #tpu.memory_space<vmem>>) semaphore(%arg20 : memref<!tpu.dma_semaphore, #tpu.memory_space<semaphore_mem>>)
    %dma_start3A_9 = arith.constant 1 : i32
    %dma_start3A_10 = arith.constant 0 : i32
    %dma_start3A_11 = tpu.memref_slice %arg11[%dma_start3A_9, %dma_start3A_10] : memref<80x128xi32, #tpu.memory_space<vmem>> -> memref<1x128xi32, #tpu.memory_space<vmem>>
    %dma_start3A_12 = tpu.memref_squeeze %dma_start3A_11 : memref<1x128xi32, #tpu.memory_space<vmem>> -> memref<128xi32, #tpu.memory_space<vmem>>
    %dma_start3A_13 = arith.constant 0 : i32
    %dma_start3A_14 = arith.constant 0 : i32
    %dma_start3A_15 = tpu.memref_slice %arg2[%dma_start3A_13, %dma_start3A_14] : memref<10240x32xf32, #tpu.memory_space<hbm>> -> memref<10240x32xf32, #tpu.memory_space<hbm>>
    tpu.enqueue_indirect_dma source(%dma_start3A_15 : memref<10240x32xf32, #tpu.memory_space<hbm>>) target(%arg16 : memref<128x32xf32, #tpu.memory_space<vmem>>) offsets(%dma_start3A_12 : memref<128xi32, #tpu.memory_space<vmem>>) semaphore(%arg21 : memref<!tpu.dma_semaphore, #tpu.memory_space<semaphore_mem>>)
    %scan3A = arith.constant 0 : i32
    %scan3A_16 = arith.constant 0 : i32
    %scan3A_17 = arith.constant 20 : i32
    %scan3A_18 = arith.addi %scan3A_16, %scan3A_17 : i32
    %scan3A_19 = arith.constant 1 : i32
    scf.for %scan3A_71 = %scan3A_16 to %scan3A_18 step %scan3A_19  : i32 {
      %mul3A_72 = arith.constant 4 : i32
      %mul3A_73 = arith.muli %mul3A_72, %scan3A_71 : i32
      %add3A_74 = arith.constant 0 : i32
      %add3A_75 = arith.addi %mul3A_73, %add3A_74 : i32
      %dma_wait3A_76 = arith.constant 0 : i32
      %dma_wait3A_77 = tpu.memref_slice %arg11[%add3A_75, %dma_wait3A_76] : memref<80x128xi32, #tpu.memory_space<vmem>> -> memref<1x128xi32, #tpu.memory_space<vmem>>
      %dma_wait3A_78 = tpu.memref_squeeze %dma_wait3A_77 : memref<1x128xi32, #tpu.memory_space<vmem>> -> memref<128xi32, #tpu.memory_space<vmem>>
      %dma_wait3A_79 = arith.constant 0 : i32
      %dma_wait3A_80 = arith.constant 0 : i32
      %dma_wait3A_81 = tpu.memref_slice %arg2[%dma_wait3A_79, %dma_wait3A_80] : memref<10240x32xf32, #tpu.memory_space<hbm>> -> memref<10240x32xf32, #tpu.memory_space<hbm>>
      tpu.wait_indirect_dma semaphore(%arg20 : memref<!tpu.dma_semaphore, #tpu.memory_space<semaphore_mem>>) src(%dma_wait3A_81 : memref<10240x32xf32, #tpu.memory_space<hbm>>) dst(%arg15 : memref<128x32xf32, #tpu.memory_space<vmem>>)
      %dma_start3A_82 = arith.constant 0 : i32
      %dma_start3A_83 = tpu.memref_slice %arg12[%add3A_75, %dma_start3A_82] : memref<80x128xi32, #tpu.memory_space<vmem>> -> memref<1x128xi32, #tpu.memory_space<vmem>>
      %dma_start3A_84 = tpu.memref_squeeze %dma_start3A_83 : memref<1x128xi32, #tpu.memory_space<vmem>> -> memref<128xi32, #tpu.memory_space<vmem>>
      %dma_start3A_85 = arith.constant 0 : i32
      %dma_start3A_86 = arith.constant 0 : i32
      %dma_start3A_87 = tpu.memref_slice %arg19[%dma_start3A_85, %dma_start3A_86] : memref<10240x32xf32, #tpu.memory_space<vmem_shared>> -> memref<10240x32xf32, #tpu.memory_space<vmem_shared>>
      tpu.enqueue_indirect_dma source(%arg15 : memref<128x32xf32, #tpu.memory_space<vmem>>) target(%dma_start3A_87 : memref<10240x32xf32, #tpu.memory_space<vmem_shared>>) offsets(%dma_start3A_84 : memref<128xi32, #tpu.memory_space<vmem>>) semaphore(%arg24 : memref<!tpu.dma_semaphore, #tpu.memory_space<semaphore_mem>>) {add = true}
      %ge3A = arith.constant 2 : i32
      %ge3A_88 = arith.cmpi sge, %add3A_75, %ge3A : i32
      %convert_element_type3A = arith.extui %ge3A_88 : i1 to i32
      %cond3A = arith.constant 0 : i32
      %cond3A_89 = arith.cmpi ne, %convert_element_type3A, %cond3A : i32
      scf.if %cond3A_89 {
        %sub3A = arith.constant 2 : i32
        %sub3A_180 = arith.subi %add3A_75, %sub3A : i32
        %dma_wait3A_181 = arith.constant 0 : i32
        %dma_wait3A_182 = tpu.memref_slice %arg12[%sub3A_180, %dma_wait3A_181] : memref<80x128xi32, #tpu.memory_space<vmem>> -> memref<1x128xi32, #tpu.memory_space<vmem>>
        %dma_wait3A_183 = tpu.memref_squeeze %dma_wait3A_182 : memref<1x128xi32, #tpu.memory_space<vmem>> -> memref<128xi32, #tpu.memory_space<vmem>>
        %dma_wait3A_184 = arith.constant 0 : i32
        %dma_wait3A_185 = arith.constant 0 : i32
        %dma_wait3A_186 = tpu.memref_slice %arg19[%dma_wait3A_184, %dma_wait3A_185] : memref<10240x32xf32, #tpu.memory_space<vmem_shared>> -> memref<10240x32xf32, #tpu.memory_space<vmem_shared>>
        tpu.wait_indirect_dma semaphore(%arg26 : memref<!tpu.dma_semaphore, #tpu.memory_space<semaphore_mem>>) src(%arg17 : memref<128x32xf32, #tpu.memory_space<vmem>>) dst(%dma_wait3A_186 : memref<10240x32xf32, #tpu.memory_space<vmem_shared>>)
      } else {
      }
      %add3A_90 = arith.constant 2 : i32
      %add3A_91 = arith.addi %add3A_75, %add3A_90 : i32
      %lt3A = arith.constant 80 : i32
      %lt3A_92 = arith.cmpi slt, %add3A_91, %lt3A : i32
      %convert_element_type3A_93 = arith.extui %lt3A_92 : i1 to i32
      %cond3A_94 = arith.constant 0 : i32
      %cond3A_95 = arith.cmpi ne, %convert_element_type3A_93, %cond3A_94 : i32
      scf.if %cond3A_95 {
        %add3A_180 = arith.constant 2 : i32
        %add3A_181 = arith.addi %add3A_75, %add3A_180 : i32
        %dma_start3A_182 = arith.constant 0 : i32
        %dma_start3A_183 = tpu.memref_slice %arg11[%add3A_181, %dma_start3A_182] : memref<80x128xi32, #tpu.memory_space<vmem>> -> memref<1x128xi32, #tpu.memory_space<vmem>>
        %dma_start3A_184 = tpu.memref_squeeze %dma_start3A_183 : memref<1x128xi32, #tpu.memory_space<vmem>> -> memref<128xi32, #tpu.memory_space<vmem>>
        %dma_start3A_185 = arith.constant 0 : i32
        %dma_start3A_186 = arith.constant 0 : i32
        %dma_start3A_187 = tpu.memref_slice %arg2[%dma_start3A_185, %dma_start3A_186] : memref<10240x32xf32, #tpu.memory_space<hbm>> -> memref<10240x32xf32, #tpu.memory_space<hbm>>
        tpu.enqueue_indirect_dma source(%dma_start3A_187 : memref<10240x32xf32, #tpu.memory_space<hbm>>) target(%arg17 : memref<128x32xf32, #tpu.memory_space<vmem>>) offsets(%dma_start3A_184 : memref<128xi32, #tpu.memory_space<vmem>>) semaphore(%arg22 : memref<!tpu.dma_semaphore, #tpu.memory_space<semaphore_mem>>)
      } else {
      }
      %mul3A_96 = arith.constant 4 : i32
      %mul3A_97 = arith.muli %mul3A_96, %scan3A_71 : i32
      %add3A_98 = arith.constant 1 : i32
      %add3A_99 = arith.addi %mul3A_97, %add3A_98 : i32
      %dma_wait3A_100 = arith.constant 0 : i32
      %dma_wait3A_101 = tpu.memref_slice %arg11[%add3A_99, %dma_wait3A_100] : memref<80x128xi32, #tpu.memory_space<vmem>> -> memref<1x128xi32, #tpu.memory_space<vmem>>
      %dma_wait3A_102 = tpu.memref_squeeze %dma_wait3A_101 : memref<1x128xi32, #tpu.memory_space<vmem>> -> memref<128xi32, #tpu.memory_space<vmem>>
      %dma_wait3A_103 = arith.constant 0 : i32
      %dma_wait3A_104 = arith.constant 0 : i32
      %dma_wait3A_105 = tpu.memref_slice %arg2[%dma_wait3A_103, %dma_wait3A_104] : memref<10240x32xf32, #tpu.memory_space<hbm>> -> memref<10240x32xf32, #tpu.memory_space<hbm>>
      tpu.wait_indirect_dma semaphore(%arg21 : memref<!tpu.dma_semaphore, #tpu.memory_space<semaphore_mem>>) src(%dma_wait3A_105 : memref<10240x32xf32, #tpu.memory_space<hbm>>) dst(%arg16 : memref<128x32xf32, #tpu.memory_space<vmem>>)
      %dma_start3A_106 = arith.constant 0 : i32
      %dma_start3A_107 = tpu.memref_slice %arg12[%add3A_99, %dma_start3A_106] : memref<80x128xi32, #tpu.memory_space<vmem>> -> memref<1x128xi32, #tpu.memory_space<vmem>>
      %dma_start3A_108 = tpu.memref_squeeze %dma_start3A_107 : memref<1x128xi32, #tpu.memory_space<vmem>> -> memref<128xi32, #tpu.memory_space<vmem>>
      %dma_start3A_109 = arith.constant 0 : i32
      %dma_start3A_110 = arith.constant 0 : i32
      %dma_start3A_111 = tpu.memref_slice %arg19[%dma_start3A_109, %dma_start3A_110] : memref<10240x32xf32, #tpu.memory_space<vmem_shared>> -> memref<10240x32xf32, #tpu.memory_space<vmem_shared>>
      tpu.enqueue_indirect_dma source(%arg16 : memref<128x32xf32, #tpu.memory_space<vmem>>) target(%dma_start3A_111 : memref<10240x32xf32, #tpu.memory_space<vmem_shared>>) offsets(%dma_start3A_108 : memref<128xi32, #tpu.memory_space<vmem>>) semaphore(%arg25 : memref<!tpu.dma_semaphore, #tpu.memory_space<semaphore_mem>>) {add = true}
      %ge3A_112 = arith.constant 2 : i32
      %ge3A_113 = arith.cmpi sge, %add3A_99, %ge3A_112 : i32
      %convert_element_type3A_114 = arith.extui %ge3A_113 : i1 to i32
      %cond3A_115 = arith.constant 0 : i32
      %cond3A_116 = arith.cmpi ne, %convert_element_type3A_114, %cond3A_115 : i32
      scf.if %cond3A_116 {
        %sub3A = arith.constant 2 : i32
        %sub3A_180 = arith.subi %add3A_99, %sub3A : i32
        %dma_wait3A_181 = arith.constant 0 : i32
        %dma_wait3A_182 = tpu.memref_slice %arg12[%sub3A_180, %dma_wait3A_181] : memref<80x128xi32, #tpu.memory_space<vmem>> -> memref<1x128xi32, #tpu.memory_space<vmem>>
        %dma_wait3A_183 = tpu.memref_squeeze %dma_wait3A_182 : memref<1x128xi32, #tpu.memory_space<vmem>> -> memref<128xi32, #tpu.memory_space<vmem>>
        %dma_wait3A_184 = arith.constant 0 : i32
        %dma_wait3A_185 = arith.constant 0 : i32
        %dma_wait3A_186 = tpu.memref_slice %arg19[%dma_wait3A_184, %dma_wait3A_185] : memref<10240x32xf32, #tpu.memory_space<vmem_shared>> -> memref<10240x32xf32, #tpu.memory_space<vmem_shared>>
        tpu.wait_indirect_dma semaphore(%arg27 : memref<!tpu.dma_semaphore, #tpu.memory_space<semaphore_mem>>) src(%arg18 : memref<128x32xf32, #tpu.memory_space<vmem>>) dst(%dma_wait3A_186 : memref<10240x32xf32, #tpu.memory_space<vmem_shared>>)
      } else {
      }
      %add3A_117 = arith.constant 2 : i32
      %add3A_118 = arith.addi %add3A_99, %add3A_117 : i32
      %lt3A_119 = arith.constant 80 : i32
      %lt3A_120 = arith.cmpi slt, %add3A_118, %lt3A_119 : i32
      %convert_element_type3A_121 = arith.extui %lt3A_120 : i1 to i32
      %cond3A_122 = arith.constant 0 : i32
      %cond3A_123 = arith.cmpi ne, %convert_element_type3A_121, %cond3A_122 : i32
      scf.if %cond3A_123 {
        %add3A_180 = arith.constant 2 : i32
        %add3A_181 = arith.addi %add3A_99, %add3A_180 : i32
        %dma_start3A_182 = arith.constant 0 : i32
        %dma_start3A_183 = tpu.memref_slice %arg11[%add3A_181, %dma_start3A_182] : memref<80x128xi32, #tpu.memory_space<vmem>> -> memref<1x128xi32, #tpu.memory_space<vmem>>
        %dma_start3A_184 = tpu.memref_squeeze %dma_start3A_183 : memref<1x128xi32, #tpu.memory_space<vmem>> -> memref<128xi32, #tpu.memory_space<vmem>>
        %dma_start3A_185 = arith.constant 0 : i32
        %dma_start3A_186 = arith.constant 0 : i32
        %dma_start3A_187 = tpu.memref_slice %arg2[%dma_start3A_185, %dma_start3A_186] : memref<10240x32xf32, #tpu.memory_space<hbm>> -> memref<10240x32xf32, #tpu.memory_space<hbm>>
        tpu.enqueue_indirect_dma source(%dma_start3A_187 : memref<10240x32xf32, #tpu.memory_space<hbm>>) target(%arg18 : memref<128x32xf32, #tpu.memory_space<vmem>>) offsets(%dma_start3A_184 : memref<128xi32, #tpu.memory_space<vmem>>) semaphore(%arg23 : memref<!tpu.dma_semaphore, #tpu.memory_space<semaphore_mem>>)
      } else {
      }
      %mul3A_124 = arith.constant 4 : i32
      %mul3A_125 = arith.muli %mul3A_124, %scan3A_71 : i32
      %add3A_126 = arith.constant 2 : i32
      %add3A_127 = arith.addi %mul3A_125, %add3A_126 : i32
      %dma_wait3A_128 = arith.constant 0 : i32
      %dma_wait3A_129 = tpu.memref_slice %arg11[%add3A_127, %dma_wait3A_128] : memref<80x128xi32, #tpu.memory_space<vmem>> -> memref<1x128xi32, #tpu.memory_space<vmem>>
      %dma_wait3A_130 = tpu.memref_squeeze %dma_wait3A_129 : memref<1x128xi32, #tpu.memory_space<vmem>> -> memref<128xi32, #tpu.memory_space<vmem>>
      %dma_wait3A_131 = arith.constant 0 : i32
      %dma_wait3A_132 = arith.constant 0 : i32
      %dma_wait3A_133 = tpu.memref_slice %arg2[%dma_wait3A_131, %dma_wait3A_132] : memref<10240x32xf32, #tpu.memory_space<hbm>> -> memref<10240x32xf32, #tpu.memory_space<hbm>>
      tpu.wait_indirect_dma semaphore(%arg22 : memref<!tpu.dma_semaphore, #tpu.memory_space<semaphore_mem>>) src(%dma_wait3A_133 : memref<10240x32xf32, #tpu.memory_space<hbm>>) dst(%arg17 : memref<128x32xf32, #tpu.memory_space<vmem>>)
      %dma_start3A_134 = arith.constant 0 : i32
      %dma_start3A_135 = tpu.memref_slice %arg12[%add3A_127, %dma_start3A_134] : memref<80x128xi32, #tpu.memory_space<vmem>> -> memref<1x128xi32, #tpu.memory_space<vmem>>
      %dma_start3A_136 = tpu.memref_squeeze %dma_start3A_135 : memref<1x128xi32, #tpu.memory_space<vmem>> -> memref<128xi32, #tpu.memory_space<vmem>>
      %dma_start3A_137 = arith.constant 0 : i32
      %dma_start3A_138 = arith.constant 0 : i32
      %dma_start3A_139 = tpu.memref_slice %arg19[%dma_start3A_137, %dma_start3A_138] : memref<10240x32xf32, #tpu.memory_space<vmem_shared>> -> memref<10240x32xf32, #tpu.memory_space<vmem_shared>>
      tpu.enqueue_indirect_dma source(%arg17 : memref<128x32xf32, #tpu.memory_space<vmem>>) target(%dma_start3A_139 : memref<10240x32xf32, #tpu.memory_space<vmem_shared>>) offsets(%dma_start3A_136 : memref<128xi32, #tpu.memory_space<vmem>>) semaphore(%arg26 : memref<!tpu.dma_semaphore, #tpu.memory_space<semaphore_mem>>) {add = true}
      %ge3A_140 = arith.constant 2 : i32
      %ge3A_141 = arith.cmpi sge, %add3A_127, %ge3A_140 : i32
      %convert_element_type3A_142 = arith.extui %ge3A_141 : i1 to i32
      %cond3A_143 = arith.constant 0 : i32
      %cond3A_144 = arith.cmpi ne, %convert_element_type3A_142, %cond3A_143 : i32
      scf.if %cond3A_144 {
        %sub3A = arith.constant 2 : i32
        %sub3A_180 = arith.subi %add3A_127, %sub3A : i32
        %dma_wait3A_181 = arith.constant 0 : i32
        %dma_wait3A_182 = tpu.memref_slice %arg12[%sub3A_180, %dma_wait3A_181] : memref<80x128xi32, #tpu.memory_space<vmem>> -> memref<1x128xi32, #tpu.memory_space<vmem>>
        %dma_wait3A_183 = tpu.memref_squeeze %dma_wait3A_182 : memref<1x128xi32, #tpu.memory_space<vmem>> -> memref<128xi32, #tpu.memory_space<vmem>>
        %dma_wait3A_184 = arith.constant 0 : i32
        %dma_wait3A_185 = arith.constant 0 : i32
        %dma_wait3A_186 = tpu.memref_slice %arg19[%dma_wait3A_184, %dma_wait3A_185] : memref<10240x32xf32, #tpu.memory_space<vmem_shared>> -> memref<10240x32xf32, #tpu.memory_space<vmem_shared>>
        tpu.wait_indirect_dma semaphore(%arg24 : memref<!tpu.dma_semaphore, #tpu.memory_space<semaphore_mem>>) src(%arg15 : memref<128x32xf32, #tpu.memory_space<vmem>>) dst(%dma_wait3A_186 : memref<10240x32xf32, #tpu.memory_space<vmem_shared>>)
      } else {
      }
      %add3A_145 = arith.constant 2 : i32
      %add3A_146 = arith.addi %add3A_127, %add3A_145 : i32
      %lt3A_147 = arith.constant 80 : i32
      %lt3A_148 = arith.cmpi slt, %add3A_146, %lt3A_147 : i32
      %convert_element_type3A_149 = arith.extui %lt3A_148 : i1 to i32
      %cond3A_150 = arith.constant 0 : i32
      %cond3A_151 = arith.cmpi ne, %convert_element_type3A_149, %cond3A_150 : i32
      scf.if %cond3A_151 {
        %add3A_180 = arith.constant 2 : i32
        %add3A_181 = arith.addi %add3A_127, %add3A_180 : i32
        %dma_start3A_182 = arith.constant 0 : i32
        %dma_start3A_183 = tpu.memref_slice %arg11[%add3A_181, %dma_start3A_182] : memref<80x128xi32, #tpu.memory_space<vmem>> -> memref<1x128xi32, #tpu.memory_space<vmem>>
        %dma_start3A_184 = tpu.memref_squeeze %dma_start3A_183 : memref<1x128xi32, #tpu.memory_space<vmem>> -> memref<128xi32, #tpu.memory_space<vmem>>
        %dma_start3A_185 = arith.constant 0 : i32
        %dma_start3A_186 = arith.constant 0 : i32
        %dma_start3A_187 = tpu.memref_slice %arg2[%dma_start3A_185, %dma_start3A_186] : memref<10240x32xf32, #tpu.memory_space<hbm>> -> memref<10240x32xf32, #tpu.memory_space<hbm>>
        tpu.enqueue_indirect_dma source(%dma_start3A_187 : memref<10240x32xf32, #tpu.memory_space<hbm>>) target(%arg15 : memref<128x32xf32, #tpu.memory_space<vmem>>) offsets(%dma_start3A_184 : memref<128xi32, #tpu.memory_space<vmem>>) semaphore(%arg20 : memref<!tpu.dma_semaphore, #tpu.memory_space<semaphore_mem>>)
      } else {
      }
      %mul3A_152 = arith.constant 4 : i32
      %mul3A_153 = arith.muli %mul3A_152, %scan3A_71 : i32
      %add3A_154 = arith.constant 3 : i32
      %add3A_155 = arith.addi %mul3A_153, %add3A_154 : i32
      %dma_wait3A_156 = arith.constant 0 : i32
      %dma_wait3A_157 = tpu.memref_slice %arg11[%add3A_155, %dma_wait3A_156] : memref<80x128xi32, #tpu.memory_space<vmem>> -> memref<1x128xi32, #tpu.memory_space<vmem>>
      %dma_wait3A_158 = tpu.memref_squeeze %dma_wait3A_157 : memref<1x128xi32, #tpu.memory_space<vmem>> -> memref<128xi32, #tpu.memory_space<vmem>>
      %dma_wait3A_159 = arith.constant 0 : i32
      %dma_wait3A_160 = arith.constant 0 : i32
      %dma_wait3A_161 = tpu.memref_slice %arg2[%dma_wait3A_159, %dma_wait3A_160] : memref<10240x32xf32, #tpu.memory_space<hbm>> -> memref<10240x32xf32, #tpu.memory_space<hbm>>
      tpu.wait_indirect_dma semaphore(%arg23 : memref<!tpu.dma_semaphore, #tpu.memory_space<semaphore_mem>>) src(%dma_wait3A_161 : memref<10240x32xf32, #tpu.memory_space<hbm>>) dst(%arg18 : memref<128x32xf32, #tpu.memory_space<vmem>>)
      %dma_start3A_162 = arith.constant 0 : i32
      %dma_start3A_163 = tpu.memref_slice %arg12[%add3A_155, %dma_start3A_162] : memref<80x128xi32, #tpu.memory_space<vmem>> -> memref<1x128xi32, #tpu.memory_space<vmem>>
      %dma_start3A_164 = tpu.memref_squeeze %dma_start3A_163 : memref<1x128xi32, #tpu.memory_space<vmem>> -> memref<128xi32, #tpu.memory_space<vmem>>
      %dma_start3A_165 = arith.constant 0 : i32
      %dma_start3A_166 = arith.constant 0 : i32
      %dma_start3A_167 = tpu.memref_slice %arg19[%dma_start3A_165, %dma_start3A_166] : memref<10240x32xf32, #tpu.memory_space<vmem_shared>> -> memref<10240x32xf32, #tpu.memory_space<vmem_shared>>
      tpu.enqueue_indirect_dma source(%arg18 : memref<128x32xf32, #tpu.memory_space<vmem>>) target(%dma_start3A_167 : memref<10240x32xf32, #tpu.memory_space<vmem_shared>>) offsets(%dma_start3A_164 : memref<128xi32, #tpu.memory_space<vmem>>) semaphore(%arg27 : memref<!tpu.dma_semaphore, #tpu.memory_space<semaphore_mem>>) {add = true}
      %ge3A_168 = arith.constant 2 : i32
      %ge3A_169 = arith.cmpi sge, %add3A_155, %ge3A_168 : i32
      %convert_element_type3A_170 = arith.extui %ge3A_169 : i1 to i32
      %cond3A_171 = arith.constant 0 : i32
      %cond3A_172 = arith.cmpi ne, %convert_element_type3A_170, %cond3A_171 : i32
      scf.if %cond3A_172 {
        %sub3A = arith.constant 2 : i32
        %sub3A_180 = arith.subi %add3A_155, %sub3A : i32
        %dma_wait3A_181 = arith.constant 0 : i32
        %dma_wait3A_182 = tpu.memref_slice %arg12[%sub3A_180, %dma_wait3A_181] : memref<80x128xi32, #tpu.memory_space<vmem>> -> memref<1x128xi32, #tpu.memory_space<vmem>>
        %dma_wait3A_183 = tpu.memref_squeeze %dma_wait3A_182 : memref<1x128xi32, #tpu.memory_space<vmem>> -> memref<128xi32, #tpu.memory_space<vmem>>
        %dma_wait3A_184 = arith.constant 0 : i32
        %dma_wait3A_185 = arith.constant 0 : i32
        %dma_wait3A_186 = tpu.memref_slice %arg19[%dma_wait3A_184, %dma_wait3A_185] : memref<10240x32xf32, #tpu.memory_space<vmem_shared>> -> memref<10240x32xf32, #tpu.memory_space<vmem_shared>>
        tpu.wait_indirect_dma semaphore(%arg25 : memref<!tpu.dma_semaphore, #tpu.memory_space<semaphore_mem>>) src(%arg16 : memref<128x32xf32, #tpu.memory_space<vmem>>) dst(%dma_wait3A_186 : memref<10240x32xf32, #tpu.memory_space<vmem_shared>>)
      } else {
      }
      %add3A_173 = arith.constant 2 : i32
      %add3A_174 = arith.addi %add3A_155, %add3A_173 : i32
      %lt3A_175 = arith.constant 80 : i32
      %lt3A_176 = arith.cmpi slt, %add3A_174, %lt3A_175 : i32
      %convert_element_type3A_177 = arith.extui %lt3A_176 : i1 to i32
      %cond3A_178 = arith.constant 0 : i32
      %cond3A_179 = arith.cmpi ne, %convert_element_type3A_177, %cond3A_178 : i32
      scf.if %cond3A_179 {
        %add3A_180 = arith.constant 2 : i32
        %add3A_181 = arith.addi %add3A_155, %add3A_180 : i32
        %dma_start3A_182 = arith.constant 0 : i32
        %dma_start3A_183 = tpu.memref_slice %arg11[%add3A_181, %dma_start3A_182] : memref<80x128xi32, #tpu.memory_space<vmem>> -> memref<1x128xi32, #tpu.memory_space<vmem>>
        %dma_start3A_184 = tpu.memref_squeeze %dma_start3A_183 : memref<1x128xi32, #tpu.memory_space<vmem>> -> memref<128xi32, #tpu.memory_space<vmem>>
        %dma_start3A_185 = arith.constant 0 : i32
        %dma_start3A_186 = arith.constant 0 : i32
        %dma_start3A_187 = tpu.memref_slice %arg2[%dma_start3A_185, %dma_start3A_186] : memref<10240x32xf32, #tpu.memory_space<hbm>> -> memref<10240x32xf32, #tpu.memory_space<hbm>>
        tpu.enqueue_indirect_dma source(%dma_start3A_187 : memref<10240x32xf32, #tpu.memory_space<hbm>>) target(%arg16 : memref<128x32xf32, #tpu.memory_space<vmem>>) offsets(%dma_start3A_184 : memref<128xi32, #tpu.memory_space<vmem>>) semaphore(%arg21 : memref<!tpu.dma_semaphore, #tpu.memory_space<semaphore_mem>>)
      } else {
      }
    }
    %scan3A_20 = arith.constant 20 : i32
    %dma_wait3A = arith.constant 78 : i32
    %dma_wait3A_21 = arith.constant 0 : i32
    %dma_wait3A_22 = tpu.memref_slice %arg12[%dma_wait3A, %dma_wait3A_21] : memref<80x128xi32, #tpu.memory_space<vmem>> -> memref<1x128xi32, #tpu.memory_space<vmem>>
    %dma_wait3A_23 = tpu.memref_squeeze %dma_wait3A_22 : memref<1x128xi32, #tpu.memory_space<vmem>> -> memref<128xi32, #tpu.memory_space<vmem>>
    %dma_wait3A_24 = arith.constant 0 : i32
    %dma_wait3A_25 = arith.constant 0 : i32
    %dma_wait3A_26 = tpu.memref_slice %arg19[%dma_wait3A_24, %dma_wait3A_25] : memref<10240x32xf32, #tpu.memory_space<vmem_shared>> -> memref<10240x32xf32, #tpu.memory_space<vmem_shared>>
    tpu.wait_indirect_dma semaphore(%arg26 : memref<!tpu.dma_semaphore, #tpu.memory_space<semaphore_mem>>) src(%arg17 : memref<128x32xf32, #tpu.memory_space<vmem>>) dst(%dma_wait3A_26 : memref<10240x32xf32, #tpu.memory_space<vmem_shared>>)
    %dma_wait3A_27 = arith.constant 79 : i32
    %dma_wait3A_28 = arith.constant 0 : i32
    %dma_wait3A_29 = tpu.memref_slice %arg12[%dma_wait3A_27, %dma_wait3A_28] : memref<80x128xi32, #tpu.memory_space<vmem>> -> memref<1x128xi32, #tpu.memory_space<vmem>>
    %dma_wait3A_30 = tpu.memref_squeeze %dma_wait3A_29 : memref<1x128xi32, #tpu.memory_space<vmem>> -> memref<128xi32, #tpu.memory_space<vmem>>
    %dma_wait3A_31 = arith.constant 0 : i32
    %dma_wait3A_32 = arith.constant 0 : i32
    %dma_wait3A_33 = tpu.memref_slice %arg19[%dma_wait3A_31, %dma_wait3A_32] : memref<10240x32xf32, #tpu.memory_space<vmem_shared>> -> memref<10240x32xf32, #tpu.memory_space<vmem_shared>>
    tpu.wait_indirect_dma semaphore(%arg27 : memref<!tpu.dma_semaphore, #tpu.memory_space<semaphore_mem>>) src(%arg18 : memref<128x32xf32, #tpu.memory_space<vmem>>) dst(%dma_wait3A_33 : memref<10240x32xf32, #tpu.memory_space<vmem_shared>>)
    %barrier3A_34 = arith.constant 0 : index
    tpu.barrier barrier_id(%barrier3A_34)
    "tpu.region"() ({
      %run_scoped3A = tpu.sem_alloc : memref<!tpu.dma_semaphore, #tpu.memory_space<semaphore_mem>>
      %dma_start3A_71 = arith.constant 0 : i32
      %dma_start3A_72 = arith.constant 0 : i32
      %dma_start3A_73 = tpu.memref_slice %arg9[%arg0, %dma_start3A_71, %dma_start3A_72] : memref<2x10240x128xf32, #tpu.memory_space<hbm>> -> memref<1x10240x128xf32, #tpu.memory_space<hbm>>
      %dma_start3A_74 = tpu.memref_squeeze %dma_start3A_73 : memref<1x10240x128xf32, #tpu.memory_space<hbm>> -> memref<10240x128xf32, #tpu.memory_space<hbm>>
      %dma_start3A_75 = arith.constant 0 : i32
      %dma_start3A_76 = tpu.memref_slice %dma_start3A_74[%mul3A_2, %dma_start3A_75] : memref<10240x128xf32, #tpu.memory_space<hbm>> -> memref<640x32xf32, #tpu.memory_space<hbm>>
      %dma_start3A_77 = arith.constant 0 : i32
      %dma_start3A_78 = tpu.memref_slice %arg19[%mul3A_2, %dma_start3A_77] : memref<10240x32xf32, #tpu.memory_space<vmem_shared>> -> memref<640x32xf32, #tpu.memory_space<vmem_shared>>
      tpu.enqueue_dma source(%dma_start3A_78 : memref<640x32xf32, #tpu.memory_space<vmem_shared>>) target(%dma_start3A_76 : memref<640x32xf32, #tpu.memory_space<hbm>>) target_semaphore(%run_scoped3A : memref<!tpu.dma_semaphore, #tpu.memory_space<semaphore_mem>>)
      %dma_wait3A_79 = arith.constant 0 : i32
      %dma_wait3A_80 = arith.constant 0 : i32
      %dma_wait3A_81 = tpu.memref_slice %arg9[%arg0, %dma_wait3A_79, %dma_wait3A_80] : memref<2x10240x128xf32, #tpu.memory_space<hbm>> -> memref<1x10240x128xf32, #tpu.memory_space<hbm>>
      %dma_wait3A_82 = tpu.memref_squeeze %dma_wait3A_81 : memref<1x10240x128xf32, #tpu.memory_space<hbm>> -> memref<10240x128xf32, #tpu.memory_space<hbm>>
      %dma_wait3A_83 = arith.constant 0 : i32
      %dma_wait3A_84 = tpu.memref_slice %dma_wait3A_82[%mul3A_2, %dma_wait3A_83] : memref<10240x128xf32, #tpu.memory_space<hbm>> -> memref<640x32xf32, #tpu.memory_space<hbm>>
      %dma_wait3A_85 = arith.constant 0 : i32
      %dma_wait3A_86 = tpu.memref_slice %arg19[%mul3A_2, %dma_wait3A_85] : memref<10240x32xf32, #tpu.memory_space<vmem_shared>> -> memref<640x32xf32, #tpu.memory_space<vmem_shared>>
      tpu.wait_dma2 semaphore(%run_scoped3A : memref<!tpu.dma_semaphore, #tpu.memory_space<semaphore_mem>>) src(%dma_wait3A_86 : memref<640x32xf32, #tpu.memory_space<vmem_shared>>) dst(%dma_wait3A_84 : memref<640x32xf32, #tpu.memory_space<hbm>>)
      tpu.yield
    }) : () -> ()
    "tpu.region"() ({
      %run_scoped3A = tpu.sem_alloc : memref<!tpu.dma_semaphore, #tpu.memory_space<semaphore_mem>>
      %dma_start3A_71 = arith.constant 0 : i32
      %dma_start3A_72 = tpu.memref_slice %arg19[%mul3A_2, %dma_start3A_71] : memref<10240x32xf32, #tpu.memory_space<vmem_shared>> -> memref<640x32xf32, #tpu.memory_space<vmem_shared>>
      %dma_start3A_73 = arith.constant 0 : i32
      %dma_start3A_74 = tpu.memref_slice %arg8[%mul3A_2, %dma_start3A_73] : memref<10240x32xf32, #tpu.memory_space<hbm>> -> memref<640x32xf32, #tpu.memory_space<hbm>>
      tpu.enqueue_dma source(%dma_start3A_74 : memref<640x32xf32, #tpu.memory_space<hbm>>) target(%dma_start3A_72 : memref<640x32xf32, #tpu.memory_space<vmem_shared>>) target_semaphore(%run_scoped3A : memref<!tpu.dma_semaphore, #tpu.memory_space<semaphore_mem>>)
      %dma_wait3A_75 = arith.constant 0 : i32
      %dma_wait3A_76 = tpu.memref_slice %arg19[%mul3A_2, %dma_wait3A_75] : memref<10240x32xf32, #tpu.memory_space<vmem_shared>> -> memref<640x32xf32, #tpu.memory_space<vmem_shared>>
      %dma_wait3A_77 = arith.constant 0 : i32
      %dma_wait3A_78 = tpu.memref_slice %arg8[%mul3A_2, %dma_wait3A_77] : memref<10240x32xf32, #tpu.memory_space<hbm>> -> memref<640x32xf32, #tpu.memory_space<hbm>>
      tpu.wait_dma2 semaphore(%run_scoped3A : memref<!tpu.dma_semaphore, #tpu.memory_space<semaphore_mem>>) src(%dma_wait3A_78 : memref<640x32xf32, #tpu.memory_space<hbm>>) dst(%dma_wait3A_76 : memref<640x32xf32, #tpu.memory_space<vmem_shared>>)
      tpu.yield
    }) : () -> ()
    %barrier3A_35 = arith.constant 0 : index
    tpu.barrier barrier_id(%barrier3A_35)
    %dma_start3A_36 = arith.constant 0 : i32
    %dma_start3A_37 = arith.constant 0 : i32
    %dma_start3A_38 = tpu.memref_slice %arg13[%dma_start3A_36, %dma_start3A_37] : memref<16x128xi32, #tpu.memory_space<vmem>> -> memref<1x128xi32, #tpu.memory_space<vmem>>
    %dma_start3A_39 = tpu.memref_squeeze %dma_start3A_38 : memref<1x128xi32, #tpu.memory_space<vmem>> -> memref<128xi32, #tpu.memory_space<vmem>>
    %dma_start3A_40 = arith.constant 0 : i32
    %dma_start3A_41 = arith.constant 0 : i32
    %dma_start3A_42 = tpu.memref_slice %arg3[%dma_start3A_40, %dma_start3A_41] : memref<10240x32xf32, #tpu.memory_space<hbm>> -> memref<10240x32xf32, #tpu.memory_space<hbm>>
    tpu.enqueue_indirect_dma source(%dma_start3A_42 : memref<10240x32xf32, #tpu.memory_space<hbm>>) target(%arg15 : memref<128x32xf32, #tpu.memory_space<vmem>>) offsets(%dma_start3A_39 : memref<128xi32, #tpu.memory_space<vmem>>) semaphore(%arg20 : memref<!tpu.dma_semaphore, #tpu.memory_space<semaphore_mem>>)
    %dma_start3A_43 = arith.constant 1 : i32
    %dma_start3A_44 = arith.constant 0 : i32
    %dma_start3A_45 = tpu.memref_slice %arg13[%dma_start3A_43, %dma_start3A_44] : memref<16x128xi32, #tpu.memory_space<vmem>> -> memref<1x128xi32, #tpu.memory_space<vmem>>
    %dma_start3A_46 = tpu.memref_squeeze %dma_start3A_45 : memref<1x128xi32, #tpu.memory_space<vmem>> -> memref<128xi32, #tpu.memory_space<vmem>>
    %dma_start3A_47 = arith.constant 0 : i32
    %dma_start3A_48 = arith.constant 0 : i32
    %dma_start3A_49 = tpu.memref_slice %arg3[%dma_start3A_47, %dma_start3A_48] : memref<10240x32xf32, #tpu.memory_space<hbm>> -> memref<10240x32xf32, #tpu.memory_space<hbm>>
    tpu.enqueue_indirect_dma source(%dma_start3A_49 : memref<10240x32xf32, #tpu.memory_space<hbm>>) target(%arg16 : memref<128x32xf32, #tpu.memory_space<vmem>>) offsets(%dma_start3A_46 : memref<128xi32, #tpu.memory_space<vmem>>) semaphore(%arg21 : memref<!tpu.dma_semaphore, #tpu.memory_space<semaphore_mem>>)
    %scan3A_50 = arith.constant 0 : i32
    %scan3A_51 = arith.constant 0 : i32
    %scan3A_52 = arith.constant 4 : i32
    %scan3A_53 = arith.addi %scan3A_51, %scan3A_52 : i32
    %scan3A_54 = arith.constant 1 : i32
    scf.for %scan3A_71 = %scan3A_51 to %scan3A_53 step %scan3A_54  : i32 {
      %mul3A_72 = arith.constant 4 : i32
      %mul3A_73 = arith.muli %mul3A_72, %scan3A_71 : i32
      %add3A_74 = arith.constant 0 : i32
      %add3A_75 = arith.addi %mul3A_73, %add3A_74 : i32
      %dma_wait3A_76 = arith.constant 0 : i32
      %dma_wait3A_77 = tpu.memref_slice %arg13[%add3A_75, %dma_wait3A_76] : memref<16x128xi32, #tpu.memory_space<vmem>> -> memref<1x128xi32, #tpu.memory_space<vmem>>
      %dma_wait3A_78 = tpu.memref_squeeze %dma_wait3A_77 : memref<1x128xi32, #tpu.memory_space<vmem>> -> memref<128xi32, #tpu.memory_space<vmem>>
      %dma_wait3A_79 = arith.constant 0 : i32
      %dma_wait3A_80 = arith.constant 0 : i32
      %dma_wait3A_81 = tpu.memref_slice %arg3[%dma_wait3A_79, %dma_wait3A_80] : memref<10240x32xf32, #tpu.memory_space<hbm>> -> memref<10240x32xf32, #tpu.memory_space<hbm>>
      tpu.wait_indirect_dma semaphore(%arg20 : memref<!tpu.dma_semaphore, #tpu.memory_space<semaphore_mem>>) src(%dma_wait3A_81 : memref<10240x32xf32, #tpu.memory_space<hbm>>) dst(%arg15 : memref<128x32xf32, #tpu.memory_space<vmem>>)
      %dma_start3A_82 = arith.constant 0 : i32
      %dma_start3A_83 = tpu.memref_slice %arg14[%add3A_75, %dma_start3A_82] : memref<16x128xi32, #tpu.memory_space<vmem>> -> memref<1x128xi32, #tpu.memory_space<vmem>>
      %dma_start3A_84 = tpu.memref_squeeze %dma_start3A_83 : memref<1x128xi32, #tpu.memory_space<vmem>> -> memref<128xi32, #tpu.memory_space<vmem>>
      %dma_start3A_85 = arith.constant 0 : i32
      %dma_start3A_86 = arith.constant 0 : i32
      %dma_start3A_87 = tpu.memref_slice %arg19[%dma_start3A_85, %dma_start3A_86] : memref<10240x32xf32, #tpu.memory_space<vmem_shared>> -> memref<10240x32xf32, #tpu.memory_space<vmem_shared>>
      tpu.enqueue_indirect_dma source(%arg15 : memref<128x32xf32, #tpu.memory_space<vmem>>) target(%dma_start3A_87 : memref<10240x32xf32, #tpu.memory_space<vmem_shared>>) offsets(%dma_start3A_84 : memref<128xi32, #tpu.memory_space<vmem>>) semaphore(%arg24 : memref<!tpu.dma_semaphore, #tpu.memory_space<semaphore_mem>>) {add = true}
      %ge3A = arith.constant 2 : i32
      %ge3A_88 = arith.cmpi sge, %add3A_75, %ge3A : i32
      %convert_element_type3A = arith.extui %ge3A_88 : i1 to i32
      %cond3A = arith.constant 0 : i32
      %cond3A_89 = arith.cmpi ne, %convert_element_type3A, %cond3A : i32
      scf.if %cond3A_89 {
        %sub3A = arith.constant 2 : i32
        %sub3A_180 = arith.subi %add3A_75, %sub3A : i32
        %dma_wait3A_181 = arith.constant 0 : i32
        %dma_wait3A_182 = tpu.memref_slice %arg14[%sub3A_180, %dma_wait3A_181] : memref<16x128xi32, #tpu.memory_space<vmem>> -> memref<1x128xi32, #tpu.memory_space<vmem>>
        %dma_wait3A_183 = tpu.memref_squeeze %dma_wait3A_182 : memref<1x128xi32, #tpu.memory_space<vmem>> -> memref<128xi32, #tpu.memory_space<vmem>>
        %dma_wait3A_184 = arith.constant 0 : i32
        %dma_wait3A_185 = arith.constant 0 : i32
        %dma_wait3A_186 = tpu.memref_slice %arg19[%dma_wait3A_184, %dma_wait3A_185] : memref<10240x32xf32, #tpu.memory_space<vmem_shared>> -> memref<10240x32xf32, #tpu.memory_space<vmem_shared>>
        tpu.wait_indirect_dma semaphore(%arg26 : memref<!tpu.dma_semaphore, #tpu.memory_space<semaphore_mem>>) src(%arg17 : memref<128x32xf32, #tpu.memory_space<vmem>>) dst(%dma_wait3A_186 : memref<10240x32xf32, #tpu.memory_space<vmem_shared>>)
      } else {
      }
      %add3A_90 = arith.constant 2 : i32
      %add3A_91 = arith.addi %add3A_75, %add3A_90 : i32
      %lt3A = arith.constant 16 : i32
      %lt3A_92 = arith.cmpi slt, %add3A_91, %lt3A : i32
      %convert_element_type3A_93 = arith.extui %lt3A_92 : i1 to i32
      %cond3A_94 = arith.constant 0 : i32
      %cond3A_95 = arith.cmpi ne, %convert_element_type3A_93, %cond3A_94 : i32
      scf.if %cond3A_95 {
        %add3A_180 = arith.constant 2 : i32
        %add3A_181 = arith.addi %add3A_75, %add3A_180 : i32
        %dma_start3A_182 = arith.constant 0 : i32
        %dma_start3A_183 = tpu.memref_slice %arg13[%add3A_181, %dma_start3A_182] : memref<16x128xi32, #tpu.memory_space<vmem>> -> memref<1x128xi32, #tpu.memory_space<vmem>>
        %dma_start3A_184 = tpu.memref_squeeze %dma_start3A_183 : memref<1x128xi32, #tpu.memory_space<vmem>> -> memref<128xi32, #tpu.memory_space<vmem>>
        %dma_start3A_185 = arith.constant 0 : i32
        %dma_start3A_186 = arith.constant 0 : i32
        %dma_start3A_187 = tpu.memref_slice %arg3[%dma_start3A_185, %dma_start3A_186] : memref<10240x32xf32, #tpu.memory_space<hbm>> -> memref<10240x32xf32, #tpu.memory_space<hbm>>
        tpu.enqueue_indirect_dma source(%dma_start3A_187 : memref<10240x32xf32, #tpu.memory_space<hbm>>) target(%arg17 : memref<128x32xf32, #tpu.memory_space<vmem>>) offsets(%dma_start3A_184 : memref<128xi32, #tpu.memory_space<vmem>>) semaphore(%arg22 : memref<!tpu.dma_semaphore, #tpu.memory_space<semaphore_mem>>)
      } else {
      }
      %mul3A_96 = arith.constant 4 : i32
      %mul3A_97 = arith.muli %mul3A_96, %scan3A_71 : i32
      %add3A_98 = arith.constant 1 : i32
      %add3A_99 = arith.addi %mul3A_97, %add3A_98 : i32
      %dma_wait3A_100 = arith.constant 0 : i32
      %dma_wait3A_101 = tpu.memref_slice %arg13[%add3A_99, %dma_wait3A_100] : memref<16x128xi32, #tpu.memory_space<vmem>> -> memref<1x128xi32, #tpu.memory_space<vmem>>
      %dma_wait3A_102 = tpu.memref_squeeze %dma_wait3A_101 : memref<1x128xi32, #tpu.memory_space<vmem>> -> memref<128xi32, #tpu.memory_space<vmem>>
      %dma_wait3A_103 = arith.constant 0 : i32
      %dma_wait3A_104 = arith.constant 0 : i32
      %dma_wait3A_105 = tpu.memref_slice %arg3[%dma_wait3A_103, %dma_wait3A_104] : memref<10240x32xf32, #tpu.memory_space<hbm>> -> memref<10240x32xf32, #tpu.memory_space<hbm>>
      tpu.wait_indirect_dma semaphore(%arg21 : memref<!tpu.dma_semaphore, #tpu.memory_space<semaphore_mem>>) src(%dma_wait3A_105 : memref<10240x32xf32, #tpu.memory_space<hbm>>) dst(%arg16 : memref<128x32xf32, #tpu.memory_space<vmem>>)
      %dma_start3A_106 = arith.constant 0 : i32
      %dma_start3A_107 = tpu.memref_slice %arg14[%add3A_99, %dma_start3A_106] : memref<16x128xi32, #tpu.memory_space<vmem>> -> memref<1x128xi32, #tpu.memory_space<vmem>>
      %dma_start3A_108 = tpu.memref_squeeze %dma_start3A_107 : memref<1x128xi32, #tpu.memory_space<vmem>> -> memref<128xi32, #tpu.memory_space<vmem>>
      %dma_start3A_109 = arith.constant 0 : i32
      %dma_start3A_110 = arith.constant 0 : i32
      %dma_start3A_111 = tpu.memref_slice %arg19[%dma_start3A_109, %dma_start3A_110] : memref<10240x32xf32, #tpu.memory_space<vmem_shared>> -> memref<10240x32xf32, #tpu.memory_space<vmem_shared>>
      tpu.enqueue_indirect_dma source(%arg16 : memref<128x32xf32, #tpu.memory_space<vmem>>) target(%dma_start3A_111 : memref<10240x32xf32, #tpu.memory_space<vmem_shared>>) offsets(%dma_start3A_108 : memref<128xi32, #tpu.memory_space<vmem>>) semaphore(%arg25 : memref<!tpu.dma_semaphore, #tpu.memory_space<semaphore_mem>>) {add = true}
      %ge3A_112 = arith.constant 2 : i32
      %ge3A_113 = arith.cmpi sge, %add3A_99, %ge3A_112 : i32
      %convert_element_type3A_114 = arith.extui %ge3A_113 : i1 to i32
      %cond3A_115 = arith.constant 0 : i32
      %cond3A_116 = arith.cmpi ne, %convert_element_type3A_114, %cond3A_115 : i32
      scf.if %cond3A_116 {
        %sub3A = arith.constant 2 : i32
        %sub3A_180 = arith.subi %add3A_99, %sub3A : i32
        %dma_wait3A_181 = arith.constant 0 : i32
        %dma_wait3A_182 = tpu.memref_slice %arg14[%sub3A_180, %dma_wait3A_181] : memref<16x128xi32, #tpu.memory_space<vmem>> -> memref<1x128xi32, #tpu.memory_space<vmem>>
        %dma_wait3A_183 = tpu.memref_squeeze %dma_wait3A_182 : memref<1x128xi32, #tpu.memory_space<vmem>> -> memref<128xi32, #tpu.memory_space<vmem>>
        %dma_wait3A_184 = arith.constant 0 : i32
        %dma_wait3A_185 = arith.constant 0 : i32
        %dma_wait3A_186 = tpu.memref_slice %arg19[%dma_wait3A_184, %dma_wait3A_185] : memref<10240x32xf32, #tpu.memory_space<vmem_shared>> -> memref<10240x32xf32, #tpu.memory_space<vmem_shared>>
        tpu.wait_indirect_dma semaphore(%arg27 : memref<!tpu.dma_semaphore, #tpu.memory_space<semaphore_mem>>) src(%arg18 : memref<128x32xf32, #tpu.memory_space<vmem>>) dst(%dma_wait3A_186 : memref<10240x32xf32, #tpu.memory_space<vmem_shared>>)
      } else {
      }
      %add3A_117 = arith.constant 2 : i32
      %add3A_118 = arith.addi %add3A_99, %add3A_117 : i32
      %lt3A_119 = arith.constant 16 : i32
      %lt3A_120 = arith.cmpi slt, %add3A_118, %lt3A_119 : i32
      %convert_element_type3A_121 = arith.extui %lt3A_120 : i1 to i32
      %cond3A_122 = arith.constant 0 : i32
      %cond3A_123 = arith.cmpi ne, %convert_element_type3A_121, %cond3A_122 : i32
      scf.if %cond3A_123 {
        %add3A_180 = arith.constant 2 : i32
        %add3A_181 = arith.addi %add3A_99, %add3A_180 : i32
        %dma_start3A_182 = arith.constant 0 : i32
        %dma_start3A_183 = tpu.memref_slice %arg13[%add3A_181, %dma_start3A_182] : memref<16x128xi32, #tpu.memory_space<vmem>> -> memref<1x128xi32, #tpu.memory_space<vmem>>
        %dma_start3A_184 = tpu.memref_squeeze %dma_start3A_183 : memref<1x128xi32, #tpu.memory_space<vmem>> -> memref<128xi32, #tpu.memory_space<vmem>>
        %dma_start3A_185 = arith.constant 0 : i32
        %dma_start3A_186 = arith.constant 0 : i32
        %dma_start3A_187 = tpu.memref_slice %arg3[%dma_start3A_185, %dma_start3A_186] : memref<10240x32xf32, #tpu.memory_space<hbm>> -> memref<10240x32xf32, #tpu.memory_space<hbm>>
        tpu.enqueue_indirect_dma source(%dma_start3A_187 : memref<10240x32xf32, #tpu.memory_space<hbm>>) target(%arg18 : memref<128x32xf32, #tpu.memory_space<vmem>>) offsets(%dma_start3A_184 : memref<128xi32, #tpu.memory_space<vmem>>) semaphore(%arg23 : memref<!tpu.dma_semaphore, #tpu.memory_space<semaphore_mem>>)
      } else {
      }
      %mul3A_124 = arith.constant 4 : i32
      %mul3A_125 = arith.muli %mul3A_124, %scan3A_71 : i32
      %add3A_126 = arith.constant 2 : i32
      %add3A_127 = arith.addi %mul3A_125, %add3A_126 : i32
      %dma_wait3A_128 = arith.constant 0 : i32
      %dma_wait3A_129 = tpu.memref_slice %arg13[%add3A_127, %dma_wait3A_128] : memref<16x128xi32, #tpu.memory_space<vmem>> -> memref<1x128xi32, #tpu.memory_space<vmem>>
      %dma_wait3A_130 = tpu.memref_squeeze %dma_wait3A_129 : memref<1x128xi32, #tpu.memory_space<vmem>> -> memref<128xi32, #tpu.memory_space<vmem>>
      %dma_wait3A_131 = arith.constant 0 : i32
      %dma_wait3A_132 = arith.constant 0 : i32
      %dma_wait3A_133 = tpu.memref_slice %arg3[%dma_wait3A_131, %dma_wait3A_132] : memref<10240x32xf32, #tpu.memory_space<hbm>> -> memref<10240x32xf32, #tpu.memory_space<hbm>>
      tpu.wait_indirect_dma semaphore(%arg22 : memref<!tpu.dma_semaphore, #tpu.memory_space<semaphore_mem>>) src(%dma_wait3A_133 : memref<10240x32xf32, #tpu.memory_space<hbm>>) dst(%arg17 : memref<128x32xf32, #tpu.memory_space<vmem>>)
      %dma_start3A_134 = arith.constant 0 : i32
      %dma_start3A_135 = tpu.memref_slice %arg14[%add3A_127, %dma_start3A_134] : memref<16x128xi32, #tpu.memory_space<vmem>> -> memref<1x128xi32, #tpu.memory_space<vmem>>
      %dma_start3A_136 = tpu.memref_squeeze %dma_start3A_135 : memref<1x128xi32, #tpu.memory_space<vmem>> -> memref<128xi32, #tpu.memory_space<vmem>>
      %dma_start3A_137 = arith.constant 0 : i32
      %dma_start3A_138 = arith.constant 0 : i32
      %dma_start3A_139 = tpu.memref_slice %arg19[%dma_start3A_137, %dma_start3A_138] : memref<10240x32xf32, #tpu.memory_space<vmem_shared>> -> memref<10240x32xf32, #tpu.memory_space<vmem_shared>>
      tpu.enqueue_indirect_dma source(%arg17 : memref<128x32xf32, #tpu.memory_space<vmem>>) target(%dma_start3A_139 : memref<10240x32xf32, #tpu.memory_space<vmem_shared>>) offsets(%dma_start3A_136 : memref<128xi32, #tpu.memory_space<vmem>>) semaphore(%arg26 : memref<!tpu.dma_semaphore, #tpu.memory_space<semaphore_mem>>) {add = true}
      %ge3A_140 = arith.constant 2 : i32
      %ge3A_141 = arith.cmpi sge, %add3A_127, %ge3A_140 : i32
      %convert_element_type3A_142 = arith.extui %ge3A_141 : i1 to i32
      %cond3A_143 = arith.constant 0 : i32
      %cond3A_144 = arith.cmpi ne, %convert_element_type3A_142, %cond3A_143 : i32
      scf.if %cond3A_144 {
        %sub3A = arith.constant 2 : i32
        %sub3A_180 = arith.subi %add3A_127, %sub3A : i32
        %dma_wait3A_181 = arith.constant 0 : i32
        %dma_wait3A_182 = tpu.memref_slice %arg14[%sub3A_180, %dma_wait3A_181] : memref<16x128xi32, #tpu.memory_space<vmem>> -> memref<1x128xi32, #tpu.memory_space<vmem>>
        %dma_wait3A_183 = tpu.memref_squeeze %dma_wait3A_182 : memref<1x128xi32, #tpu.memory_space<vmem>> -> memref<128xi32, #tpu.memory_space<vmem>>
        %dma_wait3A_184 = arith.constant 0 : i32
        %dma_wait3A_185 = arith.constant 0 : i32
        %dma_wait3A_186 = tpu.memref_slice %arg19[%dma_wait3A_184, %dma_wait3A_185] : memref<10240x32xf32, #tpu.memory_space<vmem_shared>> -> memref<10240x32xf32, #tpu.memory_space<vmem_shared>>
        tpu.wait_indirect_dma semaphore(%arg24 : memref<!tpu.dma_semaphore, #tpu.memory_space<semaphore_mem>>) src(%arg15 : memref<128x32xf32, #tpu.memory_space<vmem>>) dst(%dma_wait3A_186 : memref<10240x32xf32, #tpu.memory_space<vmem_shared>>)
      } else {
      }
      %add3A_145 = arith.constant 2 : i32
      %add3A_146 = arith.addi %add3A_127, %add3A_145 : i32
      %lt3A_147 = arith.constant 16 : i32
      %lt3A_148 = arith.cmpi slt, %add3A_146, %lt3A_147 : i32
      %convert_element_type3A_149 = arith.extui %lt3A_148 : i1 to i32
      %cond3A_150 = arith.constant 0 : i32
      %cond3A_151 = arith.cmpi ne, %convert_element_type3A_149, %cond3A_150 : i32
      scf.if %cond3A_151 {
        %add3A_180 = arith.constant 2 : i32
        %add3A_181 = arith.addi %add3A_127, %add3A_180 : i32
        %dma_start3A_182 = arith.constant 0 : i32
        %dma_start3A_183 = tpu.memref_slice %arg13[%add3A_181, %dma_start3A_182] : memref<16x128xi32, #tpu.memory_space<vmem>> -> memref<1x128xi32, #tpu.memory_space<vmem>>
        %dma_start3A_184 = tpu.memref_squeeze %dma_start3A_183 : memref<1x128xi32, #tpu.memory_space<vmem>> -> memref<128xi32, #tpu.memory_space<vmem>>
        %dma_start3A_185 = arith.constant 0 : i32
        %dma_start3A_186 = arith.constant 0 : i32
        %dma_start3A_187 = tpu.memref_slice %arg3[%dma_start3A_185, %dma_start3A_186] : memref<10240x32xf32, #tpu.memory_space<hbm>> -> memref<10240x32xf32, #tpu.memory_space<hbm>>
        tpu.enqueue_indirect_dma source(%dma_start3A_187 : memref<10240x32xf32, #tpu.memory_space<hbm>>) target(%arg15 : memref<128x32xf32, #tpu.memory_space<vmem>>) offsets(%dma_start3A_184 : memref<128xi32, #tpu.memory_space<vmem>>) semaphore(%arg20 : memref<!tpu.dma_semaphore, #tpu.memory_space<semaphore_mem>>)
      } else {
      }
      %mul3A_152 = arith.constant 4 : i32
      %mul3A_153 = arith.muli %mul3A_152, %scan3A_71 : i32
      %add3A_154 = arith.constant 3 : i32
      %add3A_155 = arith.addi %mul3A_153, %add3A_154 : i32
      %dma_wait3A_156 = arith.constant 0 : i32
      %dma_wait3A_157 = tpu.memref_slice %arg13[%add3A_155, %dma_wait3A_156] : memref<16x128xi32, #tpu.memory_space<vmem>> -> memref<1x128xi32, #tpu.memory_space<vmem>>
      %dma_wait3A_158 = tpu.memref_squeeze %dma_wait3A_157 : memref<1x128xi32, #tpu.memory_space<vmem>> -> memref<128xi32, #tpu.memory_space<vmem>>
      %dma_wait3A_159 = arith.constant 0 : i32
      %dma_wait3A_160 = arith.constant 0 : i32
      %dma_wait3A_161 = tpu.memref_slice %arg3[%dma_wait3A_159, %dma_wait3A_160] : memref<10240x32xf32, #tpu.memory_space<hbm>> -> memref<10240x32xf32, #tpu.memory_space<hbm>>
      tpu.wait_indirect_dma semaphore(%arg23 : memref<!tpu.dma_semaphore, #tpu.memory_space<semaphore_mem>>) src(%dma_wait3A_161 : memref<10240x32xf32, #tpu.memory_space<hbm>>) dst(%arg18 : memref<128x32xf32, #tpu.memory_space<vmem>>)
      %dma_start3A_162 = arith.constant 0 : i32
      %dma_start3A_163 = tpu.memref_slice %arg14[%add3A_155, %dma_start3A_162] : memref<16x128xi32, #tpu.memory_space<vmem>> -> memref<1x128xi32, #tpu.memory_space<vmem>>
      %dma_start3A_164 = tpu.memref_squeeze %dma_start3A_163 : memref<1x128xi32, #tpu.memory_space<vmem>> -> memref<128xi32, #tpu.memory_space<vmem>>
      %dma_start3A_165 = arith.constant 0 : i32
      %dma_start3A_166 = arith.constant 0 : i32
      %dma_start3A_167 = tpu.memref_slice %arg19[%dma_start3A_165, %dma_start3A_166] : memref<10240x32xf32, #tpu.memory_space<vmem_shared>> -> memref<10240x32xf32, #tpu.memory_space<vmem_shared>>
      tpu.enqueue_indirect_dma source(%arg18 : memref<128x32xf32, #tpu.memory_space<vmem>>) target(%dma_start3A_167 : memref<10240x32xf32, #tpu.memory_space<vmem_shared>>) offsets(%dma_start3A_164 : memref<128xi32, #tpu.memory_space<vmem>>) semaphore(%arg27 : memref<!tpu.dma_semaphore, #tpu.memory_space<semaphore_mem>>) {add = true}
      %ge3A_168 = arith.constant 2 : i32
      %ge3A_169 = arith.cmpi sge, %add3A_155, %ge3A_168 : i32
      %convert_element_type3A_170 = arith.extui %ge3A_169 : i1 to i32
      %cond3A_171 = arith.constant 0 : i32
      %cond3A_172 = arith.cmpi ne, %convert_element_type3A_170, %cond3A_171 : i32
      scf.if %cond3A_172 {
        %sub3A = arith.constant 2 : i32
        %sub3A_180 = arith.subi %add3A_155, %sub3A : i32
        %dma_wait3A_181 = arith.constant 0 : i32
        %dma_wait3A_182 = tpu.memref_slice %arg14[%sub3A_180, %dma_wait3A_181] : memref<16x128xi32, #tpu.memory_space<vmem>> -> memref<1x128xi32, #tpu.memory_space<vmem>>
        %dma_wait3A_183 = tpu.memref_squeeze %dma_wait3A_182 : memref<1x128xi32, #tpu.memory_space<vmem>> -> memref<128xi32, #tpu.memory_space<vmem>>
        %dma_wait3A_184 = arith.constant 0 : i32
        %dma_wait3A_185 = arith.constant 0 : i32
        %dma_wait3A_186 = tpu.memref_slice %arg19[%dma_wait3A_184, %dma_wait3A_185] : memref<10240x32xf32, #tpu.memory_space<vmem_shared>> -> memref<10240x32xf32, #tpu.memory_space<vmem_shared>>
        tpu.wait_indirect_dma semaphore(%arg25 : memref<!tpu.dma_semaphore, #tpu.memory_space<semaphore_mem>>) src(%arg16 : memref<128x32xf32, #tpu.memory_space<vmem>>) dst(%dma_wait3A_186 : memref<10240x32xf32, #tpu.memory_space<vmem_shared>>)
      } else {
      }
      %add3A_173 = arith.constant 2 : i32
      %add3A_174 = arith.addi %add3A_155, %add3A_173 : i32
      %lt3A_175 = arith.constant 16 : i32
      %lt3A_176 = arith.cmpi slt, %add3A_174, %lt3A_175 : i32
      %convert_element_type3A_177 = arith.extui %lt3A_176 : i1 to i32
      %cond3A_178 = arith.constant 0 : i32
      %cond3A_179 = arith.cmpi ne, %convert_element_type3A_177, %cond3A_178 : i32
      scf.if %cond3A_179 {
        %add3A_180 = arith.constant 2 : i32
        %add3A_181 = arith.addi %add3A_155, %add3A_180 : i32
        %dma_start3A_182 = arith.constant 0 : i32
        %dma_start3A_183 = tpu.memref_slice %arg13[%add3A_181, %dma_start3A_182] : memref<16x128xi32, #tpu.memory_space<vmem>> -> memref<1x128xi32, #tpu.memory_space<vmem>>
        %dma_start3A_184 = tpu.memref_squeeze %dma_start3A_183 : memref<1x128xi32, #tpu.memory_space<vmem>> -> memref<128xi32, #tpu.memory_space<vmem>>
        %dma_start3A_185 = arith.constant 0 : i32
        %dma_start3A_186 = arith.constant 0 : i32
        %dma_start3A_187 = tpu.memref_slice %arg3[%dma_start3A_185, %dma_start3A_186] : memref<10240x32xf32, #tpu.memory_space<hbm>> -> memref<10240x32xf32, #tpu.memory_space<hbm>>
        tpu.enqueue_indirect_dma source(%dma_start3A_187 : memref<10240x32xf32, #tpu.memory_space<hbm>>) target(%arg16 : memref<128x32xf32, #tpu.memory_space<vmem>>) offsets(%dma_start3A_184 : memref<128xi32, #tpu.memory_space<vmem>>) semaphore(%arg21 : memref<!tpu.dma_semaphore, #tpu.memory_space<semaphore_mem>>)
      } else {
      }
    }
    %scan3A_55 = arith.constant 4 : i32
    %dma_wait3A_56 = arith.constant 14 : i32
    %dma_wait3A_57 = arith.constant 0 : i32
    %dma_wait3A_58 = tpu.memref_slice %arg14[%dma_wait3A_56, %dma_wait3A_57] : memref<16x128xi32, #tpu.memory_space<vmem>> -> memref<1x128xi32, #tpu.memory_space<vmem>>
    %dma_wait3A_59 = tpu.memref_squeeze %dma_wait3A_58 : memref<1x128xi32, #tpu.memory_space<vmem>> -> memref<128xi32, #tpu.memory_space<vmem>>
    %dma_wait3A_60 = arith.constant 0 : i32
    %dma_wait3A_61 = arith.constant 0 : i32
    %dma_wait3A_62 = tpu.memref_slice %arg19[%dma_wait3A_60, %dma_wait3A_61] : memref<10240x32xf32, #tpu.memory_space<vmem_shared>> -> memref<10240x32xf32, #tpu.memory_space<vmem_shared>>
    tpu.wait_indirect_dma semaphore(%arg26 : memref<!tpu.dma_semaphore, #tpu.memory_space<semaphore_mem>>) src(%arg17 : memref<128x32xf32, #tpu.memory_space<vmem>>) dst(%dma_wait3A_62 : memref<10240x32xf32, #tpu.memory_space<vmem_shared>>)
    %dma_wait3A_63 = arith.constant 15 : i32
    %dma_wait3A_64 = arith.constant 0 : i32
    %dma_wait3A_65 = tpu.memref_slice %arg14[%dma_wait3A_63, %dma_wait3A_64] : memref<16x128xi32, #tpu.memory_space<vmem>> -> memref<1x128xi32, #tpu.memory_space<vmem>>
    %dma_wait3A_66 = tpu.memref_squeeze %dma_wait3A_65 : memref<1x128xi32, #tpu.memory_space<vmem>> -> memref<128xi32, #tpu.memory_space<vmem>>
    %dma_wait3A_67 = arith.constant 0 : i32
    %dma_wait3A_68 = arith.constant 0 : i32
    %dma_wait3A_69 = tpu.memref_slice %arg19[%dma_wait3A_67, %dma_wait3A_68] : memref<10240x32xf32, #tpu.memory_space<vmem_shared>> -> memref<10240x32xf32, #tpu.memory_space<vmem_shared>>
    tpu.wait_indirect_dma semaphore(%arg27 : memref<!tpu.dma_semaphore, #tpu.memory_space<semaphore_mem>>) src(%arg18 : memref<128x32xf32, #tpu.memory_space<vmem>>) dst(%dma_wait3A_69 : memref<10240x32xf32, #tpu.memory_space<vmem_shared>>)
    %barrier3A_70 = arith.constant 0 : index
    tpu.barrier barrier_id(%barrier3A_70)
    "tpu.region"() ({
      %run_scoped3A = tpu.sem_alloc : memref<!tpu.dma_semaphore, #tpu.memory_space<semaphore_mem>>
      %dma_start3A_71 = arith.constant 0 : i32
      %dma_start3A_72 = arith.constant 0 : i32
      %dma_start3A_73 = tpu.memref_slice %arg10[%arg0, %dma_start3A_71, %dma_start3A_72] : memref<2x10240x128xf32, #tpu.memory_space<hbm>> -> memref<1x10240x128xf32, #tpu.memory_space<hbm>>
      %dma_start3A_74 = tpu.memref_squeeze %dma_start3A_73 : memref<1x10240x128xf32, #tpu.memory_space<hbm>> -> memref<10240x128xf32, #tpu.memory_space<hbm>>
      %dma_start3A_75 = arith.constant 0 : i32
      %dma_start3A_76 = tpu.memref_slice %dma_start3A_74[%mul3A_2, %dma_start3A_75] : memref<10240x128xf32, #tpu.memory_space<hbm>> -> memref<640x32xf32, #tpu.memory_space<hbm>>
      %dma_start3A_77 = arith.constant 0 : i32
      %dma_start3A_78 = tpu.memref_slice %arg19[%mul3A_2, %dma_start3A_77] : memref<10240x32xf32, #tpu.memory_space<vmem_shared>> -> memref<640x32xf32, #tpu.memory_space<vmem_shared>>
      tpu.enqueue_dma source(%dma_start3A_78 : memref<640x32xf32, #tpu.memory_space<vmem_shared>>) target(%dma_start3A_76 : memref<640x32xf32, #tpu.memory_space<hbm>>) target_semaphore(%run_scoped3A : memref<!tpu.dma_semaphore, #tpu.memory_space<semaphore_mem>>)
      %dma_wait3A_79 = arith.constant 0 : i32
      %dma_wait3A_80 = arith.constant 0 : i32
      %dma_wait3A_81 = tpu.memref_slice %arg10[%arg0, %dma_wait3A_79, %dma_wait3A_80] : memref<2x10240x128xf32, #tpu.memory_space<hbm>> -> memref<1x10240x128xf32, #tpu.memory_space<hbm>>
      %dma_wait3A_82 = tpu.memref_squeeze %dma_wait3A_81 : memref<1x10240x128xf32, #tpu.memory_space<hbm>> -> memref<10240x128xf32, #tpu.memory_space<hbm>>
      %dma_wait3A_83 = arith.constant 0 : i32
      %dma_wait3A_84 = tpu.memref_slice %dma_wait3A_82[%mul3A_2, %dma_wait3A_83] : memref<10240x128xf32, #tpu.memory_space<hbm>> -> memref<640x32xf32, #tpu.memory_space<hbm>>
      %dma_wait3A_85 = arith.constant 0 : i32
      %dma_wait3A_86 = tpu.memref_slice %arg19[%mul3A_2, %dma_wait3A_85] : memref<10240x32xf32, #tpu.memory_space<vmem_shared>> -> memref<640x32xf32, #tpu.memory_space<vmem_shared>>
      tpu.wait_dma2 semaphore(%run_scoped3A : memref<!tpu.dma_semaphore, #tpu.memory_space<semaphore_mem>>) src(%dma_wait3A_86 : memref<640x32xf32, #tpu.memory_space<vmem_shared>>) dst(%dma_wait3A_84 : memref<640x32xf32, #tpu.memory_space<hbm>>)
      tpu.yield
    }) : () -> ()
    return
  }
}

module attributes {stable_mosaic.version = 14 : i64} {
  func.func @body(%arg0: i32, %arg1: memref<2048x128xf32, #tpu.memory_space<vmem>>, %arg2: memref<128x64xf32, #tpu.memory_space<vmem>>, %arg3: memref<2048x64xf32, #tpu.memory_space<vmem>>) attributes {dimension_semantics = [#tpu.dimension_semantics<arbitrary>], iteration_bounds = array<i64: 5>, scalar_prefetch = 0 : i64, scratch_operands = 0 : i64, tpu.core_type = #tpu.core_type<tc>, window_params = [{transform_indices = @transform_0, window_bounds = array<i64: 2048, 128>}, {pipeline_mode = #tpu.pipeline_mode<synchronous>, transform_indices = @transform_1, window_bounds = array<i64: 128, 64>}, {transform_indices = @transform_2, window_bounds = array<i64: 2048, 64>}]} {
    %get3A = arith.constant 0 : index
    %get3A_0 = arith.constant 0 : index
    %get3A_1 = vector.load %arg1[%get3A, %get3A_0] : memref<2048x128xf32, #tpu.memory_space<vmem>>, vector<2048x128xf32>
    %get3A_2 = arith.constant 0 : index
    %get3A_3 = arith.constant 0 : index
    %get3A_4 = vector.load %arg2[%get3A_2, %get3A_3] : memref<128x64xf32, #tpu.memory_space<vmem>>, vector<128x64xf32>
    %dot_general3A = arith.constant dense<0.000000e+00> : vector<2048x64xf32>
    %dot_general3A_5 = tpu.matmul %get3A_1, %get3A_4, %dot_general3A {dimension_numbers = #tpu.dot_dimension_numbers<[1], [0], [0], [1], [0, 0, 1, 1], [], []>, transpose_lhs_hint = false} : vector<2048x128xf32>, vector<128x64xf32>, vector<2048x64xf32> -> vector<2048x64xf32>
    %swap3A = arith.constant 0 : index
    %swap3A_6 = arith.constant 0 : index
    %swap3A_7 = vector.load %arg3[%swap3A, %swap3A_6] : memref<2048x64xf32, #tpu.memory_space<vmem>>, vector<2048x64xf32>
    tpu.vector_store %arg3[%swap3A, %swap3A_6], %dot_general3A_5 {strides = array<i32>} : memref<2048x64xf32, #tpu.memory_space<vmem>>, vector<2048x64xf32>,
    return
  }
  func.func @transform_0(%arg0: i32) -> (i32, i32) {
    %c0_i32 = arith.constant 0 : i32
    %c0_i32_0 = arith.constant 0 : i32
    return %arg0, %c0_i32 : i32, i32
  }
  func.func @transform_1(%arg0: i32) -> (i32, i32) {
    %c0_i32 = arith.constant 0 : i32
    %c0_i32_0 = arith.constant 0 : i32
    %c0_i32_1 = arith.constant 0 : i32
    return %c0_i32, %c0_i32_0 : i32, i32
  }
  func.func @transform_2(%arg0: i32) -> (i32, i32) {
    %c0_i32 = arith.constant 0 : i32
    %c0_i32_0 = arith.constant 0 : i32
    return %arg0, %c0_i32 : i32, i32
  }
}

module attributes {stable_mosaic.version = 14 : i64} {
  func.func @body(%arg0: i32, %arg1: memref<2048x64xf32, #tpu.memory_space<vmem>>, %arg2: memref<2x2048x128xf32, #tpu.memory_space<vmem>>, %arg3: memref<2x2048x128xf32, #tpu.memory_space<vmem>>, %arg4: memref<2048x64xf32, #tpu.memory_space<vmem>>, %arg5: memref<2048x64xf32, #tpu.memory_space<vmem>>, %arg6: memref<2048x1xf32, #tpu.memory_space<vmem>>, %arg7: memref<2048x1xf32, #tpu.memory_space<vmem>>) attributes {dimension_semantics = [#tpu.dimension_semantics<arbitrary>], iteration_bounds = array<i64: 5>, scalar_prefetch = 0 : i64, scratch_operands = 0 : i64, tpu.core_type = #tpu.core_type<tc>, window_params = [{transform_indices = @transform_0, window_bounds = array<i64: 2048, 64>}, {transform_indices = @transform_1, window_bounds = array<i64: 2, 2048, 128>}, {transform_indices = @transform_2, window_bounds = array<i64: 2, 2048, 128>}, {transform_indices = @transform_3, window_bounds = array<i64: 2048, 64>}, {transform_indices = @transform_4, window_bounds = array<i64: 2048, 64>}, {transform_indices = @transform_5, window_bounds = array<i64: 2048, 1>}, {transform_indices = @transform_6, window_bounds = array<i64: 2048, 1>}]} {
    %get3A = arith.constant 0 : index
    %get3A_0 = arith.constant 0 : index
    %get3A_1 = vector.load %arg1[%get3A, %get3A_0] : memref<2048x64xf32, #tpu.memory_space<vmem>>, vector<2048x64xf32>
    %get3A_2 = arith.constant 0 : index
    %get3A_3 = arith.constant 0 : index
    %get3A_4 = arith.constant 0 : index
    %get3A_5 = vector.load %arg2[%get3A_2, %get3A_3, %get3A_4] : memref<2x2048x128xf32, #tpu.memory_space<vmem>>, vector<1x2048x1xf32>
    %get3A_6 = vector.shape_cast %get3A_5 : vector<1x2048x1xf32> to vector<2048x1xf32>
    %get3A_7 = arith.constant 1 : index
    %get3A_8 = arith.constant 0 : index
    %get3A_9 = arith.constant 0 : index
    %get3A_10 = vector.load %arg2[%get3A_7, %get3A_8, %get3A_9] : memref<2x2048x128xf32, #tpu.memory_space<vmem>>, vector<1x2048x1xf32>
    %get3A_11 = vector.shape_cast %get3A_10 : vector<1x2048x1xf32> to vector<2048x1xf32>
    %add3A = arith.addf %get3A_6, %get3A_11 : vector<2048x1xf32>
    %add3A_12 = arith.constant 1.000000e+00 : f32
    %add3A_13 = vector.broadcast %add3A_12 : f32 to vector<2048x1xf32>
    %add3A_14 = arith.addf %add3A, %add3A_13 : vector<2048x1xf32>
    %get3A_15 = arith.constant 0 : index
    %get3A_16 = arith.constant 0 : index
    %get3A_17 = arith.constant 0 : index
    %get3A_18 = vector.load %arg3[%get3A_15, %get3A_16, %get3A_17] : memref<2x2048x128xf32, #tpu.memory_space<vmem>>, vector<1x2048x1xf32>
    %get3A_19 = vector.shape_cast %get3A_18 : vector<1x2048x1xf32> to vector<2048x1xf32>
    %get3A_20 = arith.constant 1 : index
    %get3A_21 = arith.constant 0 : index
    %get3A_22 = arith.constant 0 : index
    %get3A_23 = vector.load %arg3[%get3A_20, %get3A_21, %get3A_22] : memref<2x2048x128xf32, #tpu.memory_space<vmem>>, vector<1x2048x1xf32>
    %get3A_24 = vector.shape_cast %get3A_23 : vector<1x2048x1xf32> to vector<2048x1xf32>
    %add3A_25 = arith.addf %get3A_19, %get3A_24 : vector<2048x1xf32>
    %add3A_26 = arith.constant 1.000000e+00 : f32
    %add3A_27 = vector.broadcast %add3A_26 : f32 to vector<2048x1xf32>
    %add3A_28 = arith.addf %add3A_25, %add3A_27 : vector<2048x1xf32>
    %rsqrt3A = math.rsqrt %add3A_14 : vector<2048x1xf32>
    %rsqrt3A_29 = math.rsqrt %add3A_28 : vector<2048x1xf32>
    %mul3A = vector.broadcast %rsqrt3A : vector<2048x1xf32> to vector<2048x64xf32>
    %mul3A_30 = arith.mulf %get3A_1, %mul3A : vector<2048x64xf32>
    %swap3A = arith.constant 0 : index
    %swap3A_31 = arith.constant 0 : index
    %swap3A_32 = vector.load %arg4[%swap3A, %swap3A_31] : memref<2048x64xf32, #tpu.memory_space<vmem>>, vector<2048x64xf32>
    tpu.vector_store %arg4[%swap3A, %swap3A_31], %mul3A_30 {strides = array<i32>} : memref<2048x64xf32, #tpu.memory_space<vmem>>, vector<2048x64xf32>,
    %mul3A_33 = vector.broadcast %rsqrt3A_29 : vector<2048x1xf32> to vector<2048x64xf32>
    %mul3A_34 = arith.mulf %get3A_1, %mul3A_33 : vector<2048x64xf32>
    %swap3A_35 = arith.constant 0 : index
    %swap3A_36 = arith.constant 0 : index
    %swap3A_37 = vector.load %arg5[%swap3A_35, %swap3A_36] : memref<2048x64xf32, #tpu.memory_space<vmem>>, vector<2048x64xf32>
    tpu.vector_store %arg5[%swap3A_35, %swap3A_36], %mul3A_34 {strides = array<i32>} : memref<2048x64xf32, #tpu.memory_space<vmem>>, vector<2048x64xf32>,
    %swap3A_38 = arith.constant 0 : index
    %swap3A_39 = arith.constant 0 : index
    %swap3A_40 = vector.load %arg6[%swap3A_38, %swap3A_39] : memref<2048x1xf32, #tpu.memory_space<vmem>>, vector<2048x1xf32>
    tpu.vector_store %arg6[%swap3A_38, %swap3A_39], %rsqrt3A {strides = array<i32>} : memref<2048x1xf32, #tpu.memory_space<vmem>>, vector<2048x1xf32>,
    %swap3A_41 = arith.constant 0 : index
    %swap3A_42 = arith.constant 0 : index
    %swap3A_43 = vector.load %arg7[%swap3A_41, %swap3A_42] : memref<2048x1xf32, #tpu.memory_space<vmem>>, vector<2048x1xf32>
    tpu.vector_store %arg7[%swap3A_41, %swap3A_42], %rsqrt3A_29 {strides = array<i32>} : memref<2048x1xf32, #tpu.memory_space<vmem>>, vector<2048x1xf32>,
    return
  }
  func.func @transform_0(%arg0: i32) -> (i32, i32) {
    %c0_i32 = arith.constant 0 : i32
    %c0_i32_0 = arith.constant 0 : i32
    return %arg0, %c0_i32 : i32, i32
  }
  func.func @transform_1(%arg0: i32) -> (i32, i32, i32) {
    %c0_i32 = arith.constant 0 : i32
    %c0_i32_0 = arith.constant 0 : i32
    %c0_i32_1 = arith.constant 0 : i32
    return %c0_i32, %arg0, %c0_i32_0 : i32, i32, i32
  }
  func.func @transform_2(%arg0: i32) -> (i32, i32, i32) {
    %c0_i32 = arith.constant 0 : i32
    %c0_i32_0 = arith.constant 0 : i32
    %c0_i32_1 = arith.constant 0 : i32
    return %c0_i32, %arg0, %c0_i32_0 : i32, i32, i32
  }
  func.func @transform_3(%arg0: i32) -> (i32, i32) {
    %c0_i32 = arith.constant 0 : i32
    %c0_i32_0 = arith.constant 0 : i32
    return %arg0, %c0_i32 : i32, i32
  }
  func.func @transform_4(%arg0: i32) -> (i32, i32) {
    %c0_i32 = arith.constant 0 : i32
    %c0_i32_0 = arith.constant 0 : i32
    return %arg0, %c0_i32 : i32, i32
  }
  func.func @transform_5(%arg0: i32) -> (i32, i32) {
    %c0_i32 = arith.constant 0 : i32
    %c0_i32_0 = arith.constant 0 : i32
    return %arg0, %c0_i32 : i32, i32
  }
  func.func @transform_6(%arg0: i32) -> (i32, i32) {
    %c0_i32 = arith.constant 0 : i32
    %c0_i32_0 = arith.constant 0 : i32
    return %arg0, %c0_i32 : i32, i32
  }
}

module attributes {stable_mosaic.version = 14 : i64} {
  func.func @body(%arg0: i32, %arg1: memref<2x2048x128xf32, #tpu.memory_space<vmem>>, %arg2: memref<2x2048x128xf32, #tpu.memory_space<vmem>>, %arg3: memref<2048x64xf32, #tpu.memory_space<vmem>>, %arg4: memref<2048x1xf32, #tpu.memory_space<vmem>>, %arg5: memref<2048x1xf32, #tpu.memory_space<vmem>>, %arg6: memref<1x64xf32, #tpu.memory_space<vmem>>, %arg7: memref<128x32xf32, #tpu.memory_space<vmem>>, %arg8: memref<2048x32xf32, #tpu.memory_space<vmem>>, %arg9: memref<2048x32xf32, #tpu.memory_space<vmem>>, %arg10: memref<2048x32xf32, #tpu.memory_space<vmem>>) attributes {dimension_semantics = [#tpu.dimension_semantics<arbitrary>], iteration_bounds = array<i64: 5>, scalar_prefetch = 0 : i64, scratch_operands = 0 : i64, tpu.core_type = #tpu.core_type<tc>, window_params = [{transform_indices = @transform_0, window_bounds = array<i64: 2, 2048, 128>}, {transform_indices = @transform_1, window_bounds = array<i64: 2, 2048, 128>}, {transform_indices = @transform_2, window_bounds = array<i64: 2048, 64>}, {transform_indices = @transform_3, window_bounds = array<i64: 2048, 1>}, {transform_indices = @transform_4, window_bounds = array<i64: 2048, 1>}, {pipeline_mode = #tpu.pipeline_mode<synchronous>, transform_indices = @transform_5, window_bounds = array<i64: 1, 64>}, {pipeline_mode = #tpu.pipeline_mode<synchronous>, transform_indices = @transform_6, window_bounds = array<i64: 128, 32>}, {transform_indices = @transform_7, window_bounds = array<i64: 2048, 32>}, {transform_indices = @transform_8, window_bounds = array<i64: 2048, 32>}, {transform_indices = @transform_9, window_bounds = array<i64: 2048, 32>}]} {
    %get3A = arith.constant 0 : index
    %get3A_0 = arith.constant 0 : index
    %get3A_1 = vector.load %arg4[%get3A, %get3A_0] : memref<2048x1xf32, #tpu.memory_space<vmem>>, vector<2048x1xf32>
    %get3A_2 = arith.constant 0 : index
    %get3A_3 = arith.constant 0 : index
    %get3A_4 = vector.load %arg5[%get3A_2, %get3A_3] : memref<2048x1xf32, #tpu.memory_space<vmem>>, vector<2048x1xf32>
    %get3A_5 = arith.constant 0 : index
    %get3A_6 = arith.constant 0 : index
    %get3A_7 = vector.load %arg3[%get3A_5, %get3A_6] : memref<2048x64xf32, #tpu.memory_space<vmem>>, vector<2048x64xf32>
    %get3A_8 = arith.constant 0 : index
    %get3A_9 = arith.constant 0 : index
    %get3A_10 = vector.load %arg6[%get3A_8, %get3A_9] : memref<1x64xf32, #tpu.memory_space<vmem>>, vector<1x64xf32>
    %get3A_11 = arith.constant 0 : index
    %get3A_12 = arith.constant 0 : index
    %get3A_13 = arith.constant 0 : index
    %get3A_14 = vector.load %arg1[%get3A_11, %get3A_12, %get3A_13] : memref<2x2048x128xf32, #tpu.memory_space<vmem>>, vector<1x2048x64xf32>
    %get3A_15 = vector.shape_cast %get3A_14 : vector<1x2048x64xf32> to vector<2048x64xf32>
    %get3A_16 = arith.constant 1 : index
    %get3A_17 = arith.constant 0 : index
    %get3A_18 = arith.constant 0 : index
    %get3A_19 = vector.load %arg1[%get3A_16, %get3A_17, %get3A_18] : memref<2x2048x128xf32, #tpu.memory_space<vmem>>, vector<1x2048x64xf32>
    %get3A_20 = vector.shape_cast %get3A_19 : vector<1x2048x64xf32> to vector<2048x64xf32>
    %add3A = arith.addf %get3A_15, %get3A_20 : vector<2048x64xf32>
    %get3A_21 = arith.constant 0 : index
    %get3A_22 = arith.constant 0 : index
    %get3A_23 = arith.constant 0 : index
    %get3A_24 = vector.load %arg2[%get3A_21, %get3A_22, %get3A_23] : memref<2x2048x128xf32, #tpu.memory_space<vmem>>, vector<1x2048x64xf32>
    %get3A_25 = vector.shape_cast %get3A_24 : vector<1x2048x64xf32> to vector<2048x64xf32>
    %get3A_26 = arith.constant 1 : index
    %get3A_27 = arith.constant 0 : index
    %get3A_28 = arith.constant 0 : index
    %get3A_29 = vector.load %arg2[%get3A_26, %get3A_27, %get3A_28] : memref<2x2048x128xf32, #tpu.memory_space<vmem>>, vector<1x2048x64xf32>
    %get3A_30 = vector.shape_cast %get3A_29 : vector<1x2048x64xf32> to vector<2048x64xf32>
    %add3A_31 = arith.addf %get3A_25, %get3A_30 : vector<2048x64xf32>
    %mul3A = vector.broadcast %get3A_1 : vector<2048x1xf32> to vector<2048x64xf32>
    %mul3A_32 = arith.mulf %mul3A, %add3A : vector<2048x64xf32>
    %mul3A_33 = arith.mulf %get3A_1, %get3A_1 : vector<2048x1xf32>
    %mul3A_34 = vector.broadcast %mul3A_33 : vector<2048x1xf32> to vector<2048x64xf32>
    %mul3A_35 = arith.mulf %mul3A_34, %get3A_7 : vector<2048x64xf32>
    %add3A_36 = arith.addf %mul3A_32, %mul3A_35 : vector<2048x64xf32>
    %add3A_37 = vector.broadcast %get3A_10 : vector<1x64xf32> to vector<2048x64xf32>
    %add3A_38 = arith.addf %add3A_36, %add3A_37 : vector<2048x64xf32>
    %mul3A_39 = vector.broadcast %get3A_4 : vector<2048x1xf32> to vector<2048x64xf32>
    %mul3A_40 = arith.mulf %mul3A_39, %add3A_31 : vector<2048x64xf32>
    %mul3A_41 = arith.mulf %get3A_4, %get3A_4 : vector<2048x1xf32>
    %mul3A_42 = vector.broadcast %mul3A_41 : vector<2048x1xf32> to vector<2048x64xf32>
    %mul3A_43 = arith.mulf %mul3A_42, %get3A_7 : vector<2048x64xf32>
    %add3A_44 = arith.addf %mul3A_40, %mul3A_43 : vector<2048x64xf32>
    %add3A_45 = vector.broadcast %get3A_10 : vector<1x64xf32> to vector<2048x64xf32>
    %add3A_46 = arith.addf %add3A_44, %add3A_45 : vector<2048x64xf32>
    %concatenate3A = tpu.concatenate %add3A_38, %add3A_46 in 1 : vector<2048x64xf32>, vector<2048x64xf32> -> vector<2048x128xf32>
    %max3A = arith.constant 0.000000e+00 : f32
    %max3A_47 = vector.broadcast %max3A : f32 to vector<2048x128xf32>
    %max3A_48 = arith.maximumf %concatenate3A, %max3A_47 : vector<2048x128xf32>
    %get3A_49 = arith.constant 0 : index
    %get3A_50 = arith.constant 0 : index
    %get3A_51 = vector.load %arg7[%get3A_49, %get3A_50] : memref<128x32xf32, #tpu.memory_space<vmem>>, vector<128x32xf32>
    %dot_general3A = arith.constant dense<0.000000e+00> : vector<2048x32xf32>
    %dot_general3A_52 = tpu.matmul %max3A_48, %get3A_51, %dot_general3A {dimension_numbers = #tpu.dot_dimension_numbers<[1], [0], [0], [1], [0, 0, 1, 1], [], []>, transpose_lhs_hint = false} : vector<2048x128xf32>, vector<128x32xf32>, vector<2048x32xf32> -> vector<2048x32xf32>
    %swap3A = arith.constant 0 : index
    %swap3A_53 = arith.constant 0 : index
    %swap3A_54 = vector.load %arg8[%swap3A, %swap3A_53] : memref<2048x32xf32, #tpu.memory_space<vmem>>, vector<2048x32xf32>
    tpu.vector_store %arg8[%swap3A, %swap3A_53], %dot_general3A_52 {strides = array<i32>} : memref<2048x32xf32, #tpu.memory_space<vmem>>, vector<2048x32xf32>,
    %mul3A_55 = vector.broadcast %get3A_1 : vector<2048x1xf32> to vector<2048x32xf32>
    %mul3A_56 = arith.mulf %dot_general3A_52, %mul3A_55 : vector<2048x32xf32>
    %swap3A_57 = arith.constant 0 : index
    %swap3A_58 = arith.constant 0 : index
    %swap3A_59 = vector.load %arg9[%swap3A_57, %swap3A_58] : memref<2048x32xf32, #tpu.memory_space<vmem>>, vector<2048x32xf32>
    tpu.vector_store %arg9[%swap3A_57, %swap3A_58], %mul3A_56 {strides = array<i32>} : memref<2048x32xf32, #tpu.memory_space<vmem>>, vector<2048x32xf32>,
    %mul3A_60 = vector.broadcast %get3A_4 : vector<2048x1xf32> to vector<2048x32xf32>
    %mul3A_61 = arith.mulf %dot_general3A_52, %mul3A_60 : vector<2048x32xf32>
    %swap3A_62 = arith.constant 0 : index
    %swap3A_63 = arith.constant 0 : index
    %swap3A_64 = vector.load %arg10[%swap3A_62, %swap3A_63] : memref<2048x32xf32, #tpu.memory_space<vmem>>, vector<2048x32xf32>
    tpu.vector_store %arg10[%swap3A_62, %swap3A_63], %mul3A_61 {strides = array<i32>} : memref<2048x32xf32, #tpu.memory_space<vmem>>, vector<2048x32xf32>,
    return
  }
  func.func @transform_0(%arg0: i32) -> (i32, i32, i32) {
    %c0_i32 = arith.constant 0 : i32
    %c0_i32_0 = arith.constant 0 : i32
    %c0_i32_1 = arith.constant 0 : i32
    return %c0_i32, %arg0, %c0_i32_0 : i32, i32, i32
  }
  func.func @transform_1(%arg0: i32) -> (i32, i32, i32) {
    %c0_i32 = arith.constant 0 : i32
    %c0_i32_0 = arith.constant 0 : i32
    %c0_i32_1 = arith.constant 0 : i32
    return %c0_i32, %arg0, %c0_i32_0 : i32, i32, i32
  }
  func.func @transform_2(%arg0: i32) -> (i32, i32) {
    %c0_i32 = arith.constant 0 : i32
    %c0_i32_0 = arith.constant 0 : i32
    return %arg0, %c0_i32 : i32, i32
  }
  func.func @transform_3(%arg0: i32) -> (i32, i32) {
    %c0_i32 = arith.constant 0 : i32
    %c0_i32_0 = arith.constant 0 : i32
    return %arg0, %c0_i32 : i32, i32
  }
  func.func @transform_4(%arg0: i32) -> (i32, i32) {
    %c0_i32 = arith.constant 0 : i32
    %c0_i32_0 = arith.constant 0 : i32
    return %arg0, %c0_i32 : i32, i32
  }
  func.func @transform_5(%arg0: i32) -> (i32, i32) {
    %c0_i32 = arith.constant 0 : i32
    %c0_i32_0 = arith.constant 0 : i32
    %c0_i32_1 = arith.constant 0 : i32
    return %c0_i32, %c0_i32_0 : i32, i32
  }
  func.func @transform_6(%arg0: i32) -> (i32, i32) {
    %c0_i32 = arith.constant 0 : i32
    %c0_i32_0 = arith.constant 0 : i32
    %c0_i32_1 = arith.constant 0 : i32
    return %c0_i32, %c0_i32_0 : i32, i32
  }
  func.func @transform_7(%arg0: i32) -> (i32, i32) {
    %c0_i32 = arith.constant 0 : i32
    %c0_i32_0 = arith.constant 0 : i32
    return %arg0, %c0_i32 : i32, i32
  }
  func.func @transform_8(%arg0: i32) -> (i32, i32) {
    %c0_i32 = arith.constant 0 : i32
    %c0_i32_0 = arith.constant 0 : i32
    return %arg0, %c0_i32 : i32, i32
  }
  func.func @transform_9(%arg0: i32) -> (i32, i32) {
    %c0_i32 = arith.constant 0 : i32
    %c0_i32_0 = arith.constant 0 : i32
    return %arg0, %c0_i32 : i32, i32
  }
}

module attributes {stable_mosaic.version = 14 : i64} {
  func.func @body(%arg0: i32, %arg1: memref<2x2048x128xf32, #tpu.memory_space<vmem>>, %arg2: memref<2x2048x128xf32, #tpu.memory_space<vmem>>, %arg3: memref<2048x32xf32, #tpu.memory_space<vmem>>, %arg4: memref<2048x1xf32, #tpu.memory_space<vmem>>, %arg5: memref<2048x1xf32, #tpu.memory_space<vmem>>, %arg6: memref<1x32xf32, #tpu.memory_space<vmem>>, %arg7: memref<64x32xf32, #tpu.memory_space<vmem>>, %arg8: memref<1x32xf32, #tpu.memory_space<vmem>>, %arg9: memref<2048x32xf32, #tpu.memory_space<vmem>>) attributes {dimension_semantics = [#tpu.dimension_semantics<arbitrary>], iteration_bounds = array<i64: 5>, scalar_prefetch = 0 : i64, scratch_operands = 0 : i64, tpu.core_type = #tpu.core_type<tc>, window_params = [{transform_indices = @transform_0, window_bounds = array<i64: 2, 2048, 128>}, {transform_indices = @transform_1, window_bounds = array<i64: 2, 2048, 128>}, {transform_indices = @transform_2, window_bounds = array<i64: 2048, 32>}, {transform_indices = @transform_3, window_bounds = array<i64: 2048, 1>}, {transform_indices = @transform_4, window_bounds = array<i64: 2048, 1>}, {pipeline_mode = #tpu.pipeline_mode<synchronous>, transform_indices = @transform_5, window_bounds = array<i64: 1, 32>}, {pipeline_mode = #tpu.pipeline_mode<synchronous>, transform_indices = @transform_6, window_bounds = array<i64: 64, 32>}, {pipeline_mode = #tpu.pipeline_mode<synchronous>, transform_indices = @transform_7, window_bounds = array<i64: 1, 32>}, {transform_indices = @transform_8, window_bounds = array<i64: 2048, 32>}]} {
    %get3A = arith.constant 0 : index
    %get3A_0 = arith.constant 0 : index
    %get3A_1 = vector.load %arg4[%get3A, %get3A_0] : memref<2048x1xf32, #tpu.memory_space<vmem>>, vector<2048x1xf32>
    %get3A_2 = arith.constant 0 : index
    %get3A_3 = arith.constant 0 : index
    %get3A_4 = vector.load %arg5[%get3A_2, %get3A_3] : memref<2048x1xf32, #tpu.memory_space<vmem>>, vector<2048x1xf32>
    %get3A_5 = arith.constant 0 : index
    %get3A_6 = arith.constant 0 : index
    %get3A_7 = vector.load %arg3[%get3A_5, %get3A_6] : memref<2048x32xf32, #tpu.memory_space<vmem>>, vector<2048x32xf32>
    %get3A_8 = arith.constant 0 : index
    %get3A_9 = arith.constant 0 : index
    %get3A_10 = vector.load %arg6[%get3A_8, %get3A_9] : memref<1x32xf32, #tpu.memory_space<vmem>>, vector<1x32xf32>
    %get3A_11 = arith.constant 0 : index
    %get3A_12 = arith.constant 0 : index
    %get3A_13 = arith.constant 0 : index
    %get3A_14 = vector.load %arg1[%get3A_11, %get3A_12, %get3A_13] : memref<2x2048x128xf32, #tpu.memory_space<vmem>>, vector<1x2048x32xf32>
    %get3A_15 = vector.shape_cast %get3A_14 : vector<1x2048x32xf32> to vector<2048x32xf32>
    %get3A_16 = arith.constant 1 : index
    %get3A_17 = arith.constant 0 : index
    %get3A_18 = arith.constant 0 : index
    %get3A_19 = vector.load %arg1[%get3A_16, %get3A_17, %get3A_18] : memref<2x2048x128xf32, #tpu.memory_space<vmem>>, vector<1x2048x32xf32>
    %get3A_20 = vector.shape_cast %get3A_19 : vector<1x2048x32xf32> to vector<2048x32xf32>
    %add3A = arith.addf %get3A_15, %get3A_20 : vector<2048x32xf32>
    %get3A_21 = arith.constant 0 : index
    %get3A_22 = arith.constant 0 : index
    %get3A_23 = arith.constant 0 : index
    %get3A_24 = vector.load %arg2[%get3A_21, %get3A_22, %get3A_23] : memref<2x2048x128xf32, #tpu.memory_space<vmem>>, vector<1x2048x32xf32>
    %get3A_25 = vector.shape_cast %get3A_24 : vector<1x2048x32xf32> to vector<2048x32xf32>
    %get3A_26 = arith.constant 1 : index
    %get3A_27 = arith.constant 0 : index
    %get3A_28 = arith.constant 0 : index
    %get3A_29 = vector.load %arg2[%get3A_26, %get3A_27, %get3A_28] : memref<2x2048x128xf32, #tpu.memory_space<vmem>>, vector<1x2048x32xf32>
    %get3A_30 = vector.shape_cast %get3A_29 : vector<1x2048x32xf32> to vector<2048x32xf32>
    %add3A_31 = arith.addf %get3A_25, %get3A_30 : vector<2048x32xf32>
    %mul3A = vector.broadcast %get3A_1 : vector<2048x1xf32> to vector<2048x32xf32>
    %mul3A_32 = arith.mulf %mul3A, %add3A : vector<2048x32xf32>
    %mul3A_33 = arith.mulf %get3A_1, %get3A_1 : vector<2048x1xf32>
    %mul3A_34 = vector.broadcast %mul3A_33 : vector<2048x1xf32> to vector<2048x32xf32>
    %mul3A_35 = arith.mulf %mul3A_34, %get3A_7 : vector<2048x32xf32>
    %add3A_36 = arith.addf %mul3A_32, %mul3A_35 : vector<2048x32xf32>
    %add3A_37 = vector.broadcast %get3A_10 : vector<1x32xf32> to vector<2048x32xf32>
    %add3A_38 = arith.addf %add3A_36, %add3A_37 : vector<2048x32xf32>
    %mul3A_39 = vector.broadcast %get3A_4 : vector<2048x1xf32> to vector<2048x32xf32>
    %mul3A_40 = arith.mulf %mul3A_39, %add3A_31 : vector<2048x32xf32>
    %mul3A_41 = arith.mulf %get3A_4, %get3A_4 : vector<2048x1xf32>
    %mul3A_42 = vector.broadcast %mul3A_41 : vector<2048x1xf32> to vector<2048x32xf32>
    %mul3A_43 = arith.mulf %mul3A_42, %get3A_7 : vector<2048x32xf32>
    %add3A_44 = arith.addf %mul3A_40, %mul3A_43 : vector<2048x32xf32>
    %add3A_45 = vector.broadcast %get3A_10 : vector<1x32xf32> to vector<2048x32xf32>
    %add3A_46 = arith.addf %add3A_44, %add3A_45 : vector<2048x32xf32>
    %concatenate3A = tpu.concatenate %add3A_38, %add3A_46 in 1 : vector<2048x32xf32>, vector<2048x32xf32> -> vector<2048x64xf32>
    %get3A_47 = arith.constant 0 : index
    %get3A_48 = arith.constant 0 : index
    %get3A_49 = vector.load %arg7[%get3A_47, %get3A_48] : memref<64x32xf32, #tpu.memory_space<vmem>>, vector<64x32xf32>
    %dot_general3A = arith.constant dense<0.000000e+00> : vector<2048x32xf32>
    %dot_general3A_50 = tpu.matmul %concatenate3A, %get3A_49, %dot_general3A {dimension_numbers = #tpu.dot_dimension_numbers<[1], [0], [0], [1], [0, 0, 1, 1], [], []>, transpose_lhs_hint = false} : vector<2048x64xf32>, vector<64x32xf32>, vector<2048x32xf32> -> vector<2048x32xf32>
    %get3A_51 = arith.constant 0 : index
    %get3A_52 = arith.constant 0 : index
    %get3A_53 = vector.load %arg8[%get3A_51, %get3A_52] : memref<1x32xf32, #tpu.memory_space<vmem>>, vector<1x32xf32>
    %add3A_54 = vector.broadcast %get3A_53 : vector<1x32xf32> to vector<2048x32xf32>
    %add3A_55 = arith.addf %dot_general3A_50, %add3A_54 : vector<2048x32xf32>
    %reduce_max3A = arith.constant dense<0xFF800000> : vector<2048xf32>
    %reduce_max3A_56 = vector.multi_reduction <maximumf>, %add3A_55, %reduce_max3A [1] : vector<2048x32xf32> to vector<2048xf32>
    %broadcast_in_dim3A = vector.shape_cast %reduce_max3A_56 : vector<2048xf32> to vector<2048x1xf32>
    %sub3A = vector.broadcast %broadcast_in_dim3A : vector<2048x1xf32> to vector<2048x32xf32>
    %sub3A_57 = arith.subf %add3A_55, %sub3A : vector<2048x32xf32>
    %exp3A = math.exp %sub3A_57 : vector<2048x32xf32>
    %reduce_sum3A = arith.constant dense<0.000000e+00> : vector<2048xf32>
    %reduce_sum3A_58 = vector.multi_reduction <add>, %exp3A, %reduce_sum3A [1] : vector<2048x32xf32> to vector<2048xf32>
    %broadcast_in_dim3A_59 = vector.shape_cast %reduce_sum3A_58 : vector<2048xf32> to vector<2048x1xf32>
    %log3A = math.log %broadcast_in_dim3A_59 : vector<2048x1xf32>
    %add3A_60 = arith.addf %log3A, %broadcast_in_dim3A : vector<2048x1xf32>
    %sub3A_61 = vector.broadcast %add3A_60 : vector<2048x1xf32> to vector<2048x32xf32>
    %sub3A_62 = arith.subf %add3A_55, %sub3A_61 : vector<2048x32xf32>
    %swap3A = arith.constant 0 : index
    %swap3A_63 = arith.constant 0 : index
    %swap3A_64 = vector.load %arg9[%swap3A, %swap3A_63] : memref<2048x32xf32, #tpu.memory_space<vmem>>, vector<2048x32xf32>
    tpu.vector_store %arg9[%swap3A, %swap3A_63], %sub3A_62 {strides = array<i32>} : memref<2048x32xf32, #tpu.memory_space<vmem>>, vector<2048x32xf32>,
    return
  }
  func.func @transform_0(%arg0: i32) -> (i32, i32, i32) {
    %c0_i32 = arith.constant 0 : i32
    %c0_i32_0 = arith.constant 0 : i32
    %c0_i32_1 = arith.constant 0 : i32
    return %c0_i32, %arg0, %c0_i32_0 : i32, i32, i32
  }
  func.func @transform_1(%arg0: i32) -> (i32, i32, i32) {
    %c0_i32 = arith.constant 0 : i32
    %c0_i32_0 = arith.constant 0 : i32
    %c0_i32_1 = arith.constant 0 : i32
    return %c0_i32, %arg0, %c0_i32_0 : i32, i32, i32
  }
  func.func @transform_2(%arg0: i32) -> (i32, i32) {
    %c0_i32 = arith.constant 0 : i32
    %c0_i32_0 = arith.constant 0 : i32
    return %arg0, %c0_i32 : i32, i32
  }
  func.func @transform_3(%arg0: i32) -> (i32, i32) {
    %c0_i32 = arith.constant 0 : i32
    %c0_i32_0 = arith.constant 0 : i32
    return %arg0, %c0_i32 : i32, i32
  }
  func.func @transform_4(%arg0: i32) -> (i32, i32) {
    %c0_i32 = arith.constant 0 : i32
    %c0_i32_0 = arith.constant 0 : i32
    return %arg0, %c0_i32 : i32, i32
  }
  func.func @transform_5(%arg0: i32) -> (i32, i32) {
    %c0_i32 = arith.constant 0 : i32
    %c0_i32_0 = arith.constant 0 : i32
    %c0_i32_1 = arith.constant 0 : i32
    return %c0_i32, %c0_i32_0 : i32, i32
  }
  func.func @transform_6(%arg0: i32) -> (i32, i32) {
    %c0_i32 = arith.constant 0 : i32
    %c0_i32_0 = arith.constant 0 : i32
    %c0_i32_1 = arith.constant 0 : i32
    return %c0_i32, %c0_i32_0 : i32, i32
  }
  func.func @transform_7(%arg0: i32) -> (i32, i32) {
    %c0_i32 = arith.constant 0 : i32
    %c0_i32_0 = arith.constant 0 : i32
    %c0_i32_1 = arith.constant 0 : i32
    return %c0_i32, %c0_i32_0 : i32, i32
  }
  func.func @transform_8(%arg0: i32) -> (i32, i32) {
    %c0_i32 = arith.constant 0 : i32
    %c0_i32_0 = arith.constant 0 : i32
    return %arg0, %c0_i32 : i32, i32
  }
}

</mosaic_0001>

<sc_bundles>
// kernel: kernel.12.cloned.1.call-start
scs
__scs_entry_jumppad:
0x0: {  	(pc) =	sbr.rel $0x88, $3  }
0x1: {  	(tag) =	ssettag $0x0;
	lr =	simm.s32 $0x1  }
0x2: {  	[smem:$0x3F98] =	sst lr;
	_ =	strace $0xD0000000  }
0x3: {  	_ = 	snop  }
0x4: {  	_ = 	snop  }
0x5: {  	_ = 	snop  }
0x6: {  	_ = 	snop  }
0x7: {  	_ = 	snop  }
__scs_overlays_trampoline_lowered:
0x8: {  	[smem:$0x3FA7] =	sst s0  }
0x9: {  	[smem:$0x3FA8] =	sst s1  }
0xa: {  	[smem:$0x3FA9] =	sst s2  }
0xb: {  	[smem:$0x3FAA] =	sst s3  }
0xc: {  	[smem:$0x3FAB] =	sst s4  }
0xd: {  	[smem:$0x3FAC] =	sst s5  }
0xe: {  	[smem:$0x3FAD] =	sst s6  }
0xf: {  	[smem:$0x3FAE] =	sst s7  }
0x10: {  	[smem:$0x3FAF] =	sst s8  }
0x11: {  	[smem:$0x3FB0] =	sst s9;
	s0 =	simm.s32 @!p0 $0x0  }
0x12: {  	s1 =	sld [smem:$0x3F96];
	s0 =	simm.s32 @p0 $0x1  }
0x13: {  	[smem:$0x3FB1] =	sst s0;
	s0 =	simm.s32 @!p1 $0x0  }
0x14: {  	s2 =	sld [smem:$0x3F95];
	s0 =	simm.s32 @p1 $0x1  }
0x15: {  	[smem:$0x3FB2] =	sst s0;
	s0 =	simm.s32 @!p2 $0x0  }
0x16: {  	s3 =	sld [smem:$0x3FDB];
	s0 =	simm.s32 @p2 $0x1  }
0x17: {  	s4 =	simm.s32 $0x1BF5;
	[smem:$0x3FB4] =	sst s0  }
0x18: {  	s0 =	sld [smem:$0x3F97];
	_ =	swait.ge [sflag:s4], $0x0  }
0x19: {  	s7 =	sld [smem:$0x3F98]  }
0x1a: {  	s8 =	sadd.s32 $0xFFFFE003, lr  }
0x1b: {  	s9 =	sadd.s32 $0xFFFFFEF7, lr;
	s5 =	simm.s32 $0xFFFFFFFF;
	p2 =	slt.u32 s8, $0xFFFFF086  }
0x1c: {  	p1 =	slt.u32 s9, $0xF7A;
	s5 =	simm.s32 @!p2 $0x0  }
0x1d: {  	s5 =	simm.s32 @p1 $0x1;
	p0 =	seq.s32 s7, s2  }
0x1e: {  	s7 =	smul.u32 @!p0 $0xF7A, s2;
	p2 =	seq.s32 @!p0 s5, $0x0  }
0x1f: {  	s9 =	smul.u32 $0xF7A, s1;
	s8 =	simm.s32 @!p0 $0x1BF5;
	p2 =	por !p2, p0  }
0x20: {  	[sflag:s8] =	ssyncset.s32 @!p0 $0xFFFFF086;
	s6 =	sadd.s32 @!p0 s3, s7;
	s7 =	simm.s32 @!p0 $0x108  }
0x21: {  	s3 =	sadd.s32 s3, s9;
	s6 =	sadd.s32 @!p0 $0x88, s6;
	s7 =	simm.s32 @p2 $0x1082  }
0x22: {  	[simem:s7], [sflag:s8] =	dma.local @!p0 [hbm:s6], $0xF7A  }
0x23: {  	s9 =	sor.u32 $0xD0000000, s2;
	s6 =	simm.s32 $0x108;
	_ =	swait.ge @!p0 [sflag:s8], $0x0  }
0x24: {  	s3 =	sadd.s32 $0x88, s3;
	s6 =	simm.s32 @!p1 $0x1082;
	[sflag:s4] =	ssyncset.s32 $0xFFFFF086  }
0x25: {  	[simem:s6], [sflag:s4] =	dma.local [hbm:s3], $0xF7A  }
0x26: {  	[smem:$0x3F98] =	sst s1;
	(tag) =	ssettag s2;
	_ =	strace s9  }
0x27: {  	s1 =	sld [smem:$0x3FA8]  }
0x28: {  	s2 =	sld [smem:$0x3FA9]  }
0x29: {  	s4 =	sld [smem:$0x3FAB]  }
0x2a: {  	p0 =	seq.s32 s5, $0x0;
	s5 =	sld [smem:$0x3FAC]  }
0x2b: {  	s6 =	sld [smem:$0x3FAD]  }
0x2c: {  	s7 =	sld [smem:$0x3FAE]  }
0x2d: {  	s3 =	simm.s32 $0x108;
	s8 =	sld [smem:$0x3FAF]  }
0x2e: {  	s3 =	simm.s32 @!p0 $0x1082;
	s9 =	sld [smem:$0x3FB0]  }
0x2f: {  	lr =	sadd.s32 s0, s3;
	s0 =	sld [smem:$0x3FA7]  }
0x30: {  	s3 =	sld [smem:$0x3FAA]  }
0x31: {  	[smem:$0x3FB3] =	sst s10  }
0x32: {  	s10 =	sld [smem:$0x3FB1];
	_ =	sdelay $0x3  }
0x33: {  	p0 =	seq.s32 s10, $0x1;
	s10 =	sld [smem:$0x3FB3];
	_ =	sdelay $0x3  }
0x34: {  	[smem:$0x3FB3] =	sst s10  }
0x35: {  	s10 =	sld [smem:$0x3FB2];
	_ =	sdelay $0x3  }
0x36: {  	p1 =	seq.s32 s10, $0x1;
	s10 =	sld [smem:$0x3FB3];
	_ =	sdelay $0x3  }
0x37: {  	[smem:$0x3FB3] =	sst s10  }
0x38: {  	s10 =	sld [smem:$0x3FB4]  }
0x39: {  	_ = 	snop;
	(pc) =	sbr.ind lr, $3  }
0x3a: {  	_ = 	snop  }
0x3b: {  	_ = 	snop  }
0x3c: {  	p2 =	seq.s32 s10, $0x1;
	s10 =	sld [smem:$0x3FB3]  }
0x3d: {  	_ =	shalt  }
0x3e: {  	_ =	shalt  }
0x3f: {  	_ =	shalt  }
0x40: {  	_ =	shalt  }
0x41: {  	_ =	shalt  }
0x42: {  	_ =	shalt  }
0x43: {  	_ =	shalt  }
0x44: {  	_ =	shalt  }
0x45: {  	_ =	shalt  }
0x46: {  	_ =	shalt  }
0x47: {  	_ =	shalt  }
0x48: {  	_ =	shalt  }
0x49: {  	_ =	shalt  }
0x4a: {  	_ =	shalt  }
0x4b: {  	_ =	shalt  }
0x4c: {  	_ =	shalt  }
0x4d: {  	_ =	shalt  }
0x4e: {  	_ =	shalt  }
0x4f: {  	_ =	shalt  }
0x50: {  	_ =	shalt  }
0x51: {  	_ =	shalt  }
0x52: {  	_ =	shalt  }
0x53: {  	_ =	shalt  }
0x54: {  	_ =	shalt  }
0x55: {  	_ =	shalt  }
0x56: {  	_ =	shalt  }
0x57: {  	_ =	shalt  }
0x58: {  	_ =	shalt  }
0x59: {  	_ =	shalt  }
0x5a: {  	_ =	shalt  }
0x5b: {  	_ =	shalt  }
0x5c: {  	_ =	shalt  }
0x5d: {  	_ =	shalt  }
0x5e: {  	_ =	shalt  }
0x5f: {  	_ =	shalt  }
0x60: {  	_ =	shalt  }
0x61: {  	_ =	shalt  }
0x62: {  	_ =	shalt  }
0x63: {  	_ =	shalt  }
0x64: {  	_ =	shalt  }
0x65: {  	_ =	shalt  }
0x66: {  	_ =	shalt  }
0x67: {  	_ =	shalt  }
0x68: {  	_ =	shalt  }
0x69: {  	_ =	shalt  }
0x6a: {  	_ =	shalt  }
0x6b: {  	_ =	shalt  }
0x6c: {  	_ =	shalt  }
0x6d: {  	_ =	shalt  }
0x6e: {  	_ =	shalt  }
0x6f: {  	_ =	shalt  }
0x70: {  	_ =	shalt  }
0x71: {  	_ =	shalt  }
0x72: {  	_ =	shalt  }
0x73: {  	_ =	shalt  }
0x74: {  	_ =	shalt  }
0x75: {  	_ =	shalt  }
0x76: {  	_ =	shalt  }
0x77: {  	_ =	shalt  }
0x78: {  	_ =	shalt  }
0x79: {  	_ =	shalt  }
0x7a: {  	_ =	shalt  }
0x7b: {  	_ =	shalt  }
0x7c: {  	_ =	shalt  }
0x7d: {  	_ =	shalt  }
0x7e: {  	_ =	shalt  }
0x7f: {  	_ =	shalt  }
0x80: {  	_ =	shalt  }
0x81: {  	_ =	shalt  }
0x82: {  	_ =	shalt  }
0x83: {  	_ =	shalt  }
0x84: {  	_ =	shalt  }
0x85: {  	_ =	shalt  }
0x86: {  	_ =	shalt  }
0x87: {  	_ =	shalt  }
.Lfunc_end0:
.L_simem_size_0:
called_computation.1_lowered:
.L_overlay_start_0:
0x88: {  	s2 =	sld [smem:$0x3FD9]  }
0x89: {  	s3 =	sld [smem:$0x3FFE];
	_ =	sdelay $0x1  }
0x8a: {  	s1 =	srdreg.scid  }
0x8b: {  	s0 =	sand.u32 $0x1, s1  }
0x8c: {  	s16 =	sshll.u32 s0, $0xA;
	s2 =	sadd.s32 s3, s2  }
0x8d: {  	s2 =	sadd.s32 s2, s16  }
0x8e: {  	[smem:$0x3FBF] =	sst s2  }
0x8f: {  	_ = 	snop  }
0x90: {  	(tm) =	ssettm $0x1  }
0x91: {  	s17 =	sld [smem:$0x3FFB];
	_ =	sdelay $0x3  }
0x92: {  	_ =	strace s17  }
0x93: {  	s2 =	sld [smem:$0x3FFC];
	_ =	sdelay $0x3  }
0x94: {  	_ =	strace s2  }
0x95: {  	s2 =	sld [smem:$0x3FFD];
	_ =	sdelay $0x3  }
0x96: {  	_ =	strace s2  }
0x97: {  	_ =	strace $0x8FFFFFFF  }
0x98: {  	s18 =	sld [smem:$0x3FDB];
	_ =	sdelay $0x1  }
0x99: {  	s19 =	simm.s32 $_scs_section_size  }
0x9a: {  	s4 =	simm.s32 $_size__tile_overlayer_lowered;
	s5 =	simm.s32 $_tile_overlayer_lowered  }
0x9b: {  	s22 =	simm.s32 $0x1BFF;
	s21 =	sshll.u32 s5, $0x1;
	s2 =	sadd.s32 s19, s18  }
0x9c: {  	s6 =	simm.s32 $0x0;
	s20 =	sshll.u32 s4, $0x1;
	s4 =	sadd.s32 s21, s2  }
0x9d: {  	[timem:s6], [sflag:s22] =	dma.local [hbm:s4], s20  }
0x9e: {  	_ =	swait.ge [sflag:s22], s20  }
0x9f: {  	s3 =	ssub.s32 $0x0, s20;
	[sflag:s22] =	ssyncset.done $0x0  }
0xa0: {  	[sflag:s22] =	ssyncadd.s32 s3;
	_ =	sdelay $0x1  }
0xa1: {  	s23 =	simm.s32 $0x1B8B  }
0xa2: {  	_ =	swait.ge [sflag:s23], $0x1  }
0xa3: {  	[sflag:s23] =	ssyncset.done $0x0  }
0xa4: {  	s25 =	simm.s32 $0x1B8E;
	s24 =	sld [smem:$0x3FFE];
	[sflag:s23] =	ssyncadd.s32 $0xFFFFFFFF  }
0xa5: {  	s26 =	simm.s32 $execute0_lowered;
	[smem:$0x3FD2] =	sst s25  }
0xa6: {  	s4 =	sshll.u32 s26, $0x1;
	_ =	strace $0x80000049;
	[dreg:$0x1] =	wrdreg $0xFFFFFFFF  }
0xa7: {  	s28 =	simm.s32 $_size_execute0_lowered;
	s2 =	sadd.s32 s2, s4;
	[dreg:$0x0] =	wrdreg $0x0  }
0xa8: {  	s4 =	sshll.u32 s28, $0x1;
	[dreg:$0x2] =	wrdreg s2  }
0xa9: {  	[dreg:$0x3] =	wrdreg s4  }
0xaa: {  	[dreg:$0x4] =	wrdreg $0xC0  }
0xab: {  	_ =	task [dreg:s6], $0x5FFFF  }
0xac: {  	[dreg:$0x1] =	wrdreg $0xFFFFFFFF  }
0xad: {  	[dreg:$0x0] =	wrdreg $0x60  }
0xae: {  	[dreg:$0x2] =	wrdreg s24  }
0xaf: {  	[dreg:$0x3] =	wrdreg $0xE0000  }
0xb0: {  	[dreg:$0x4] =	wrdreg $0x9  }
0xb1: {  	_ =	task.clear_ibuf [dreg:s6], $0x5FFFF;
	_ =	strace $0x90000049  }
0xb2: {  	s29 =	simm.s32 $0x9;
	_ =	strace $0x8000004B  }
0xb3: {  	_ =	swait.ge [sflag:s29], $0x1  }
0xb4: {  	[sflag:s29] =	ssyncadd.s32 $0xFFFFFFFF  }
0xb5: {  	_ =	strace $0x9000004B  }
0xb6: {  	_ =	sfence  }
0xb7: {  	s30 =	sld [smem:$0x0];
	_ =	sdelay $0x2  }
0xb8: {  	s31 =	sshll.u32 s1, $0xD;
	s1 =	sshrl.u32 s1, $0x2  }
0xb9: {  	s3 =	sand.u32 $0x4000, s31;
	s1 =	sadd.s32 s1, s30  }
0xba: {  	s0 =	sor.u32 s3, s0;
	s1 =	sshll.u32 s1, $0x11  }
0xbb: {  	s0 =	sor.u32 s1, s0  }
0xbc: {  	s0 =	sadd.s32 $0x8F2B, s0  }
0xbd: {  	[sflag:s0] =	ssyncadd.remote.s32 $0x1  }
0xbe: {  	_ =	sfence.sel $0xFFFF  }
0xbf: {  	[dreg:$0x0] =	wrdreg $0xFFFFFFFF;
	(pc) =	sbr.abs _section_cstart, $3  }
0xc0: {  	[dreg:$0x1] =	wrdreg $0xFFFFFFFF  }
0xc1: {  	_ =	task.clear_ibuf [dreg:s6], $0x2FFFF;
	_ =	strace $0x9FFFFFFF  }
0xc2: {  	(tm) =	ssettm $0x7FFFFFFF  }
0xc3: {  	_ =	shalt  }
tec
execute0_lowered:
.L_overlay_start_1:
0x0: {  	(tag) =	ssettag $0x1  }
0x1: {  	s0 =	rddreg [dreg:$0x0]  }
0x2: {  	s2 =	rddreg [dreg:$0x1]  }
0x3: {  	s1 =	srdreg.scid;
	s11 =	stileid.u32;
	s3 =	simm.s32 $0x0  }
0x4: {  	s14 =	simm.s32 $0x9;
	s15 =	simm.s32 $0x5000;
	s17 =	simm.s32 $0x5800  }
0x5: {  	s18 =	simm.s32 $0x80;
	s30 =	simm.s32 $0xC000;
	s31 =	simm.s32 $0x3  }
0x6: {  	s28 =	simm.s32 $0x4;
	s29 =	simm.s32 $0x7;
	s1 =	sand.u32 $0x1, s1  }
0x7: {  	s4 =	sshll.u32 s11, $0x1;
	[smem:$0x7FF] =	sst s3;
	s8 =	smul.u32 $0xA000, s11  }
0x8: {  	s5 =	sadd.s32 $0x6C200, s0;
	s22 =	sshll.u32 s11, $0x6;
	s26 =	smul.u32 $0x2800, s11  }
0x9: {  	s6 =	sor.u32 s1, s4;
	_ =	strace $0x8000004A;
	s19 =	smul.u32 $0x28000, s1  }
0xa: {  	s4 =	sadd.s32 $0x80200, s0;
	s1 =	ssub.s32 $0x2, s1;
	s7 =	smul.u32 $0x500, s6  }
0xb: {  	s6 =	sshll.u32 s6, $0x8;
	s20 =	sshrl.u32 s8, $0x3;
	s21 =	sshrl.u32 s1, $0x1  }
0xc: {  	s8 =	sadd.s32 s8, s2;
	s10 =	sadd.s32 s6, s0;
	s6 =	sadd.s32 s20, s0  }
0xd: {  	s1 =	ssub.s32 s1, s21;
	s13 =	sshrl.u32 s8, $0x3;
	s20 =	simm.s32 $0x8000  }
0xe: {  	s21 =	simm.s32 $0x1;
	s8 =	simm.s32 $0x10;
	s9 =	sadd.s32 s7, s0  }
0xf: {  	s0 =	sadd.s32 s19, s0;
	s6 =	sadd.s32 $0x94200, s6;
	s7 =	sor.u32 $0x1C09, s22  }
0x10: {  	s23 =	sadd.s32 $0x18200, s10;
	s24 =	sadd.s32 $0x1A200, s10;
	s19 =	simm.s32 $0x6000  }
0x11: {  	s22 =	simm.s32 $0x8;
	s12 =	sadd.s32 $0x4200, s9;
	[dreg:$0x5] =	wrdreg s23  }
.Ltmp0:
0x12: {  	s9 =	sadd.s32 $0xE200, s9;
	[dreg:$0x6] =	wrdreg s24;
	(pc) =	sbr.rel .LBB2_1-.Ltmp0, $4  }
0x13: {  	s25 =	sadd.s32 $0xE4400, s0;
	s0 =	sadd.s32 $0x134400, s0;
	[dreg:$0x3] =	wrdreg s12  }
0x14: {  	[dreg:$0x4] =	wrdreg s9;
	s12 =	smax.u32 s1, $0x1;
	s23 =	sadd.s32 s26, s25  }
0x15: {  	s24 =	sadd.s32 s26, s0;
	s25 =	simm.s32 $0xA000;
	s26 =	simm.s32 $0x2  }
0x16: {  	s1 =	simm.s32 $0x5;
	s0 =	simm.s32 $0x6;
	s9 =	simm.s32 $0x0  }
.LBB2_4:
0x17: {  	_ =	swait.ge [sflag:s28], $0x2000  }
0x18: {  	[sflag:s28] =	ssyncset.done $0x0  }
0x19: {  	[sflag:s28] =	ssyncadd.s32 $0xFFFFE000  }
0x1a: {  	[spmem:s2] =	stream.indirect.scatter.add.f32 [tilespmem:s30], [sflag:$0x8], $0x40, s15, s18, $0xb8;
	[tilespmem:$0x18000] =	vst v63  }
0x1b: {  	_ =	swait.ge [sflag:s0], $0x2000  }
0x1c: {  	[sflag:s0] =	ssyncset.done $0x0  }
0x1d: {  	[sflag:s0] =	ssyncadd.s32 $0xFFFFE000  }
0x1e: {  	_ =	swait.ge [sflag:s29], $0x2000  }
0x1f: {  	[sflag:s29] =	ssyncset.done $0x0  }
0x20: {  	[sflag:s29] =	ssyncadd.s32 $0xFFFFE000  }
0x21: {  	_ =	swait.ge [sflag:s22], $0x2000  }
0x22: {  	[sflag:s22] =	ssyncset.done $0x0  }
0x23: {  	[sflag:s22] =	ssyncadd.s32 $0xFFFFE000  }
0x24: {  	[bflag:$0x0] =	sbarrier.arrive $0xFFFF  }
0x25: {  	[hbm:s23@s8], [sflag:s7] =	dma.strided [spmem:s13@s22], $0x1400, s21, $0x8   }
0x26: {  	_ =	swait.ge [sflag:s14], $0x1400  }
0x27: {  	[sflag:s14] =	ssyncset.done $0x0  }
0x28: {  	[sflag:s14] =	ssyncadd.s32 $0xFFFFEC00  }
0x29: {  	[spmem:s13], [sflag:s7] =	dma.local [hbm:s6], $0x1400  }
0x2a: {  	_ =	swait.ge [sflag:s14], $0x1400  }
0x2b: {  	[sflag:s14] =	ssyncset.done $0x0  }
0x2c: {  	[sflag:s14] =	ssyncadd.s32 $0xFFFFEC00  }
0x2d: {  	s15 =	simm.s32 $0x5000;
	[bflag:$0x0] =	sbarrier.arrive $0xFFFF  }
0x2e: {  	[tilespmem:s19], [sflag:$0x1] =	stream.indirect.gather [hbm4b:s5+s18], $0x40, s15, s18, $0xb8;
	[tilespmem:$0x18000] =	vst v63  }
0x2f: {  	s10 =	simm.s32 $0x5080  }
0x30: {  	[tilespmem:s20], [sflag:$0x2] =	stream.indirect.gather [hbm4b:s5+s18], $0x40, s10, s18, $0xb8;
	[tilespmem:$0x18000] =	vst v63  }
0x31: {  	_ =	swait.ge [sflag:s21], $0x2000  }
0x32: {  	[sflag:s21] =	ssyncset.done $0x0  }
0x33: {  	[sflag:s21] =	ssyncadd.s32 $0xFFFFE000  }
0x34: {  	[spmem:s2] =	stream.indirect.scatter.add.f32 [tilespmem:s19], [sflag:$0x5], $0x40, s17, s18, $0xb8;
	[tilespmem:$0x18000] =	vst v63  }
0x35: {  	s16 =	simm.s32 $0x5100  }
0x36: {  	[tilespmem:s25], [sflag:$0x3] =	stream.indirect.gather [hbm4b:s5+s18], $0x40, s16, s18, $0xb8;
	[tilespmem:$0x18000] =	vst v63  }
0x37: {  	_ =	swait.ge [sflag:s26], $0x2000  }
0x38: {  	[sflag:s26] =	ssyncset.done $0x0  }
0x39: {  	s11 =	simm.s32 $0x5880;
	[sflag:s26] =	ssyncadd.s32 $0xFFFFE000  }
0x3a: {  	[spmem:s2] =	stream.indirect.scatter.add.f32 [tilespmem:s20], [sflag:$0x6], $0x40, s11, s18, $0xb8;
	[tilespmem:$0x18000] =	vst v63  }
0x3b: {  	s16 =	simm.s32 $0x5180  }
0x3c: {  	[tilespmem:s30], [sflag:$0x4] =	stream.indirect.gather [hbm4b:s5+s18], $0x40, s16, s18, $0xb8;
	[tilespmem:$0x18000] =	vst v63  }
0x3d: {  	_ =	swait.ge [sflag:s31], $0x2000  }
0x3e: {  	[sflag:s31] =	ssyncset.done $0x0  }
0x3f: {  	s11 =	simm.s32 $0x5900;
	[sflag:s31] =	ssyncadd.s32 $0xFFFFE000  }
0x40: {  	[spmem:s2] =	stream.indirect.scatter.add.f32 [tilespmem:s25], [sflag:$0x7], $0x40, s11, s18, $0xb8;
	[tilespmem:$0x18000] =	vst v63  }
0x41: {  	_ =	swait.ge [sflag:s1], $0x2000  }
0x42: {  	[sflag:s1] =	ssyncset.done $0x0  }
0x43: {  	s16 =	simm.s32 $0x5200;
	[sflag:s1] =	ssyncadd.s32 $0xFFFFE000  }
0x44: {  	[tilespmem:s19], [sflag:$0x1] =	stream.indirect.gather [hbm4b:s5+s18], $0x40, s16, s18, $0xb8;
	[tilespmem:$0x18000] =	vst v63  }
0x45: {  	_ =	swait.ge [sflag:s28], $0x2000  }
0x46: {  	[sflag:s28] =	ssyncset.done $0x0  }
0x47: {  	s11 =	simm.s32 $0x5980;
	[sflag:s28] =	ssyncadd.s32 $0xFFFFE000  }
0x48: {  	[spmem:s2] =	stream.indirect.scatter.add.f32 [tilespmem:s30], [sflag:$0x8], $0x40, s11, s18, $0xb8;
	[tilespmem:$0x18000] =	vst v63  }
0x49: {  	_ =	swait.ge [sflag:s0], $0x2000  }
0x4a: {  	[sflag:s0] =	ssyncset.done $0x0  }
0x4b: {  	s16 =	simm.s32 $0x5280;
	[sflag:s0] =	ssyncadd.s32 $0xFFFFE000  }
0x4c: {  	[tilespmem:s20], [sflag:$0x2] =	stream.indirect.gather [hbm4b:s5+s18], $0x40, s16, s18, $0xb8;
	[tilespmem:$0x18000] =	vst v63  }
0x4d: {  	_ =	swait.ge [sflag:s21], $0x2000  }
0x4e: {  	[sflag:s21] =	ssyncset.done $0x0  }
0x4f: {  	s11 =	simm.s32 $0x5A00;
	[sflag:s21] =	ssyncadd.s32 $0xFFFFE000  }
0x50: {  	[spmem:s2] =	stream.indirect.scatter.add.f32 [tilespmem:s19], [sflag:$0x5], $0x40, s11, s18, $0xb8;
	[tilespmem:$0x18000] =	vst v63  }
0x51: {  	_ =	swait.ge [sflag:s29], $0x2000  }
0x52: {  	[sflag:s29] =	ssyncset.done $0x0  }
0x53: {  	s16 =	simm.s32 $0x5300;
	[sflag:s29] =	ssyncadd.s32 $0xFFFFE000  }
0x54: {  	[tilespmem:s25], [sflag:$0x3] =	stream.indirect.gather [hbm4b:s5+s18], $0x40, s16, s18, $0xb8;
	[tilespmem:$0x18000] =	vst v63  }
0x55: {  	_ =	swait.ge [sflag:s26], $0x2000  }
0x56: {  	[sflag:s26] =	ssyncset.done $0x0  }
0x57: {  	s11 =	simm.s32 $0x5A80;
	[sflag:s26] =	ssyncadd.s32 $0xFFFFE000  }
0x58: {  	[spmem:s2] =	stream.indirect.scatter.add.f32 [tilespmem:s20], [sflag:$0x6], $0x40, s11, s18, $0xb8;
	[tilespmem:$0x18000] =	vst v63  }
0x59: {  	_ =	swait.ge [sflag:s22], $0x2000  }
0x5a: {  	[sflag:s22] =	ssyncset.done $0x0  }
0x5b: {  	s16 =	simm.s32 $0x5380;
	[sflag:s22] =	ssyncadd.s32 $0xFFFFE000  }
0x5c: {  	[tilespmem:s30], [sflag:$0x4] =	stream.indirect.gather [hbm4b:s5+s18], $0x40, s16, s18, $0xb8;
	[tilespmem:$0x18000] =	vst v63  }
0x5d: {  	_ =	swait.ge [sflag:s31], $0x2000  }
0x5e: {  	[sflag:s31] =	ssyncset.done $0x0  }
0x5f: {  	s11 =	simm.s32 $0x5B00;
	[sflag:s31] =	ssyncadd.s32 $0xFFFFE000  }
0x60: {  	[spmem:s2] =	stream.indirect.scatter.add.f32 [tilespmem:s25], [sflag:$0x7], $0x40, s11, s18, $0xb8;
	[tilespmem:$0x18000] =	vst v63  }
0x61: {  	_ =	swait.ge [sflag:s1], $0x2000  }
0x62: {  	[sflag:s1] =	ssyncset.done $0x0  }
0x63: {  	s16 =	simm.s32 $0x5400;
	[sflag:s1] =	ssyncadd.s32 $0xFFFFE000  }
0x64: {  	[tilespmem:s19], [sflag:$0x1] =	stream.indirect.gather [hbm4b:s5+s18], $0x40, s16, s18, $0xb8;
	[tilespmem:$0x18000] =	vst v63  }
0x65: {  	_ =	swait.ge [sflag:s28], $0x2000  }
0x66: {  	[sflag:s28] =	ssyncset.done $0x0  }
0x67: {  	s11 =	simm.s32 $0x5B80;
	[sflag:s28] =	ssyncadd.s32 $0xFFFFE000  }
0x68: {  	[spmem:s2] =	stream.indirect.scatter.add.f32 [tilespmem:s30], [sflag:$0x8], $0x40, s11, s18, $0xb8;
	[tilespmem:$0x18000] =	vst v63  }
0x69: {  	_ =	swait.ge [sflag:s0], $0x2000  }
0x6a: {  	[sflag:s0] =	ssyncset.done $0x0  }
0x6b: {  	s16 =	simm.s32 $0x5480;
	[sflag:s0] =	ssyncadd.s32 $0xFFFFE000  }
0x6c: {  	[tilespmem:s20], [sflag:$0x2] =	stream.indirect.gather [hbm4b:s5+s18], $0x40, s16, s18, $0xb8;
	[tilespmem:$0x18000] =	vst v63  }
0x6d: {  	_ =	swait.ge [sflag:s21], $0x2000  }
0x6e: {  	[sflag:s21] =	ssyncset.done $0x0  }
0x6f: {  	s11 =	simm.s32 $0x5C00;
	[sflag:s21] =	ssyncadd.s32 $0xFFFFE000  }
0x70: {  	[spmem:s2] =	stream.indirect.scatter.add.f32 [tilespmem:s19], [sflag:$0x5], $0x40, s11, s18, $0xb8;
	[tilespmem:$0x18000] =	vst v63  }
0x71: {  	_ =	swait.ge [sflag:s29], $0x2000  }
0x72: {  	[sflag:s29] =	ssyncset.done $0x0  }
0x73: {  	s16 =	simm.s32 $0x5500;
	[sflag:s29] =	ssyncadd.s32 $0xFFFFE000  }
0x74: {  	[tilespmem:s25], [sflag:$0x3] =	stream.indirect.gather [hbm4b:s5+s18], $0x40, s16, s18, $0xb8;
	[tilespmem:$0x18000] =	vst v63  }
0x75: {  	_ =	swait.ge [sflag:s26], $0x2000  }
0x76: {  	[sflag:s26] =	ssyncset.done $0x0  }
0x77: {  	s11 =	simm.s32 $0x5C80;
	[sflag:s26] =	ssyncadd.s32 $0xFFFFE000  }
0x78: {  	[spmem:s2] =	stream.indirect.scatter.add.f32 [tilespmem:s20], [sflag:$0x6], $0x40, s11, s18, $0xb8;
	[tilespmem:$0x18000] =	vst v63  }
0x79: {  	_ =	swait.ge [sflag:s22], $0x2000  }
0x7a: {  	[sflag:s22] =	ssyncset.done $0x0  }
0x7b: {  	s16 =	simm.s32 $0x5580;
	[sflag:s22] =	ssyncadd.s32 $0xFFFFE000  }
0x7c: {  	[tilespmem:s30], [sflag:$0x4] =	stream.indirect.gather [hbm4b:s5+s18], $0x40, s16, s18, $0xb8;
	[tilespmem:$0x18000] =	vst v63  }
0x7d: {  	_ =	swait.ge [sflag:s31], $0x2000  }
0x7e: {  	[sflag:s31] =	ssyncset.done $0x0  }
0x7f: {  	s11 =	simm.s32 $0x5D00;
	[sflag:s31] =	ssyncadd.s32 $0xFFFFE000  }
0x80: {  	[spmem:s2] =	stream.indirect.scatter.add.f32 [tilespmem:s25], [sflag:$0x7], $0x40, s11, s18, $0xb8;
	[tilespmem:$0x18000] =	vst v63  }
0x81: {  	_ =	swait.ge [sflag:s1], $0x2000  }
0x82: {  	[sflag:s1] =	ssyncset.done $0x0  }
0x83: {  	s16 =	simm.s32 $0x5600;
	[sflag:s1] =	ssyncadd.s32 $0xFFFFE000  }
0x84: {  	[tilespmem:s19], [sflag:$0x1] =	stream.indirect.gather [hbm4b:s5+s18], $0x40, s16, s18, $0xb8;
	[tilespmem:$0x18000] =	vst v63  }
0x85: {  	_ =	swait.ge [sflag:s28], $0x2000  }
0x86: {  	[sflag:s28] =	ssyncset.done $0x0  }
0x87: {  	s11 =	simm.s32 $0x5D80;
	[sflag:s28] =	ssyncadd.s32 $0xFFFFE000  }
0x88: {  	[spmem:s2] =	stream.indirect.scatter.add.f32 [tilespmem:s30], [sflag:$0x8], $0x40, s11, s18, $0xb8;
	[tilespmem:$0x18000] =	vst v63  }
0x89: {  	_ =	swait.ge [sflag:s0], $0x2000  }
0x8a: {  	[sflag:s0] =	ssyncset.done $0x0  }
0x8b: {  	s16 =	simm.s32 $0x5680;
	[sflag:s0] =	ssyncadd.s32 $0xFFFFE000  }
0x8c: {  	[tilespmem:s20], [sflag:$0x2] =	stream.indirect.gather [hbm4b:s5+s18], $0x40, s16, s18, $0xb8;
	[tilespmem:$0x18000] =	vst v63  }
0x8d: {  	_ =	swait.ge [sflag:s21], $0x2000  }
0x8e: {  	[sflag:s21] =	ssyncset.done $0x0  }
0x8f: {  	s11 =	simm.s32 $0x5E00;
	[sflag:s21] =	ssyncadd.s32 $0xFFFFE000  }
0x90: {  	[spmem:s2] =	stream.indirect.scatter.add.f32 [tilespmem:s19], [sflag:$0x5], $0x40, s11, s18, $0xb8;
	[tilespmem:$0x18000] =	vst v63  }
0x91: {  	_ =	swait.ge [sflag:s29], $0x2000  }
0x92: {  	[sflag:s29] =	ssyncset.done $0x0  }
0x93: {  	s16 =	simm.s32 $0x5700;
	[sflag:s29] =	ssyncadd.s32 $0xFFFFE000  }
0x94: {  	[tilespmem:s25], [sflag:$0x3] =	stream.indirect.gather [hbm4b:s5+s18], $0x40, s16, s18, $0xb8;
	[tilespmem:$0x18000] =	vst v63  }
0x95: {  	_ =	swait.ge [sflag:s26], $0x2000  }
0x96: {  	[sflag:s26] =	ssyncset.done $0x0  }
0x97: {  	s11 =	simm.s32 $0x5E80;
	[sflag:s26] =	ssyncadd.s32 $0xFFFFE000  }
0x98: {  	[spmem:s2] =	stream.indirect.scatter.add.f32 [tilespmem:s20], [sflag:$0x6], $0x40, s11, s18, $0xb8;
	[tilespmem:$0x18000] =	vst v63  }
0x99: {  	_ =	swait.ge [sflag:s22], $0x2000  }
0x9a: {  	[sflag:s22] =	ssyncset.done $0x0  }
0x9b: {  	s16 =	simm.s32 $0x5780;
	[sflag:s22] =	ssyncadd.s32 $0xFFFFE000  }
0x9c: {  	[tilespmem:s30], [sflag:$0x4] =	stream.indirect.gather [hbm4b:s5+s18], $0x40, s16, s18, $0xb8;
	[tilespmem:$0x18000] =	vst v63  }
0x9d: {  	_ =	swait.ge [sflag:s31], $0x2000  }
0x9e: {  	[sflag:s31] =	ssyncset.done $0x0  }
0x9f: {  	s11 =	simm.s32 $0x5F00;
	[sflag:s31] =	ssyncadd.s32 $0xFFFFE000  }
0xa0: {  	[spmem:s2] =	stream.indirect.scatter.add.f32 [tilespmem:s25], [sflag:$0x7], $0x40, s11, s18, $0xb8;
	[tilespmem:$0x18000] =	vst v63  }
0xa1: {  	_ =	swait.ge [sflag:s1], $0x2000  }
0xa2: {  	[sflag:s1] =	ssyncset.done $0x0  }
0xa3: {  	[sflag:s1] =	ssyncadd.s32 $0xFFFFE000  }
0xa4: {  	_ =	swait.ge [sflag:s28], $0x2000  }
0xa5: {  	[sflag:s28] =	ssyncset.done $0x0  }
0xa6: {  	s16 =	simm.s32 $0x5F80;
	[sflag:s28] =	ssyncadd.s32 $0xFFFFE000  }
0xa7: {  	[spmem:s2] =	stream.indirect.scatter.add.f32 [tilespmem:s30], [sflag:$0x8], $0x40, s16, s18, $0xb8;
	[tilespmem:$0x18000] =	vst v63  }
0xa8: {  	_ =	swait.ge [sflag:s0], $0x2000  }
0xa9: {  	[sflag:s0] =	ssyncset.done $0x0  }
0xaa: {  	[sflag:s0] =	ssyncadd.s32 $0xFFFFE000  }
0xab: {  	_ =	swait.ge [sflag:s29], $0x2000  }
0xac: {  	[sflag:s29] =	ssyncset.done $0x0  }
0xad: {  	[sflag:s29] =	ssyncadd.s32 $0xFFFFE000  }
0xae: {  	_ =	swait.ge [sflag:s22], $0x2000  }
0xaf: {  	s9 =	sadd.s32 $0x1, s9;
	[sflag:s22] =	ssyncset.done $0x0  }
0xb0: {  	p0 =	sne.s32 s9, s12;
	[sflag:s22] =	ssyncadd.s32 $0xFFFFE000  }
.Ltmp1:
0xb1: {  	[bflag:$0x0] =	sbarrier.arrive $0xFFFF;
	(pc) =	sbr.rel @!p0 .LBB2_5-.Ltmp1, $4  }
0xb2: {  	[hbm:s24@s8], [sflag:s7] =	dma.strided [spmem:s13@s22], $0x1400, s21, $0x8   }
0xb3: {  	_ =	swait.ge [sflag:s14], $0x1400  }
0xb4: {  	[sflag:s14] =	ssyncset.done $0x0  }
0xb5: {  	[sflag:s14] =	ssyncadd.s32 $0xFFFFEC00  }
.LBB2_1:
0xb6: {  	[spmem:s13], [sflag:s7] =	dma.local [hbm:s6], $0x1400  }
0xb7: {  	_ =	swait.ge [sflag:s14], $0x1400  }
0xb8: {  	[sflag:s14] =	ssyncset.done $0x0  }
0xb9: {  	s10 =	rddreg [dreg:$0x3];
	[sflag:s14] =	ssyncadd.s32 $0xFFFFEC00  }
0xba: {  	[tilespmem:s3], [sflag:$0x9] =	stream.linear.gather [hbm4b:s10+s3], $0x2800, $0x38;
	[tilespmem:$0x18000] =	vst v63  }
0xbb: {  	_ =	swait.ge [sflag:s14], $0x2800  }
0xbc: {  	[sflag:s14] =	ssyncset.done $0x0  }
0xbd: {  	s11 =	simm.s32 $0x2800;
	s16 =	rddreg [dreg:$0x4];
	[sflag:s14] =	ssyncadd.s32 $0xFFFFD800  }
0xbe: {  	[tilespmem:s11], [sflag:$0x9] =	stream.linear.gather [hbm4b:s16+s3], $0x2800, $0x38;
	[tilespmem:$0x18000] =	vst v63  }
0xbf: {  	_ =	swait.ge [sflag:s14], $0x2800  }
0xc0: {  	[sflag:s14] =	ssyncset.done $0x0  }
0xc1: {  	s16 =	rddreg [dreg:$0x5];
	[sflag:s14] =	ssyncadd.s32 $0xFFFFD800  }
0xc2: {  	[tilespmem:s15], [sflag:$0x9] =	stream.linear.gather [hbm4b:s16+s3], $0x800, $0x38;
	[tilespmem:$0x18000] =	vst v63  }
0xc3: {  	_ =	swait.ge [sflag:s14], $0x800  }
0xc4: {  	[sflag:s14] =	ssyncset.done $0x0  }
0xc5: {  	s15 =	rddreg [dreg:$0x6];
	[sflag:s14] =	ssyncadd.s32 $0xFFFFF800  }
0xc6: {  	[tilespmem:s17], [sflag:$0x9] =	stream.linear.gather [hbm4b:s15+s3], $0x800, $0x38;
	[tilespmem:$0x18000] =	vst v63  }
0xc7: {  	_ =	swait.ge [sflag:s14], $0x800  }
0xc8: {  	[sflag:s14] =	ssyncset.done $0x0  }
0xc9: {  	[sflag:s14] =	ssyncadd.s32 $0xFFFFF800  }
0xca: {  	[bflag:$0x0] =	sbarrier.arrive $0xFFFF  }
0xcb: {  	[tilespmem:s19], [sflag:$0x1] =	stream.indirect.gather [hbm4b:s4+s18], $0x40, s3, s18, $0xb8;
	[tilespmem:$0x18000] =	vst v63  }
0xcc: {  	_ = 	snop  }
0xcd: {  	[tilespmem:s20], [sflag:$0x2] =	stream.indirect.gather [hbm4b:s4+s18], $0x40, s18, s18, $0xb8;
	[tilespmem:$0x18000] =	vst v63  }
0xce: {  	_ =	swait.ge [sflag:s21], $0x2000  }
0xcf: {  	[sflag:s21] =	ssyncset.done $0x0  }
0xd0: {  	[sflag:s21] =	ssyncadd.s32 $0xFFFFE000  }
0xd1: {  	[spmem:s2] =	stream.indirect.scatter.add.f32 [tilespmem:s19], [sflag:$0x5], $0x40, s11, s18, $0xb8;
	[tilespmem:$0x18000] =	vst v63  }
0xd2: {  	s16 =	simm.s32 $0x100  }
0xd3: {  	[tilespmem:s25], [sflag:$0x3] =	stream.indirect.gather [hbm4b:s4+s18], $0x40, s16, s18, $0xb8;
	[tilespmem:$0x18000] =	vst v63  }
0xd4: {  	_ =	swait.ge [sflag:s26], $0x2000  }
0xd5: {  	[sflag:s26] =	ssyncset.done $0x0  }
0xd6: {  	s11 =	simm.s32 $0x2880;
	[sflag:s26] =	ssyncadd.s32 $0xFFFFE000  }
0xd7: {  	[spmem:s2] =	stream.indirect.scatter.add.f32 [tilespmem:s20], [sflag:$0x6], $0x40, s11, s18, $0xb8;
	[tilespmem:$0x18000] =	vst v63  }
0xd8: {  	s15 =	simm.s32 $0x180  }
0xd9: {  	[tilespmem:s30], [sflag:$0x4] =	stream.indirect.gather [hbm4b:s4+s18], $0x40, s15, s18, $0xb8;
	[tilespmem:$0x18000] =	vst v63  }
0xda: {  	_ =	swait.ge [sflag:s31], $0x2000  }
0xdb: {  	[sflag:s31] =	ssyncset.done $0x0  }
0xdc: {  	s16 =	simm.s32 $0x2900;
	[sflag:s31] =	ssyncadd.s32 $0xFFFFE000  }
0xdd: {  	[spmem:s2] =	stream.indirect.scatter.add.f32 [tilespmem:s25], [sflag:$0x7], $0x40, s16, s18, $0xb8;
	[tilespmem:$0x18000] =	vst v63  }
0xde: {  	_ =	swait.ge [sflag:s1], $0x2000  }
0xdf: {  	[sflag:s1] =	ssyncset.done $0x0  }
0xe0: {  	s11 =	simm.s32 $0x200;
	[sflag:s1] =	ssyncadd.s32 $0xFFFFE000  }
0xe1: {  	[tilespmem:s19], [sflag:$0x1] =	stream.indirect.gather [hbm4b:s4+s18], $0x40, s11, s18, $0xb8;
	[tilespmem:$0x18000] =	vst v63  }
0xe2: {  	_ =	swait.ge [sflag:s28], $0x2000  }
0xe3: {  	[sflag:s28] =	ssyncset.done $0x0  }
0xe4: {  	s15 =	simm.s32 $0x2980;
	[sflag:s28] =	ssyncadd.s32 $0xFFFFE000  }
0xe5: {  	[spmem:s2] =	stream.indirect.scatter.add.f32 [tilespmem:s30], [sflag:$0x8], $0x40, s15, s18, $0xb8;
	[tilespmem:$0x18000] =	vst v63  }
0xe6: {  	_ =	swait.ge [sflag:s0], $0x2000  }
0xe7: {  	[sflag:s0] =	ssyncset.done $0x0  }
0xe8: {  	s10 =	simm.s32 $0x0;
	s16 =	simm.s32 $0x280;
	[sflag:s0] =	ssyncadd.s32 $0xFFFFE000  }
0xe9: {  	[tilespmem:s20], [sflag:$0x2] =	stream.indirect.gather [hbm4b:s4+s18], $0x40, s16, s18, $0xb8;
	[tilespmem:$0x18000] =	vst v63  }
.LBB2_2:
0xea: {  	_ =	swait.ge [sflag:s21], $0x2000  }
0xeb: {  	s11 =	sshra.s32 s10, $0x2;
	[sflag:s21] =	ssyncset.done $0x0  }
0xec: {  	s15 =	sadd.s32 $0x2A00, s11;
	[sflag:s21] =	ssyncadd.s32 $0xFFFFE000  }
0xed: {  	[spmem:s2] =	stream.indirect.scatter.add.f32 [tilespmem:s19], [sflag:$0x5], $0x40, s15, s18, $0xb8;
	[tilespmem:$0x18000] =	vst v63  }
0xee: {  	_ =	swait.ge [sflag:s29], $0x2000  }
0xef: {  	[sflag:s29] =	ssyncset.done $0x0  }
0xf0: {  	s16 =	sadd.s32 $0x300, s11;
	[sflag:s29] =	ssyncadd.s32 $0xFFFFE000  }
0xf1: {  	[tilespmem:s25], [sflag:$0x3] =	stream.indirect.gather [hbm4b:s4+s18], $0x40, s16, s18, $0xb8;
	[tilespmem:$0x18000] =	vst v63  }
0xf2: {  	_ =	swait.ge [sflag:s26], $0x2000  }
0xf3: {  	[sflag:s26] =	ssyncset.done $0x0  }
0xf4: {  	s16 =	sadd.s32 $0x2A80, s11;
	[sflag:s26] =	ssyncadd.s32 $0xFFFFE000  }
0xf5: {  	[spmem:s2] =	stream.indirect.scatter.add.f32 [tilespmem:s20], [sflag:$0x6], $0x40, s16, s18, $0xb8;
	[tilespmem:$0x18000] =	vst v63  }
0xf6: {  	_ =	swait.ge [sflag:s22], $0x2000  }
0xf7: {  	[sflag:s22] =	ssyncset.done $0x0  }
0xf8: {  	s16 =	sadd.s32 $0x380, s11;
	[sflag:s22] =	ssyncadd.s32 $0xFFFFE000  }
0xf9: {  	[tilespmem:s30], [sflag:$0x4] =	stream.indirect.gather [hbm4b:s4+s18], $0x40, s16, s18, $0xb8;
	[tilespmem:$0x18000] =	vst v63  }
0xfa: {  	_ =	swait.ge [sflag:s31], $0x2000  }
0xfb: {  	p0 =	seq.s32 s10, $0x9000;
	[sflag:s31] =	ssyncset.done $0x0  }
.Ltmp2:
0xfc: {  	s16 =	sadd.s32 $0x2B00, s11;
	[sflag:s31] =	ssyncadd.s32 $0xFFFFE000;
	(pc) =	sbr.rel @p0 .LBB2_4-.Ltmp2, $4  }
0xfd: {  	[spmem:s2] =	stream.indirect.scatter.add.f32 [tilespmem:s25], [sflag:$0x7], $0x40, s16, s18, $0xb8;
	[tilespmem:$0x18000] =	vst v63  }
0xfe: {  	_ =	swait.ge [sflag:s1], $0x2000  }
0xff: {  	[sflag:s1] =	ssyncset.done $0x0  }
0x100: {  	s15 =	sadd.s32 $0x2B80, s11;
	[sflag:s1] =	ssyncadd.s32 $0xFFFFE000  }
0x101: {  	s16 =	sadd.s32 $0x400, s11  }
0x102: {  	[tilespmem:s19], [sflag:$0x1] =	stream.indirect.gather [hbm4b:s4+s18], $0x40, s16, s18, $0xb8;
	[tilespmem:$0x18000] =	vst v63  }
0x103: {  	_ =	swait.ge [sflag:s28], $0x2000  }
0x104: {  	[sflag:s28] =	ssyncset.done $0x0  }
0x105: {  	[sflag:s28] =	ssyncadd.s32 $0xFFFFE000  }
0x106: {  	[spmem:s2] =	stream.indirect.scatter.add.f32 [tilespmem:s30], [sflag:$0x8], $0x40, s15, s18, $0xb8;
	[tilespmem:$0x18000] =	vst v63  }
.Ltmp3:
0x107: {  	_ = 	snop;
	(pc) =	sbr.rel .LBB2_2-.Ltmp3, $4  }
0x108: {  	_ =	swait.ge [sflag:s0], $0x2000  }
0x109: {  	[sflag:s0] =	ssyncset.done $0x0  }
0x10a: {  	s10 =	sadd.s32 $0x800, s10;
	s16 =	sadd.s32 $0x480, s11;
	[sflag:s0] =	ssyncadd.s32 $0xFFFFE000  }
0x10b: {  	[tilespmem:s20], [sflag:$0x2] =	stream.indirect.gather [hbm4b:s4+s18], $0x40, s16, s18, $0xb8;
	[tilespmem:$0x18000] =	vst v63  }
.LBB2_5:
0x10c: {  	_ =	sfence.sel $0x180000  }
0x10d: {  	[bflag:$0x0] =	sbarrier.arrive $0xFFFF  }
0x10e: {  	_ =	strace $0x9000004A  }
0x10f: {  	s0 =	stileid.u32;
	[bflag:$0x2] =	sbarrier.arrive $0xFFFF  }
0x110: {  	p0 =	sne.s32 s0, $0x0;
	s0 =	rddreg [dreg:$0x2]  }
0x111: {  	s0 =	sadd.s32 @!p0 $0x100000, s0  }
0x112: {  	[sflag:s0] =	ssyncadd.tile.s32 @!p0 $0x1;
	_ =	shalt  }
.Lfunc_end2:
_tile_overlayer_lowered:
.L_overlay_start_2:
0x113: {  	(tag) =	ssettag $0x2  }
0x114: {  	s0 =	rddreg [dreg:$0x0];
	s2 =	stileid.u32  }
0x115: {  	s1 =	rddreg [dreg:$0x1];
	p0 =	sne.s32 s2, $0x0  }
0x116: {  	s3 =	rddreg [dreg:$0x2];
	[bflag:$0x3] =	sbarrier.arrive $0xFFFF;
	s2 =	simm.s32 @!p0 $0x1C09  }
0x117: {  	[timem:s3], [sflag:s2] =	dma.local @!p0 [hbm:s0], s1  }
0x118: {  	s0 =	simm.s32 @!p0 $0x9  }
0x119: {  	_ =	swait.ge @!p0 [sflag:s0], s1  }
0x11a: {  	s1 =	ssub.s32 @!p0 $0x0, s1;
	[sflag:s0] =	ssyncset.done @!p0 $0x0  }
0x11b: {  	[sflag:s0] =	ssyncadd.s32 @!p0 s1  }
0x11c: {  	[bflag:$0x3] =	sbarrier.arrive $0xFFFF  }
0x11d: {  	_ =	shalt  }

// kernel: kernel.15.cloned.1.call-start
scs
__scs_entry_jumppad:
0x0: {  	(pc) =	sbr.rel $0x88, $3  }
0x1: {  	(tag) =	ssettag $0x0;
	lr =	simm.s32 $0x1  }
0x2: {  	[smem:$0x3F98] =	sst lr;
	_ =	strace $0xD0000000  }
0x3: {  	_ = 	snop  }
0x4: {  	_ = 	snop  }
0x5: {  	_ = 	snop  }
0x6: {  	_ = 	snop  }
0x7: {  	_ = 	snop  }
__scs_overlays_trampoline_lowered:
0x8: {  	[smem:$0x3FA7] =	sst s0  }
0x9: {  	[smem:$0x3FA8] =	sst s1  }
0xa: {  	[smem:$0x3FA9] =	sst s2  }
0xb: {  	[smem:$0x3FAA] =	sst s3  }
0xc: {  	[smem:$0x3FAB] =	sst s4  }
0xd: {  	[smem:$0x3FAC] =	sst s5  }
0xe: {  	[smem:$0x3FAD] =	sst s6  }
0xf: {  	[smem:$0x3FAE] =	sst s7  }
0x10: {  	[smem:$0x3FAF] =	sst s8  }
0x11: {  	[smem:$0x3FB0] =	sst s9;
	s0 =	simm.s32 @!p0 $0x0  }
0x12: {  	s1 =	sld [smem:$0x3F96];
	s0 =	simm.s32 @p0 $0x1  }
0x13: {  	[smem:$0x3FB1] =	sst s0;
	s0 =	simm.s32 @!p1 $0x0  }
0x14: {  	s2 =	sld [smem:$0x3F95];
	s0 =	simm.s32 @p1 $0x1  }
0x15: {  	[smem:$0x3FB2] =	sst s0;
	s0 =	simm.s32 @!p2 $0x0  }
0x16: {  	s3 =	sld [smem:$0x3FDB];
	s0 =	simm.s32 @p2 $0x1  }
0x17: {  	s4 =	simm.s32 $0x1BF5;
	[smem:$0x3FB4] =	sst s0  }
0x18: {  	s0 =	sld [smem:$0x3F97];
	_ =	swait.ge [sflag:s4], $0x0  }
0x19: {  	s7 =	sld [smem:$0x3F98]  }
0x1a: {  	s8 =	sadd.s32 $0xFFFFE003, lr  }
0x1b: {  	s9 =	sadd.s32 $0xFFFFFEF7, lr;
	s5 =	simm.s32 $0xFFFFFFFF;
	p2 =	slt.u32 s8, $0xFFFFF086  }
0x1c: {  	p1 =	slt.u32 s9, $0xF7A;
	s5 =	simm.s32 @!p2 $0x0  }
0x1d: {  	s5 =	simm.s32 @p1 $0x1;
	p0 =	seq.s32 s7, s2  }
0x1e: {  	s7 =	smul.u32 @!p0 $0xF7A, s2;
	p2 =	seq.s32 @!p0 s5, $0x0  }
0x1f: {  	s9 =	smul.u32 $0xF7A, s1;
	s8 =	simm.s32 @!p0 $0x1BF5;
	p2 =	por !p2, p0  }
0x20: {  	[sflag:s8] =	ssyncset.s32 @!p0 $0xFFFFF086;
	s6 =	sadd.s32 @!p0 s3, s7;
	s7 =	simm.s32 @!p0 $0x108  }
0x21: {  	s3 =	sadd.s32 s3, s9;
	s6 =	sadd.s32 @!p0 $0x88, s6;
	s7 =	simm.s32 @p2 $0x1082  }
0x22: {  	[simem:s7], [sflag:s8] =	dma.local @!p0 [hbm:s6], $0xF7A  }
0x23: {  	s9 =	sor.u32 $0xD0000000, s2;
	s6 =	simm.s32 $0x108;
	_ =	swait.ge @!p0 [sflag:s8], $0x0  }
0x24: {  	s3 =	sadd.s32 $0x88, s3;
	s6 =	simm.s32 @!p1 $0x1082;
	[sflag:s4] =	ssyncset.s32 $0xFFFFF086  }
0x25: {  	[simem:s6], [sflag:s4] =	dma.local [hbm:s3], $0xF7A  }
0x26: {  	[smem:$0x3F98] =	sst s1;
	(tag) =	ssettag s2;
	_ =	strace s9  }
0x27: {  	s1 =	sld [smem:$0x3FA8]  }
0x28: {  	s2 =	sld [smem:$0x3FA9]  }
0x29: {  	s4 =	sld [smem:$0x3FAB]  }
0x2a: {  	p0 =	seq.s32 s5, $0x0;
	s5 =	sld [smem:$0x3FAC]  }
0x2b: {  	s6 =	sld [smem:$0x3FAD]  }
0x2c: {  	s7 =	sld [smem:$0x3FAE]  }
0x2d: {  	s3 =	simm.s32 $0x108;
	s8 =	sld [smem:$0x3FAF]  }
0x2e: {  	s3 =	simm.s32 @!p0 $0x1082;
	s9 =	sld [smem:$0x3FB0]  }
0x2f: {  	lr =	sadd.s32 s0, s3;
	s0 =	sld [smem:$0x3FA7]  }
0x30: {  	s3 =	sld [smem:$0x3FAA]  }
0x31: {  	[smem:$0x3FB3] =	sst s10  }
0x32: {  	s10 =	sld [smem:$0x3FB1];
	_ =	sdelay $0x3  }
0x33: {  	p0 =	seq.s32 s10, $0x1;
	s10 =	sld [smem:$0x3FB3];
	_ =	sdelay $0x3  }
0x34: {  	[smem:$0x3FB3] =	sst s10  }
0x35: {  	s10 =	sld [smem:$0x3FB2];
	_ =	sdelay $0x3  }
0x36: {  	p1 =	seq.s32 s10, $0x1;
	s10 =	sld [smem:$0x3FB3];
	_ =	sdelay $0x3  }
0x37: {  	[smem:$0x3FB3] =	sst s10  }
0x38: {  	s10 =	sld [smem:$0x3FB4]  }
0x39: {  	_ = 	snop;
	(pc) =	sbr.ind lr, $3  }
0x3a: {  	_ = 	snop  }
0x3b: {  	_ = 	snop  }
0x3c: {  	p2 =	seq.s32 s10, $0x1;
	s10 =	sld [smem:$0x3FB3]  }
0x3d: {  	_ =	shalt  }
0x3e: {  	_ =	shalt  }
0x3f: {  	_ =	shalt  }
0x40: {  	_ =	shalt  }
0x41: {  	_ =	shalt  }
0x42: {  	_ =	shalt  }
0x43: {  	_ =	shalt  }
0x44: {  	_ =	shalt  }
0x45: {  	_ =	shalt  }
0x46: {  	_ =	shalt  }
0x47: {  	_ =	shalt  }
0x48: {  	_ =	shalt  }
0x49: {  	_ =	shalt  }
0x4a: {  	_ =	shalt  }
0x4b: {  	_ =	shalt  }
0x4c: {  	_ =	shalt  }
0x4d: {  	_ =	shalt  }
0x4e: {  	_ =	shalt  }
0x4f: {  	_ =	shalt  }
0x50: {  	_ =	shalt  }
0x51: {  	_ =	shalt  }
0x52: {  	_ =	shalt  }
0x53: {  	_ =	shalt  }
0x54: {  	_ =	shalt  }
0x55: {  	_ =	shalt  }
0x56: {  	_ =	shalt  }
0x57: {  	_ =	shalt  }
0x58: {  	_ =	shalt  }
0x59: {  	_ =	shalt  }
0x5a: {  	_ =	shalt  }
0x5b: {  	_ =	shalt  }
0x5c: {  	_ =	shalt  }
0x5d: {  	_ =	shalt  }
0x5e: {  	_ =	shalt  }
0x5f: {  	_ =	shalt  }
0x60: {  	_ =	shalt  }
0x61: {  	_ =	shalt  }
0x62: {  	_ =	shalt  }
0x63: {  	_ =	shalt  }
0x64: {  	_ =	shalt  }
0x65: {  	_ =	shalt  }
0x66: {  	_ =	shalt  }
0x67: {  	_ =	shalt  }
0x68: {  	_ =	shalt  }
0x69: {  	_ =	shalt  }
0x6a: {  	_ =	shalt  }
0x6b: {  	_ =	shalt  }
0x6c: {  	_ =	shalt  }
0x6d: {  	_ =	shalt  }
0x6e: {  	_ =	shalt  }
0x6f: {  	_ =	shalt  }
0x70: {  	_ =	shalt  }
0x71: {  	_ =	shalt  }
0x72: {  	_ =	shalt  }
0x73: {  	_ =	shalt  }
0x74: {  	_ =	shalt  }
0x75: {  	_ =	shalt  }
0x76: {  	_ =	shalt  }
0x77: {  	_ =	shalt  }
0x78: {  	_ =	shalt  }
0x79: {  	_ =	shalt  }
0x7a: {  	_ =	shalt  }
0x7b: {  	_ =	shalt  }
0x7c: {  	_ =	shalt  }
0x7d: {  	_ =	shalt  }
0x7e: {  	_ =	shalt  }
0x7f: {  	_ =	shalt  }
0x80: {  	_ =	shalt  }
0x81: {  	_ =	shalt  }
0x82: {  	_ =	shalt  }
0x83: {  	_ =	shalt  }
0x84: {  	_ =	shalt  }
0x85: {  	_ =	shalt  }
0x86: {  	_ =	shalt  }
0x87: {  	_ =	shalt  }
.Lfunc_end0:
.L_simem_size_0:
called_computation.2_lowered:
.L_overlay_start_0:
0x88: {  	s2 =	sld [smem:$0x3FD9]  }
0x89: {  	s3 =	sld [smem:$0x3FFE];
	_ =	sdelay $0x1  }
0x8a: {  	s1 =	srdreg.scid  }
0x8b: {  	s0 =	sand.u32 $0x1, s1  }
0x8c: {  	s16 =	sshll.u32 s0, $0xA;
	s2 =	sadd.s32 s3, s2  }
0x8d: {  	s2 =	sadd.s32 s2, s16  }
0x8e: {  	[smem:$0x3FBF] =	sst s2  }
0x8f: {  	_ = 	snop  }
0x90: {  	(tm) =	ssettm $0x1  }
0x91: {  	s17 =	sld [smem:$0x3FFB];
	_ =	sdelay $0x3  }
0x92: {  	_ =	strace s17  }
0x93: {  	s2 =	sld [smem:$0x3FFC];
	_ =	sdelay $0x3  }
0x94: {  	_ =	strace s2  }
0x95: {  	s2 =	sld [smem:$0x3FFD];
	_ =	sdelay $0x3  }
0x96: {  	_ =	strace s2  }
0x97: {  	_ =	strace $0x8FFFFFFF  }
0x98: {  	s18 =	sld [smem:$0x3FDB];
	_ =	sdelay $0x1  }
0x99: {  	s19 =	simm.s32 $_scs_section_size  }
0x9a: {  	s4 =	simm.s32 $_size__tile_overlayer_lowered;
	s5 =	simm.s32 $_tile_overlayer_lowered  }
0x9b: {  	s22 =	simm.s32 $0x1BFF;
	s21 =	sshll.u32 s5, $0x1;
	s2 =	sadd.s32 s19, s18  }
0x9c: {  	s6 =	simm.s32 $0x0;
	s20 =	sshll.u32 s4, $0x1;
	s4 =	sadd.s32 s21, s2  }
0x9d: {  	[timem:s6], [sflag:s22] =	dma.local [hbm:s4], s20  }
0x9e: {  	_ =	swait.ge [sflag:s22], s20  }
0x9f: {  	s3 =	ssub.s32 $0x0, s20;
	[sflag:s22] =	ssyncset.done $0x0  }
0xa0: {  	[sflag:s22] =	ssyncadd.s32 s3;
	_ =	sdelay $0x1  }
0xa1: {  	s23 =	simm.s32 $0x1B8B  }
0xa2: {  	_ =	swait.ge [sflag:s23], $0x1  }
0xa3: {  	[sflag:s23] =	ssyncset.done $0x0  }
0xa4: {  	s25 =	simm.s32 $0x1B8E;
	s24 =	sld [smem:$0x3FFE];
	[sflag:s23] =	ssyncadd.s32 $0xFFFFFFFF  }
0xa5: {  	s26 =	simm.s32 $execute0_lowered;
	[smem:$0x3FD2] =	sst s25  }
0xa6: {  	s4 =	sshll.u32 s26, $0x1;
	_ =	strace $0x8000004C;
	[dreg:$0x1] =	wrdreg $0xFFFFFFFF  }
0xa7: {  	s28 =	simm.s32 $_size_execute0_lowered;
	s2 =	sadd.s32 s2, s4;
	[dreg:$0x0] =	wrdreg $0x0  }
0xa8: {  	s4 =	sshll.u32 s28, $0x1;
	[dreg:$0x2] =	wrdreg s2  }
0xa9: {  	[dreg:$0x3] =	wrdreg s4  }
0xaa: {  	[dreg:$0x4] =	wrdreg $0xC0  }
0xab: {  	_ =	task [dreg:s6], $0x5FFFF  }
0xac: {  	[dreg:$0x1] =	wrdreg $0xFFFFFFFF  }
0xad: {  	[dreg:$0x0] =	wrdreg $0x60  }
0xae: {  	[dreg:$0x2] =	wrdreg s24  }
0xaf: {  	[dreg:$0x3] =	wrdreg $0xA0000  }
0xb0: {  	[dreg:$0x4] =	wrdreg $0x9  }
0xb1: {  	_ =	task.clear_ibuf [dreg:s6], $0x5FFFF;
	_ =	strace $0x9000004C  }
0xb2: {  	s29 =	simm.s32 $0x9;
	_ =	strace $0x8000004E  }
0xb3: {  	_ =	swait.ge [sflag:s29], $0x1  }
0xb4: {  	[sflag:s29] =	ssyncadd.s32 $0xFFFFFFFF  }
0xb5: {  	_ =	strace $0x9000004E  }
0xb6: {  	_ =	sfence  }
0xb7: {  	s30 =	sld [smem:$0x0];
	_ =	sdelay $0x2  }
0xb8: {  	s31 =	sshll.u32 s1, $0xD;
	s1 =	sshrl.u32 s1, $0x2  }
0xb9: {  	s3 =	sand.u32 $0x4000, s31;
	s1 =	sadd.s32 s1, s30  }
0xba: {  	s0 =	sor.u32 s3, s0;
	s1 =	sshll.u32 s1, $0x11  }
0xbb: {  	s0 =	sor.u32 s1, s0  }
0xbc: {  	s0 =	sadd.s32 $0x8F2B, s0  }
0xbd: {  	[sflag:s0] =	ssyncadd.remote.s32 $0x1  }
0xbe: {  	_ =	sfence.sel $0xFFFF  }
0xbf: {  	[dreg:$0x0] =	wrdreg $0xFFFFFFFF;
	(pc) =	sbr.abs _section_cstart, $3  }
0xc0: {  	[dreg:$0x1] =	wrdreg $0xFFFFFFFF  }
0xc1: {  	_ =	task.clear_ibuf [dreg:s6], $0x2FFFF;
	_ =	strace $0x9FFFFFFF  }
0xc2: {  	(tm) =	ssettm $0x7FFFFFFF  }
0xc3: {  	_ =	shalt  }
tec
execute0_lowered:
.L_overlay_start_1:
0x0: {  	(tag) =	ssettag $0x1  }
0x1: {  	s0 =	rddreg [dreg:$0x0]  }
0x2: {  	s2 =	rddreg [dreg:$0x1]  }
0x3: {  	s1 =	srdreg.scid;
	s11 =	stileid.u32;
	s3 =	simm.s32 $0x0  }
0x4: {  	s14 =	simm.s32 $0x9;
	s15 =	simm.s32 $0x5000;
	s17 =	simm.s32 $0x5800  }
0x5: {  	s18 =	simm.s32 $0x80;
	s30 =	simm.s32 $0x9000;
	s31 =	simm.s32 $0x3  }
0x6: {  	s28 =	simm.s32 $0x4;
	s29 =	simm.s32 $0x7;
	s1 =	sand.u32 $0x1, s1  }
0x7: {  	s4 =	sshll.u32 s11, $0x1;
	[smem:$0x7FF] =	sst s3;
	s8 =	smul.u32 $0x5000, s11  }
0x8: {  	s5 =	sadd.s32 $0x6C200, s0;
	s22 =	sshll.u32 s11, $0x6;
	s26 =	smul.u32 $0x2800, s11  }
0x9: {  	s6 =	sor.u32 s1, s4;
	_ =	strace $0x8000004D;
	s19 =	smul.u32 $0x28000, s1  }
0xa: {  	s4 =	sadd.s32 $0x76200, s0;
	s1 =	ssub.s32 $0x2, s1;
	s7 =	smul.u32 $0x500, s6  }
0xb: {  	s6 =	sshll.u32 s6, $0x8;
	s20 =	sshrl.u32 s8, $0x3;
	s21 =	sshrl.u32 s1, $0x1  }
0xc: {  	s8 =	sadd.s32 s8, s2;
	s10 =	sadd.s32 s6, s0;
	s6 =	sadd.s32 s20, s0  }
0xd: {  	s1 =	ssub.s32 s1, s21;
	s13 =	sshrl.u32 s8, $0x3;
	s20 =	simm.s32 $0x7000  }
0xe: {  	s21 =	simm.s32 $0x1;
	s8 =	simm.s32 $0x10;
	s9 =	sadd.s32 s7, s0  }
0xf: {  	s0 =	sadd.s32 s19, s0;
	s6 =	sadd.s32 $0x80200, s6;
	s7 =	sor.u32 $0x1C09, s22  }
0x10: {  	s23 =	sadd.s32 $0x18200, s10;
	s24 =	sadd.s32 $0x1A200, s10;
	s19 =	simm.s32 $0x6000  }
0x11: {  	s22 =	simm.s32 $0x8;
	s12 =	sadd.s32 $0x4200, s9;
	[dreg:$0x5] =	wrdreg s23  }
.Ltmp0:
0x12: {  	s9 =	sadd.s32 $0xE200, s9;
	[dreg:$0x6] =	wrdreg s24;
	(pc) =	sbr.rel .LBB2_1-.Ltmp0, $4  }
0x13: {  	s25 =	sadd.s32 $0x8A200, s0;
	s0 =	sadd.s32 $0xDA200, s0;
	[dreg:$0x3] =	wrdreg s12  }
0x14: {  	[dreg:$0x4] =	wrdreg s9;
	s12 =	smax.u32 s1, $0x1;
	s23 =	sadd.s32 s26, s25  }
0x15: {  	s24 =	sadd.s32 s26, s0;
	s25 =	simm.s32 $0x8000;
	s26 =	simm.s32 $0x2  }
0x16: {  	s1 =	simm.s32 $0x5;
	s0 =	simm.s32 $0x6;
	s9 =	simm.s32 $0x0  }
.LBB2_4:
0x17: {  	_ =	swait.ge [sflag:s28], $0x1000  }
0x18: {  	[sflag:s28] =	ssyncset.done $0x0  }
0x19: {  	[sflag:s28] =	ssyncadd.s32 $0xFFFFF000  }
0x1a: {  	[spmem:s2] =	stream.indirect.scatter.add.f32 [tilespmem:s30], [sflag:$0x8], $0x20, s15, s18, $0xb8;
	[tilespmem:$0xF000] =	vst v63  }
0x1b: {  	_ =	swait.ge [sflag:s0], $0x1000  }
0x1c: {  	[sflag:s0] =	ssyncset.done $0x0  }
0x1d: {  	[sflag:s0] =	ssyncadd.s32 $0xFFFFF000  }
0x1e: {  	_ =	swait.ge [sflag:s29], $0x1000  }
0x1f: {  	[sflag:s29] =	ssyncset.done $0x0  }
0x20: {  	[sflag:s29] =	ssyncadd.s32 $0xFFFFF000  }
0x21: {  	_ =	swait.ge [sflag:s22], $0x1000  }
0x22: {  	[sflag:s22] =	ssyncset.done $0x0  }
0x23: {  	[sflag:s22] =	ssyncadd.s32 $0xFFFFF000  }
0x24: {  	[bflag:$0x0] =	sbarrier.arrive $0xFFFF  }
0x25: {  	[hbm:s23@s8], [sflag:s7] =	dma.strided [spmem:s13@s28], $0xA00, s21, $0x4   }
0x26: {  	_ =	swait.ge [sflag:s14], $0xA00  }
0x27: {  	[sflag:s14] =	ssyncset.done $0x0  }
0x28: {  	[sflag:s14] =	ssyncadd.s32 $0xFFFFF600  }
0x29: {  	[spmem:s13], [sflag:s7] =	dma.local [hbm:s6], $0xA00  }
0x2a: {  	_ =	swait.ge [sflag:s14], $0xA00  }
0x2b: {  	[sflag:s14] =	ssyncset.done $0x0  }
0x2c: {  	[sflag:s14] =	ssyncadd.s32 $0xFFFFF600  }
0x2d: {  	s15 =	simm.s32 $0x5000;
	[bflag:$0x0] =	sbarrier.arrive $0xFFFF  }
0x2e: {  	[tilespmem:s19], [sflag:$0x1] =	stream.indirect.gather [hbm4b:s5+s18], $0x20, s15, s18, $0xb8;
	[tilespmem:$0xF000] =	vst v63  }
0x2f: {  	s10 =	simm.s32 $0x5080  }
0x30: {  	[tilespmem:s20], [sflag:$0x2] =	stream.indirect.gather [hbm4b:s5+s18], $0x20, s10, s18, $0xb8;
	[tilespmem:$0xF000] =	vst v63  }
0x31: {  	_ =	swait.ge [sflag:s21], $0x1000  }
0x32: {  	[sflag:s21] =	ssyncset.done $0x0  }
0x33: {  	[sflag:s21] =	ssyncadd.s32 $0xFFFFF000  }
0x34: {  	[spmem:s2] =	stream.indirect.scatter.add.f32 [tilespmem:s19], [sflag:$0x5], $0x20, s17, s18, $0xb8;
	[tilespmem:$0xF000] =	vst v63  }
0x35: {  	s16 =	simm.s32 $0x5100  }
0x36: {  	[tilespmem:s25], [sflag:$0x3] =	stream.indirect.gather [hbm4b:s5+s18], $0x20, s16, s18, $0xb8;
	[tilespmem:$0xF000] =	vst v63  }
0x37: {  	_ =	swait.ge [sflag:s26], $0x1000  }
0x38: {  	[sflag:s26] =	ssyncset.done $0x0  }
0x39: {  	s11 =	simm.s32 $0x5880;
	[sflag:s26] =	ssyncadd.s32 $0xFFFFF000  }
0x3a: {  	[spmem:s2] =	stream.indirect.scatter.add.f32 [tilespmem:s20], [sflag:$0x6], $0x20, s11, s18, $0xb8;
	[tilespmem:$0xF000] =	vst v63  }
0x3b: {  	s16 =	simm.s32 $0x5180  }
0x3c: {  	[tilespmem:s30], [sflag:$0x4] =	stream.indirect.gather [hbm4b:s5+s18], $0x20, s16, s18, $0xb8;
	[tilespmem:$0xF000] =	vst v63  }
0x3d: {  	_ =	swait.ge [sflag:s31], $0x1000  }
0x3e: {  	[sflag:s31] =	ssyncset.done $0x0  }
0x3f: {  	s11 =	simm.s32 $0x5900;
	[sflag:s31] =	ssyncadd.s32 $0xFFFFF000  }
0x40: {  	[spmem:s2] =	stream.indirect.scatter.add.f32 [tilespmem:s25], [sflag:$0x7], $0x20, s11, s18, $0xb8;
	[tilespmem:$0xF000] =	vst v63  }
0x41: {  	_ =	swait.ge [sflag:s1], $0x1000  }
0x42: {  	[sflag:s1] =	ssyncset.done $0x0  }
0x43: {  	s16 =	simm.s32 $0x5200;
	[sflag:s1] =	ssyncadd.s32 $0xFFFFF000  }
0x44: {  	[tilespmem:s19], [sflag:$0x1] =	stream.indirect.gather [hbm4b:s5+s18], $0x20, s16, s18, $0xb8;
	[tilespmem:$0xF000] =	vst v63  }
0x45: {  	_ =	swait.ge [sflag:s28], $0x1000  }
0x46: {  	[sflag:s28] =	ssyncset.done $0x0  }
0x47: {  	s11 =	simm.s32 $0x5980;
	[sflag:s28] =	ssyncadd.s32 $0xFFFFF000  }
0x48: {  	[spmem:s2] =	stream.indirect.scatter.add.f32 [tilespmem:s30], [sflag:$0x8], $0x20, s11, s18, $0xb8;
	[tilespmem:$0xF000] =	vst v63  }
0x49: {  	_ =	swait.ge [sflag:s0], $0x1000  }
0x4a: {  	[sflag:s0] =	ssyncset.done $0x0  }
0x4b: {  	s16 =	simm.s32 $0x5280;
	[sflag:s0] =	ssyncadd.s32 $0xFFFFF000  }
0x4c: {  	[tilespmem:s20], [sflag:$0x2] =	stream.indirect.gather [hbm4b:s5+s18], $0x20, s16, s18, $0xb8;
	[tilespmem:$0xF000] =	vst v63  }
0x4d: {  	_ =	swait.ge [sflag:s21], $0x1000  }
0x4e: {  	[sflag:s21] =	ssyncset.done $0x0  }
0x4f: {  	s11 =	simm.s32 $0x5A00;
	[sflag:s21] =	ssyncadd.s32 $0xFFFFF000  }
0x50: {  	[spmem:s2] =	stream.indirect.scatter.add.f32 [tilespmem:s19], [sflag:$0x5], $0x20, s11, s18, $0xb8;
	[tilespmem:$0xF000] =	vst v63  }
0x51: {  	_ =	swait.ge [sflag:s29], $0x1000  }
0x52: {  	[sflag:s29] =	ssyncset.done $0x0  }
0x53: {  	s16 =	simm.s32 $0x5300;
	[sflag:s29] =	ssyncadd.s32 $0xFFFFF000  }
0x54: {  	[tilespmem:s25], [sflag:$0x3] =	stream.indirect.gather [hbm4b:s5+s18], $0x20, s16, s18, $0xb8;
	[tilespmem:$0xF000] =	vst v63  }
0x55: {  	_ =	swait.ge [sflag:s26], $0x1000  }
0x56: {  	[sflag:s26] =	ssyncset.done $0x0  }
0x57: {  	s11 =	simm.s32 $0x5A80;
	[sflag:s26] =	ssyncadd.s32 $0xFFFFF000  }
0x58: {  	[spmem:s2] =	stream.indirect.scatter.add.f32 [tilespmem:s20], [sflag:$0x6], $0x20, s11, s18, $0xb8;
	[tilespmem:$0xF000] =	vst v63  }
0x59: {  	_ =	swait.ge [sflag:s22], $0x1000  }
0x5a: {  	[sflag:s22] =	ssyncset.done $0x0  }
0x5b: {  	s16 =	simm.s32 $0x5380;
	[sflag:s22] =	ssyncadd.s32 $0xFFFFF000  }
0x5c: {  	[tilespmem:s30], [sflag:$0x4] =	stream.indirect.gather [hbm4b:s5+s18], $0x20, s16, s18, $0xb8;
	[tilespmem:$0xF000] =	vst v63  }
0x5d: {  	_ =	swait.ge [sflag:s31], $0x1000  }
0x5e: {  	[sflag:s31] =	ssyncset.done $0x0  }
0x5f: {  	s11 =	simm.s32 $0x5B00;
	[sflag:s31] =	ssyncadd.s32 $0xFFFFF000  }
0x60: {  	[spmem:s2] =	stream.indirect.scatter.add.f32 [tilespmem:s25], [sflag:$0x7], $0x20, s11, s18, $0xb8;
	[tilespmem:$0xF000] =	vst v63  }
0x61: {  	_ =	swait.ge [sflag:s1], $0x1000  }
0x62: {  	[sflag:s1] =	ssyncset.done $0x0  }
0x63: {  	s16 =	simm.s32 $0x5400;
	[sflag:s1] =	ssyncadd.s32 $0xFFFFF000  }
0x64: {  	[tilespmem:s19], [sflag:$0x1] =	stream.indirect.gather [hbm4b:s5+s18], $0x20, s16, s18, $0xb8;
	[tilespmem:$0xF000] =	vst v63  }
0x65: {  	_ =	swait.ge [sflag:s28], $0x1000  }
0x66: {  	[sflag:s28] =	ssyncset.done $0x0  }
0x67: {  	s11 =	simm.s32 $0x5B80;
	[sflag:s28] =	ssyncadd.s32 $0xFFFFF000  }
0x68: {  	[spmem:s2] =	stream.indirect.scatter.add.f32 [tilespmem:s30], [sflag:$0x8], $0x20, s11, s18, $0xb8;
	[tilespmem:$0xF000] =	vst v63  }
0x69: {  	_ =	swait.ge [sflag:s0], $0x1000  }
0x6a: {  	[sflag:s0] =	ssyncset.done $0x0  }
0x6b: {  	s16 =	simm.s32 $0x5480;
	[sflag:s0] =	ssyncadd.s32 $0xFFFFF000  }
0x6c: {  	[tilespmem:s20], [sflag:$0x2] =	stream.indirect.gather [hbm4b:s5+s18], $0x20, s16, s18, $0xb8;
	[tilespmem:$0xF000] =	vst v63  }
0x6d: {  	_ =	swait.ge [sflag:s21], $0x1000  }
0x6e: {  	[sflag:s21] =	ssyncset.done $0x0  }
0x6f: {  	s11 =	simm.s32 $0x5C00;
	[sflag:s21] =	ssyncadd.s32 $0xFFFFF000  }
0x70: {  	[spmem:s2] =	stream.indirect.scatter.add.f32 [tilespmem:s19], [sflag:$0x5], $0x20, s11, s18, $0xb8;
	[tilespmem:$0xF000] =	vst v63  }
0x71: {  	_ =	swait.ge [sflag:s29], $0x1000  }
0x72: {  	[sflag:s29] =	ssyncset.done $0x0  }
0x73: {  	s16 =	simm.s32 $0x5500;
	[sflag:s29] =	ssyncadd.s32 $0xFFFFF000  }
0x74: {  	[tilespmem:s25], [sflag:$0x3] =	stream.indirect.gather [hbm4b:s5+s18], $0x20, s16, s18, $0xb8;
	[tilespmem:$0xF000] =	vst v63  }
0x75: {  	_ =	swait.ge [sflag:s26], $0x1000  }
0x76: {  	[sflag:s26] =	ssyncset.done $0x0  }
0x77: {  	s11 =	simm.s32 $0x5C80;
	[sflag:s26] =	ssyncadd.s32 $0xFFFFF000  }
0x78: {  	[spmem:s2] =	stream.indirect.scatter.add.f32 [tilespmem:s20], [sflag:$0x6], $0x20, s11, s18, $0xb8;
	[tilespmem:$0xF000] =	vst v63  }
0x79: {  	_ =	swait.ge [sflag:s22], $0x1000  }
0x7a: {  	[sflag:s22] =	ssyncset.done $0x0  }
0x7b: {  	s16 =	simm.s32 $0x5580;
	[sflag:s22] =	ssyncadd.s32 $0xFFFFF000  }
0x7c: {  	[tilespmem:s30], [sflag:$0x4] =	stream.indirect.gather [hbm4b:s5+s18], $0x20, s16, s18, $0xb8;
	[tilespmem:$0xF000] =	vst v63  }
0x7d: {  	_ =	swait.ge [sflag:s31], $0x1000  }
0x7e: {  	[sflag:s31] =	ssyncset.done $0x0  }
0x7f: {  	s11 =	simm.s32 $0x5D00;
	[sflag:s31] =	ssyncadd.s32 $0xFFFFF000  }
0x80: {  	[spmem:s2] =	stream.indirect.scatter.add.f32 [tilespmem:s25], [sflag:$0x7], $0x20, s11, s18, $0xb8;
	[tilespmem:$0xF000] =	vst v63  }
0x81: {  	_ =	swait.ge [sflag:s1], $0x1000  }
0x82: {  	[sflag:s1] =	ssyncset.done $0x0  }
0x83: {  	s16 =	simm.s32 $0x5600;
	[sflag:s1] =	ssyncadd.s32 $0xFFFFF000  }
0x84: {  	[tilespmem:s19], [sflag:$0x1] =	stream.indirect.gather [hbm4b:s5+s18], $0x20, s16, s18, $0xb8;
	[tilespmem:$0xF000] =	vst v63  }
0x85: {  	_ =	swait.ge [sflag:s28], $0x1000  }
0x86: {  	[sflag:s28] =	ssyncset.done $0x0  }
0x87: {  	s11 =	simm.s32 $0x5D80;
	[sflag:s28] =	ssyncadd.s32 $0xFFFFF000  }
0x88: {  	[spmem:s2] =	stream.indirect.scatter.add.f32 [tilespmem:s30], [sflag:$0x8], $0x20, s11, s18, $0xb8;
	[tilespmem:$0xF000] =	vst v63  }
0x89: {  	_ =	swait.ge [sflag:s0], $0x1000  }
0x8a: {  	[sflag:s0] =	ssyncset.done $0x0  }
0x8b: {  	s16 =	simm.s32 $0x5680;
	[sflag:s0] =	ssyncadd.s32 $0xFFFFF000  }
0x8c: {  	[tilespmem:s20], [sflag:$0x2] =	stream.indirect.gather [hbm4b:s5+s18], $0x20, s16, s18, $0xb8;
	[tilespmem:$0xF000] =	vst v63  }
0x8d: {  	_ =	swait.ge [sflag:s21], $0x1000  }
0x8e: {  	[sflag:s21] =	ssyncset.done $0x0  }
0x8f: {  	s11 =	simm.s32 $0x5E00;
	[sflag:s21] =	ssyncadd.s32 $0xFFFFF000  }
0x90: {  	[spmem:s2] =	stream.indirect.scatter.add.f32 [tilespmem:s19], [sflag:$0x5], $0x20, s11, s18, $0xb8;
	[tilespmem:$0xF000] =	vst v63  }
0x91: {  	_ =	swait.ge [sflag:s29], $0x1000  }
0x92: {  	[sflag:s29] =	ssyncset.done $0x0  }
0x93: {  	s16 =	simm.s32 $0x5700;
	[sflag:s29] =	ssyncadd.s32 $0xFFFFF000  }
0x94: {  	[tilespmem:s25], [sflag:$0x3] =	stream.indirect.gather [hbm4b:s5+s18], $0x20, s16, s18, $0xb8;
	[tilespmem:$0xF000] =	vst v63  }
0x95: {  	_ =	swait.ge [sflag:s26], $0x1000  }
0x96: {  	[sflag:s26] =	ssyncset.done $0x0  }
0x97: {  	s11 =	simm.s32 $0x5E80;
	[sflag:s26] =	ssyncadd.s32 $0xFFFFF000  }
0x98: {  	[spmem:s2] =	stream.indirect.scatter.add.f32 [tilespmem:s20], [sflag:$0x6], $0x20, s11, s18, $0xb8;
	[tilespmem:$0xF000] =	vst v63  }
0x99: {  	_ =	swait.ge [sflag:s22], $0x1000  }
0x9a: {  	[sflag:s22] =	ssyncset.done $0x0  }
0x9b: {  	s16 =	simm.s32 $0x5780;
	[sflag:s22] =	ssyncadd.s32 $0xFFFFF000  }
0x9c: {  	[tilespmem:s30], [sflag:$0x4] =	stream.indirect.gather [hbm4b:s5+s18], $0x20, s16, s18, $0xb8;
	[tilespmem:$0xF000] =	vst v63  }
0x9d: {  	_ =	swait.ge [sflag:s31], $0x1000  }
0x9e: {  	[sflag:s31] =	ssyncset.done $0x0  }
0x9f: {  	s11 =	simm.s32 $0x5F00;
	[sflag:s31] =	ssyncadd.s32 $0xFFFFF000  }
0xa0: {  	[spmem:s2] =	stream.indirect.scatter.add.f32 [tilespmem:s25], [sflag:$0x7], $0x20, s11, s18, $0xb8;
	[tilespmem:$0xF000] =	vst v63  }
0xa1: {  	_ =	swait.ge [sflag:s1], $0x1000  }
0xa2: {  	[sflag:s1] =	ssyncset.done $0x0  }
0xa3: {  	[sflag:s1] =	ssyncadd.s32 $0xFFFFF000  }
0xa4: {  	_ =	swait.ge [sflag:s28], $0x1000  }
0xa5: {  	[sflag:s28] =	ssyncset.done $0x0  }
0xa6: {  	s16 =	simm.s32 $0x5F80;
	[sflag:s28] =	ssyncadd.s32 $0xFFFFF000  }
0xa7: {  	[spmem:s2] =	stream.indirect.scatter.add.f32 [tilespmem:s30], [sflag:$0x8], $0x20, s16, s18, $0xb8;
	[tilespmem:$0xF000] =	vst v63  }
0xa8: {  	_ =	swait.ge [sflag:s0], $0x1000  }
0xa9: {  	[sflag:s0] =	ssyncset.done $0x0  }
0xaa: {  	[sflag:s0] =	ssyncadd.s32 $0xFFFFF000  }
0xab: {  	_ =	swait.ge [sflag:s29], $0x1000  }
0xac: {  	[sflag:s29] =	ssyncset.done $0x0  }
0xad: {  	[sflag:s29] =	ssyncadd.s32 $0xFFFFF000  }
0xae: {  	_ =	swait.ge [sflag:s22], $0x1000  }
0xaf: {  	s9 =	sadd.s32 $0x1, s9;
	[sflag:s22] =	ssyncset.done $0x0  }
0xb0: {  	p0 =	sne.s32 s9, s12;
	[sflag:s22] =	ssyncadd.s32 $0xFFFFF000  }
.Ltmp1:
0xb1: {  	[bflag:$0x0] =	sbarrier.arrive $0xFFFF;
	(pc) =	sbr.rel @!p0 .LBB2_5-.Ltmp1, $4  }
0xb2: {  	[hbm:s24@s8], [sflag:s7] =	dma.strided [spmem:s13@s28], $0xA00, s21, $0x4   }
0xb3: {  	_ =	swait.ge [sflag:s14], $0xA00  }
0xb4: {  	[sflag:s14] =	ssyncset.done $0x0  }
0xb5: {  	[sflag:s14] =	ssyncadd.s32 $0xFFFFF600  }
.LBB2_1:
0xb6: {  	[spmem:s13], [sflag:s7] =	dma.local [hbm:s6], $0xA00  }
0xb7: {  	_ =	swait.ge [sflag:s14], $0xA00  }
0xb8: {  	[sflag:s14] =	ssyncset.done $0x0  }
0xb9: {  	s10 =	rddreg [dreg:$0x3];
	[sflag:s14] =	ssyncadd.s32 $0xFFFFF600  }
0xba: {  	[tilespmem:s3], [sflag:$0x9] =	stream.linear.gather [hbm4b:s10+s3], $0x2800, $0x38;
	[tilespmem:$0xF000] =	vst v63  }
0xbb: {  	_ =	swait.ge [sflag:s14], $0x2800  }
0xbc: {  	[sflag:s14] =	ssyncset.done $0x0  }
0xbd: {  	s11 =	simm.s32 $0x2800;
	s16 =	rddreg [dreg:$0x4];
	[sflag:s14] =	ssyncadd.s32 $0xFFFFD800  }
0xbe: {  	[tilespmem:s11], [sflag:$0x9] =	stream.linear.gather [hbm4b:s16+s3], $0x2800, $0x38;
	[tilespmem:$0xF000] =	vst v63  }
0xbf: {  	_ =	swait.ge [sflag:s14], $0x2800  }
0xc0: {  	[sflag:s14] =	ssyncset.done $0x0  }
0xc1: {  	s16 =	rddreg [dreg:$0x5];
	[sflag:s14] =	ssyncadd.s32 $0xFFFFD800  }
0xc2: {  	[tilespmem:s15], [sflag:$0x9] =	stream.linear.gather [hbm4b:s16+s3], $0x800, $0x38;
	[tilespmem:$0xF000] =	vst v63  }
0xc3: {  	_ =	swait.ge [sflag:s14], $0x800  }
0xc4: {  	[sflag:s14] =	ssyncset.done $0x0  }
0xc5: {  	s15 =	rddreg [dreg:$0x6];
	[sflag:s14] =	ssyncadd.s32 $0xFFFFF800  }
0xc6: {  	[tilespmem:s17], [sflag:$0x9] =	stream.linear.gather [hbm4b:s15+s3], $0x800, $0x38;
	[tilespmem:$0xF000] =	vst v63  }
0xc7: {  	_ =	swait.ge [sflag:s14], $0x800  }
0xc8: {  	[sflag:s14] =	ssyncset.done $0x0  }
0xc9: {  	[sflag:s14] =	ssyncadd.s32 $0xFFFFF800  }
0xca: {  	[bflag:$0x0] =	sbarrier.arrive $0xFFFF  }
0xcb: {  	[tilespmem:s19], [sflag:$0x1] =	stream.indirect.gather [hbm4b:s4+s18], $0x20, s3, s18, $0xb8;
	[tilespmem:$0xF000] =	vst v63  }
0xcc: {  	_ = 	snop  }
0xcd: {  	[tilespmem:s20], [sflag:$0x2] =	stream.indirect.gather [hbm4b:s4+s18], $0x20, s18, s18, $0xb8;
	[tilespmem:$0xF000] =	vst v63  }
0xce: {  	_ =	swait.ge [sflag:s21], $0x1000  }
0xcf: {  	[sflag:s21] =	ssyncset.done $0x0  }
0xd0: {  	[sflag:s21] =	ssyncadd.s32 $0xFFFFF000  }
0xd1: {  	[spmem:s2] =	stream.indirect.scatter.add.f32 [tilespmem:s19], [sflag:$0x5], $0x20, s11, s18, $0xb8;
	[tilespmem:$0xF000] =	vst v63  }
0xd2: {  	s16 =	simm.s32 $0x100  }
0xd3: {  	[tilespmem:s25], [sflag:$0x3] =	stream.indirect.gather [hbm4b:s4+s18], $0x20, s16, s18, $0xb8;
	[tilespmem:$0xF000] =	vst v63  }
0xd4: {  	_ =	swait.ge [sflag:s26], $0x1000  }
0xd5: {  	[sflag:s26] =	ssyncset.done $0x0  }
0xd6: {  	s11 =	simm.s32 $0x2880;
	[sflag:s26] =	ssyncadd.s32 $0xFFFFF000  }
0xd7: {  	[spmem:s2] =	stream.indirect.scatter.add.f32 [tilespmem:s20], [sflag:$0x6], $0x20, s11, s18, $0xb8;
	[tilespmem:$0xF000] =	vst v63  }
0xd8: {  	s15 =	simm.s32 $0x180  }
0xd9: {  	[tilespmem:s30], [sflag:$0x4] =	stream.indirect.gather [hbm4b:s4+s18], $0x20, s15, s18, $0xb8;
	[tilespmem:$0xF000] =	vst v63  }
0xda: {  	_ =	swait.ge [sflag:s31], $0x1000  }
0xdb: {  	[sflag:s31] =	ssyncset.done $0x0  }
0xdc: {  	s16 =	simm.s32 $0x2900;
	[sflag:s31] =	ssyncadd.s32 $0xFFFFF000  }
0xdd: {  	[spmem:s2] =	stream.indirect.scatter.add.f32 [tilespmem:s25], [sflag:$0x7], $0x20, s16, s18, $0xb8;
	[tilespmem:$0xF000] =	vst v63  }
0xde: {  	_ =	swait.ge [sflag:s1], $0x1000  }
0xdf: {  	[sflag:s1] =	ssyncset.done $0x0  }
0xe0: {  	s11 =	simm.s32 $0x200;
	[sflag:s1] =	ssyncadd.s32 $0xFFFFF000  }
0xe1: {  	[tilespmem:s19], [sflag:$0x1] =	stream.indirect.gather [hbm4b:s4+s18], $0x20, s11, s18, $0xb8;
	[tilespmem:$0xF000] =	vst v63  }
0xe2: {  	_ =	swait.ge [sflag:s28], $0x1000  }
0xe3: {  	[sflag:s28] =	ssyncset.done $0x0  }
0xe4: {  	s15 =	simm.s32 $0x2980;
	[sflag:s28] =	ssyncadd.s32 $0xFFFFF000  }
0xe5: {  	[spmem:s2] =	stream.indirect.scatter.add.f32 [tilespmem:s30], [sflag:$0x8], $0x20, s15, s18, $0xb8;
	[tilespmem:$0xF000] =	vst v63  }
0xe6: {  	_ =	swait.ge [sflag:s0], $0x1000  }
0xe7: {  	[sflag:s0] =	ssyncset.done $0x0  }
0xe8: {  	s10 =	simm.s32 $0x0;
	s16 =	simm.s32 $0x280;
	[sflag:s0] =	ssyncadd.s32 $0xFFFFF000  }
0xe9: {  	[tilespmem:s20], [sflag:$0x2] =	stream.indirect.gather [hbm4b:s4+s18], $0x20, s16, s18, $0xb8;
	[tilespmem:$0xF000] =	vst v63  }
.LBB2_2:
0xea: {  	_ =	swait.ge [sflag:s21], $0x1000  }
0xeb: {  	s11 =	sshra.s32 s10, $0x2;
	[sflag:s21] =	ssyncset.done $0x0  }
0xec: {  	s15 =	sadd.s32 $0x2A00, s11;
	[sflag:s21] =	ssyncadd.s32 $0xFFFFF000  }
0xed: {  	[spmem:s2] =	stream.indirect.scatter.add.f32 [tilespmem:s19], [sflag:$0x5], $0x20, s15, s18, $0xb8;
	[tilespmem:$0xF000] =	vst v63  }
0xee: {  	_ =	swait.ge [sflag:s29], $0x1000  }
0xef: {  	[sflag:s29] =	ssyncset.done $0x0  }
0xf0: {  	s16 =	sadd.s32 $0x300, s11;
	[sflag:s29] =	ssyncadd.s32 $0xFFFFF000  }
0xf1: {  	[tilespmem:s25], [sflag:$0x3] =	stream.indirect.gather [hbm4b:s4+s18], $0x20, s16, s18, $0xb8;
	[tilespmem:$0xF000] =	vst v63  }
0xf2: {  	_ =	swait.ge [sflag:s26], $0x1000  }
0xf3: {  	[sflag:s26] =	ssyncset.done $0x0  }
0xf4: {  	s16 =	sadd.s32 $0x2A80, s11;
	[sflag:s26] =	ssyncadd.s32 $0xFFFFF000  }
0xf5: {  	[spmem:s2] =	stream.indirect.scatter.add.f32 [tilespmem:s20], [sflag:$0x6], $0x20, s16, s18, $0xb8;
	[tilespmem:$0xF000] =	vst v63  }
0xf6: {  	_ =	swait.ge [sflag:s22], $0x1000  }
0xf7: {  	[sflag:s22] =	ssyncset.done $0x0  }
0xf8: {  	s16 =	sadd.s32 $0x380, s11;
	[sflag:s22] =	ssyncadd.s32 $0xFFFFF000  }
0xf9: {  	[tilespmem:s30], [sflag:$0x4] =	stream.indirect.gather [hbm4b:s4+s18], $0x20, s16, s18, $0xb8;
	[tilespmem:$0xF000] =	vst v63  }
0xfa: {  	_ =	swait.ge [sflag:s31], $0x1000  }
0xfb: {  	p0 =	seq.s32 s10, $0x9000;
	[sflag:s31] =	ssyncset.done $0x0  }
.Ltmp2:
0xfc: {  	s16 =	sadd.s32 $0x2B00, s11;
	[sflag:s31] =	ssyncadd.s32 $0xFFFFF000;
	(pc) =	sbr.rel @p0 .LBB2_4-.Ltmp2, $4  }
0xfd: {  	[spmem:s2] =	stream.indirect.scatter.add.f32 [tilespmem:s25], [sflag:$0x7], $0x20, s16, s18, $0xb8;
	[tilespmem:$0xF000] =	vst v63  }
0xfe: {  	_ =	swait.ge [sflag:s1], $0x1000  }
0xff: {  	[sflag:s1] =	ssyncset.done $0x0  }
0x100: {  	s15 =	sadd.s32 $0x2B80, s11;
	[sflag:s1] =	ssyncadd.s32 $0xFFFFF000  }
0x101: {  	s16 =	sadd.s32 $0x400, s11  }
0x102: {  	[tilespmem:s19], [sflag:$0x1] =	stream.indirect.gather [hbm4b:s4+s18], $0x20, s16, s18, $0xb8;
	[tilespmem:$0xF000] =	vst v63  }
0x103: {  	_ =	swait.ge [sflag:s28], $0x1000  }
0x104: {  	[sflag:s28] =	ssyncset.done $0x0  }
0x105: {  	[sflag:s28] =	ssyncadd.s32 $0xFFFFF000  }
0x106: {  	[spmem:s2] =	stream.indirect.scatter.add.f32 [tilespmem:s30], [sflag:$0x8], $0x20, s15, s18, $0xb8;
	[tilespmem:$0xF000] =	vst v63  }
.Ltmp3:
0x107: {  	_ = 	snop;
	(pc) =	sbr.rel .LBB2_2-.Ltmp3, $4  }
0x108: {  	_ =	swait.ge [sflag:s0], $0x1000  }
0x109: {  	[sflag:s0] =	ssyncset.done $0x0  }
0x10a: {  	s10 =	sadd.s32 $0x800, s10;
	s16 =	sadd.s32 $0x480, s11;
	[sflag:s0] =	ssyncadd.s32 $0xFFFFF000  }
0x10b: {  	[tilespmem:s20], [sflag:$0x2] =	stream.indirect.gather [hbm4b:s4+s18], $0x20, s16, s18, $0xb8;
	[tilespmem:$0xF000] =	vst v63  }
.LBB2_5:
0x10c: {  	_ =	sfence.sel $0x180000  }
0x10d: {  	[bflag:$0x0] =	sbarrier.arrive $0xFFFF  }
0x10e: {  	_ =	strace $0x9000004D  }
0x10f: {  	s0 =	stileid.u32;
	[bflag:$0x2] =	sbarrier.arrive $0xFFFF  }
0x110: {  	p0 =	sne.s32 s0, $0x0;
	s0 =	rddreg [dreg:$0x2]  }
0x111: {  	s0 =	sadd.s32 @!p0 $0x100000, s0  }
0x112: {  	[sflag:s0] =	ssyncadd.tile.s32 @!p0 $0x1;
	_ =	shalt  }
.Lfunc_end2:
_tile_overlayer_lowered:
.L_overlay_start_2:
0x113: {  	(tag) =	ssettag $0x2  }
0x114: {  	s0 =	rddreg [dreg:$0x0];
	s2 =	stileid.u32  }
0x115: {  	s1 =	rddreg [dreg:$0x1];
	p0 =	sne.s32 s2, $0x0  }
0x116: {  	s3 =	rddreg [dreg:$0x2];
	[bflag:$0x3] =	sbarrier.arrive $0xFFFF;
	s2 =	simm.s32 @!p0 $0x1C09  }
0x117: {  	[timem:s3], [sflag:s2] =	dma.local @!p0 [hbm:s0], s1  }
0x118: {  	s0 =	simm.s32 @!p0 $0x9  }
0x119: {  	_ =	swait.ge @!p0 [sflag:s0], s1  }
0x11a: {  	s1 =	ssub.s32 @!p0 $0x0, s1;
	[sflag:s0] =	ssyncset.done @!p0 $0x0  }
0x11b: {  	[sflag:s0] =	ssyncadd.s32 @!p0 s1  }
0x11c: {  	[bflag:$0x3] =	sbarrier.arrive $0xFFFF  }
0x11d: {  	_ =	shalt  }

// kernel: kernel.9.cloned.1.call-start
scs
__scs_entry_jumppad:
0x0: {  	(pc) =	sbr.rel $0x88, $3  }
0x1: {  	(tag) =	ssettag $0x0;
	lr =	simm.s32 $0x1  }
0x2: {  	[smem:$0x3F98] =	sst lr;
	_ =	strace $0xD0000000  }
0x3: {  	_ = 	snop  }
0x4: {  	_ = 	snop  }
0x5: {  	_ = 	snop  }
0x6: {  	_ = 	snop  }
0x7: {  	_ = 	snop  }
__scs_overlays_trampoline_lowered:
0x8: {  	[smem:$0x3FA7] =	sst s0  }
0x9: {  	[smem:$0x3FA8] =	sst s1  }
0xa: {  	[smem:$0x3FA9] =	sst s2  }
0xb: {  	[smem:$0x3FAA] =	sst s3  }
0xc: {  	[smem:$0x3FAB] =	sst s4  }
0xd: {  	[smem:$0x3FAC] =	sst s5  }
0xe: {  	[smem:$0x3FAD] =	sst s6  }
0xf: {  	[smem:$0x3FAE] =	sst s7  }
0x10: {  	[smem:$0x3FAF] =	sst s8  }
0x11: {  	[smem:$0x3FB0] =	sst s9;
	s0 =	simm.s32 @!p0 $0x0  }
0x12: {  	s1 =	sld [smem:$0x3F96];
	s0 =	simm.s32 @p0 $0x1  }
0x13: {  	[smem:$0x3FB1] =	sst s0;
	s0 =	simm.s32 @!p1 $0x0  }
0x14: {  	s2 =	sld [smem:$0x3F95];
	s0 =	simm.s32 @p1 $0x1  }
0x15: {  	[smem:$0x3FB2] =	sst s0;
	s0 =	simm.s32 @!p2 $0x0  }
0x16: {  	s3 =	sld [smem:$0x3FDB];
	s0 =	simm.s32 @p2 $0x1  }
0x17: {  	s4 =	simm.s32 $0x1BF5;
	[smem:$0x3FB4] =	sst s0  }
0x18: {  	s0 =	sld [smem:$0x3F97];
	_ =	swait.ge [sflag:s4], $0x0  }
0x19: {  	s7 =	sld [smem:$0x3F98]  }
0x1a: {  	s8 =	sadd.s32 $0xFFFFE003, lr  }
0x1b: {  	s9 =	sadd.s32 $0xFFFFFEF7, lr;
	s5 =	simm.s32 $0xFFFFFFFF;
	p2 =	slt.u32 s8, $0xFFFFF086  }
0x1c: {  	p1 =	slt.u32 s9, $0xF7A;
	s5 =	simm.s32 @!p2 $0x0  }
0x1d: {  	s5 =	simm.s32 @p1 $0x1;
	p0 =	seq.s32 s7, s2  }
0x1e: {  	s7 =	smul.u32 @!p0 $0xF7A, s2;
	p2 =	seq.s32 @!p0 s5, $0x0  }
0x1f: {  	s9 =	smul.u32 $0xF7A, s1;
	s8 =	simm.s32 @!p0 $0x1BF5;
	p2 =	por !p2, p0  }
0x20: {  	[sflag:s8] =	ssyncset.s32 @!p0 $0xFFFFF086;
	s6 =	sadd.s32 @!p0 s3, s7;
	s7 =	simm.s32 @!p0 $0x108  }
0x21: {  	s3 =	sadd.s32 s3, s9;
	s6 =	sadd.s32 @!p0 $0x88, s6;
	s7 =	simm.s32 @p2 $0x1082  }
0x22: {  	[simem:s7], [sflag:s8] =	dma.local @!p0 [hbm:s6], $0xF7A  }
0x23: {  	s9 =	sor.u32 $0xD0000000, s2;
	s6 =	simm.s32 $0x108;
	_ =	swait.ge @!p0 [sflag:s8], $0x0  }
0x24: {  	s3 =	sadd.s32 $0x88, s3;
	s6 =	simm.s32 @!p1 $0x1082;
	[sflag:s4] =	ssyncset.s32 $0xFFFFF086  }
0x25: {  	[simem:s6], [sflag:s4] =	dma.local [hbm:s3], $0xF7A  }
0x26: {  	[smem:$0x3F98] =	sst s1;
	(tag) =	ssettag s2;
	_ =	strace s9  }
0x27: {  	s1 =	sld [smem:$0x3FA8]  }
0x28: {  	s2 =	sld [smem:$0x3FA9]  }
0x29: {  	s4 =	sld [smem:$0x3FAB]  }
0x2a: {  	p0 =	seq.s32 s5, $0x0;
	s5 =	sld [smem:$0x3FAC]  }
0x2b: {  	s6 =	sld [smem:$0x3FAD]  }
0x2c: {  	s7 =	sld [smem:$0x3FAE]  }
0x2d: {  	s3 =	simm.s32 $0x108;
	s8 =	sld [smem:$0x3FAF]  }
0x2e: {  	s3 =	simm.s32 @!p0 $0x1082;
	s9 =	sld [smem:$0x3FB0]  }
0x2f: {  	lr =	sadd.s32 s0, s3;
	s0 =	sld [smem:$0x3FA7]  }
0x30: {  	s3 =	sld [smem:$0x3FAA]  }
0x31: {  	[smem:$0x3FB3] =	sst s10  }
0x32: {  	s10 =	sld [smem:$0x3FB1];
	_ =	sdelay $0x3  }
0x33: {  	p0 =	seq.s32 s10, $0x1;
	s10 =	sld [smem:$0x3FB3];
	_ =	sdelay $0x3  }
0x34: {  	[smem:$0x3FB3] =	sst s10  }
0x35: {  	s10 =	sld [smem:$0x3FB2];
	_ =	sdelay $0x3  }
0x36: {  	p1 =	seq.s32 s10, $0x1;
	s10 =	sld [smem:$0x3FB3];
	_ =	sdelay $0x3  }
0x37: {  	[smem:$0x3FB3] =	sst s10  }
0x38: {  	s10 =	sld [smem:$0x3FB4]  }
0x39: {  	_ = 	snop;
	(pc) =	sbr.ind lr, $3  }
0x3a: {  	_ = 	snop  }
0x3b: {  	_ = 	snop  }
0x3c: {  	p2 =	seq.s32 s10, $0x1;
	s10 =	sld [smem:$0x3FB3]  }
0x3d: {  	_ =	shalt  }
0x3e: {  	_ =	shalt  }
0x3f: {  	_ =	shalt  }
0x40: {  	_ =	shalt  }
0x41: {  	_ =	shalt  }
0x42: {  	_ =	shalt  }
0x43: {  	_ =	shalt  }
0x44: {  	_ =	shalt  }
0x45: {  	_ =	shalt  }
0x46: {  	_ =	shalt  }
0x47: {  	_ =	shalt  }
0x48: {  	_ =	shalt  }
0x49: {  	_ =	shalt  }
0x4a: {  	_ =	shalt  }
0x4b: {  	_ =	shalt  }
0x4c: {  	_ =	shalt  }
0x4d: {  	_ =	shalt  }
0x4e: {  	_ =	shalt  }
0x4f: {  	_ =	shalt  }
0x50: {  	_ =	shalt  }
0x51: {  	_ =	shalt  }
0x52: {  	_ =	shalt  }
0x53: {  	_ =	shalt  }
0x54: {  	_ =	shalt  }
0x55: {  	_ =	shalt  }
0x56: {  	_ =	shalt  }
0x57: {  	_ =	shalt  }
0x58: {  	_ =	shalt  }
0x59: {  	_ =	shalt  }
0x5a: {  	_ =	shalt  }
0x5b: {  	_ =	shalt  }
0x5c: {  	_ =	shalt  }
0x5d: {  	_ =	shalt  }
0x5e: {  	_ =	shalt  }
0x5f: {  	_ =	shalt  }
0x60: {  	_ =	shalt  }
0x61: {  	_ =	shalt  }
0x62: {  	_ =	shalt  }
0x63: {  	_ =	shalt  }
0x64: {  	_ =	shalt  }
0x65: {  	_ =	shalt  }
0x66: {  	_ =	shalt  }
0x67: {  	_ =	shalt  }
0x68: {  	_ =	shalt  }
0x69: {  	_ =	shalt  }
0x6a: {  	_ =	shalt  }
0x6b: {  	_ =	shalt  }
0x6c: {  	_ =	shalt  }
0x6d: {  	_ =	shalt  }
0x6e: {  	_ =	shalt  }
0x6f: {  	_ =	shalt  }
0x70: {  	_ =	shalt  }
0x71: {  	_ =	shalt  }
0x72: {  	_ =	shalt  }
0x73: {  	_ =	shalt  }
0x74: {  	_ =	shalt  }
0x75: {  	_ =	shalt  }
0x76: {  	_ =	shalt  }
0x77: {  	_ =	shalt  }
0x78: {  	_ =	shalt  }
0x79: {  	_ =	shalt  }
0x7a: {  	_ =	shalt  }
0x7b: {  	_ =	shalt  }
0x7c: {  	_ =	shalt  }
0x7d: {  	_ =	shalt  }
0x7e: {  	_ =	shalt  }
0x7f: {  	_ =	shalt  }
0x80: {  	_ =	shalt  }
0x81: {  	_ =	shalt  }
0x82: {  	_ =	shalt  }
0x83: {  	_ =	shalt  }
0x84: {  	_ =	shalt  }
0x85: {  	_ =	shalt  }
0x86: {  	_ =	shalt  }
0x87: {  	_ =	shalt  }
.Lfunc_end0:
.L_simem_size_0:
called_computation_lowered:
.L_overlay_start_0:
0x88: {  	s2 =	sld [smem:$0x3FD9]  }
0x89: {  	s3 =	sld [smem:$0x3FFE];
	_ =	sdelay $0x1  }
0x8a: {  	s1 =	srdreg.scid  }
0x8b: {  	s0 =	sand.u32 $0x1, s1  }
0x8c: {  	s17 =	sshll.u32 s0, $0xA;
	s2 =	sadd.s32 s3, s2  }
0x8d: {  	s2 =	sadd.s32 s2, s17  }
0x8e: {  	[smem:$0x3FBF] =	sst s2  }
0x8f: {  	_ = 	snop  }
0x90: {  	s2 =	sld [smem:$0x3FD0];
	(tm) =	ssettm $0x1  }
0x91: {  	s18 =	sld [smem:$0x3FFB];
	_ =	sdelay $0x3  }
0x92: {  	_ =	strace s18  }
0x93: {  	s3 =	sld [smem:$0x3FFC];
	_ =	sdelay $0x3  }
0x94: {  	_ =	strace s3  }
0x95: {  	s3 =	sld [smem:$0x3FFD];
	_ =	sdelay $0x3  }
0x96: {  	_ =	strace s3  }
0x97: {  	_ =	strace $0x8FFFFFFF  }
0x98: {  	s19 =	sld [smem:$0x3FDB];
	_ =	sdelay $0x1  }
0x99: {  	s4 =	simm.s32 $_scs_section_size  }
0x9a: {  	s5 =	simm.s32 $_size__tile_overlayer_lowered;
	s6 =	simm.s32 $_tile_overlayer_lowered  }
0x9b: {  	s22 =	simm.s32 $0x1BFF;
	s21 =	sshll.u32 s6, $0x1;
	s3 =	sadd.s32 s4, s19  }
0x9c: {  	s7 =	simm.s32 $0x0;
	s20 =	sshll.u32 s5, $0x1;
	s5 =	sadd.s32 s21, s3  }
0x9d: {  	[timem:s7], [sflag:s22] =	dma.local [hbm:s5], s20  }
0x9e: {  	_ =	swait.ge [sflag:s22], s20  }
0x9f: {  	s4 =	ssub.s32 $0x0, s20;
	[sflag:s22] =	ssyncset.done $0x0  }
0xa0: {  	[sflag:s22] =	ssyncadd.s32 s4;
	_ =	sdelay $0x1  }
0xa1: {  	s23 =	simm.s32 $0x1B8B  }
0xa2: {  	_ =	swait.ge [sflag:s23], $0x1  }
0xa3: {  	[sflag:s23] =	ssyncset.done $0x0  }
0xa4: {  	s25 =	simm.s32 $0x1B8E;
	s24 =	sld [smem:$0x3FFE];
	[sflag:s23] =	ssyncadd.s32 $0xFFFFFFFF  }
0xa5: {  	s26 =	simm.s32 $execute0_lowered;
	[smem:$0x3FD2] =	sst s25  }
0xa6: {  	s5 =	sshll.u32 s26, $0x1;
	_ =	strace $0x80000046;
	[dreg:$0x1] =	wrdreg $0xFFFFFFFF  }
0xa7: {  	s28 =	simm.s32 $_size_execute0_lowered;
	s3 =	sadd.s32 s3, s5;
	[dreg:$0x0] =	wrdreg $0x0  }
0xa8: {  	s5 =	sshll.u32 s28, $0x1;
	[dreg:$0x2] =	wrdreg s3  }
0xa9: {  	[dreg:$0x3] =	wrdreg s5  }
0xaa: {  	[dreg:$0x4] =	wrdreg $0xC0  }
0xab: {  	_ =	task [dreg:s7], $0x5FFFF  }
0xac: {  	[dreg:$0x1] =	wrdreg $0xFFFFFFFF  }
0xad: {  	[dreg:$0x0] =	wrdreg $0x60  }
0xae: {  	[dreg:$0x2] =	wrdreg s24  }
0xaf: {  	[dreg:$0x3] =	wrdreg s2  }
0xb0: {  	[dreg:$0x4] =	wrdreg $0x38000  }
0xb1: {  	[dreg:$0x5] =	wrdreg $0x60000  }
0xb2: {  	[dreg:$0x6] =	wrdreg $0x9  }
0xb3: {  	_ =	task.clear_ibuf [dreg:s7], $0x7FFFF;
	_ =	strace $0x90000046  }
0xb4: {  	s29 =	simm.s32 $0x9;
	_ =	strace $0x80000048  }
0xb5: {  	_ =	swait.ge [sflag:s29], $0x1  }
0xb6: {  	[sflag:s29] =	ssyncadd.s32 $0xFFFFFFFF  }
0xb7: {  	_ =	strace $0x90000048  }
0xb8: {  	_ =	sfence  }
0xb9: {  	s30 =	sld [smem:$0x0];
	_ =	sdelay $0x2  }
0xba: {  	s31 =	sshll.u32 s1, $0xD;
	s1 =	sshrl.u32 s1, $0x2  }
0xbb: {  	s3 =	sand.u32 $0x4000, s31;
	s1 =	sadd.s32 s1, s30  }
0xbc: {  	s0 =	sor.u32 s3, s0;
	s1 =	sshll.u32 s1, $0x11  }
0xbd: {  	s0 =	sor.u32 s1, s0  }
0xbe: {  	s0 =	sadd.s32 $0x8F2B, s0  }
0xbf: {  	[sflag:s0] =	ssyncadd.remote.s32 $0x1  }
0xc0: {  	_ =	sfence.sel $0xFFFF  }
0xc1: {  	[dreg:$0x0] =	wrdreg $0xFFFFFFFF;
	(pc) =	sbr.abs _section_cstart, $3  }
0xc2: {  	[dreg:$0x1] =	wrdreg $0xFFFFFFFF  }
0xc3: {  	_ =	task.clear_ibuf [dreg:s7], $0x2FFFF;
	_ =	strace $0x9FFFFFFF  }
0xc4: {  	(tm) =	ssettm $0x7FFFFFFF  }
0xc5: {  	_ =	shalt  }
tec
execute0_lowered:
.L_overlay_start_1:
0x0: {  	(tag) =	ssettag $0x1  }
0x1: {  	s0 =	rddreg [dreg:$0x0]  }
0x2: {  	s1 =	rddreg [dreg:$0x1];
	s3 =	srdreg.scid  }
0x3: {  	s13 =	stileid.u32;
	s2 =	rddreg [dreg:$0x2];
	s14 =	simm.s32 $0x2800  }
0x4: {  	s15 =	simm.s32 $0x3000;
	s16 =	simm.s32 $0x80;
	s28 =	simm.s32 $0x2C80  }
0x5: {  	s29 =	simm.s32 $0x2D00;
	s30 =	simm.s32 $0x2D80;
	s31 =	simm.s32 $0x2E00  }
0x6: {  	s19 =	simm.s32 $0x2;
	s20 =	simm.s32 $0x0;
	s5 =	sand.u32 $0x1, s3  }
0x7: {  	s4 =	sshll.u32 s13, $0x1;
	s3 =	rddreg [dreg:$0x3];
	s17 =	smul.u32 $0x2800, s13  }
0x8: {  	s25 =	sshll.u32 s13, $0x6;
	s6 =	sor.u32 s5, s4;
	s4 =	simm.s32 $0x0  }
0x9: {  	s22 =	smul.u32 $0x28000, s5;
	s9 =	ssub.s32 $0x2, s5;
	s5 =	sadd.s32 $0x1C200, s0  }
0xa: {  	s7 =	smul.u32 $0x500, s6;
	[smem:$0x7FF] =	sst s4;
	s6 =	sshll.u32 s6, $0x8  }
0xb: {  	s23 =	sshrl.u32 s9, $0x1;
	s24 =	sshrl.u32 s17, $0x3;
	s12 =	sadd.s32 s17, s2  }
0xc: {  	s26 =	sadd.s32 s17, s3;
	_ =	strace $0x80000047;
	s10 =	sadd.s32 s6, s0  }
0xd: {  	s11 =	ssub.s32 s9, s23;
	s6 =	sadd.s32 s1, s24;
	s13 =	sshrl.u32 s26, $0x3  }
0xe: {  	s26 =	simm.s32 $0x2C00;
	s1 =	simm.s32 $0x2E80;
	s8 =	sadd.s32 s7, s0  }
0xf: {  	s0 =	sadd.s32 s22, s0;
	s7 =	sor.u32 $0x1C01, s25;
	s9 =	sadd.s32 $0x1A200, s10  }
0x10: {  	s10 =	smax.u32 s11, $0x1;
	s11 =	sshrl.u32 s12, $0x3;
	s12 =	simm.s32 $0x1  }
0x11: {  	s25 =	simm.s32 $0x2B80;
	s18 =	sadd.s32 $0x1C400, s0;
	s0 =	sadd.s32 $0x6C400, s0  }
0x12: {  	s8 =	sadd.s32 $0xE200, s8;
	s23 =	sadd.s32 s17, s18;
	s24 =	sadd.s32 s17, s0  }
0x13: {  	s0 =	simm.s32 $0x2F00;
	s17 =	simm.s32 $0x2F80;
	s18 =	simm.s32 $0x10  }
.LBB2_1:
0x14: {  	[spmem:s11], [sflag:s7] =	dma.local [hbm:s6], $0x500  }
0x15: {  	_ =	swait.ge [sflag:s12], $0x500  }
0x16: {  	[sflag:s12] =	ssyncset.done $0x0  }
0x17: {  	[sflag:s12] =	ssyncadd.s32 $0xFFFFFB00  }
0x18: {  	[spmem:s13], [sflag:s7] =	dma.local [hbm:s6], $0x500  }
0x19: {  	_ =	swait.ge [sflag:s12], $0x500  }
0x1a: {  	[sflag:s12] =	ssyncset.done $0x0  }
0x1b: {  	[sflag:s12] =	ssyncadd.s32 $0xFFFFFB00  }
0x1c: {  	[tilespmem:s4], [sflag:$0x1] =	stream.linear.gather [hbm4b:s8+s4], $0x2800, $0x38;
	[tilespmem:$0x8800] =	vst v63  }
0x1d: {  	_ =	swait.ge [sflag:s12], $0x2800  }
0x1e: {  	[sflag:s12] =	ssyncset.done $0x0  }
0x1f: {  	[sflag:s12] =	ssyncadd.s32 $0xFFFFD800  }
0x20: {  	[tilespmem:s14], [sflag:$0x1] =	stream.linear.gather [hbm4b:s9+s4], $0x800, $0x38;
	[tilespmem:$0x8800] =	vst v63  }
0x21: {  	_ =	swait.ge [sflag:s12], $0x800  }
0x22: {  	[sflag:s12] =	ssyncset.done $0x0  }
0x23: {  	[sflag:s12] =	ssyncadd.s32 $0xFFFFF800  }
0x24: {  	[tilespmem:s15], [sflag:$0x1] =	stream.linear.gather [hbm4b:s5+s4], $0x800, $0x38;
	[tilespmem:$0x8800] =	vst v63  }
0x25: {  	_ =	swait.ge [sflag:s12], $0x800  }
0x26: {  	[sflag:s12] =	ssyncset.done $0x0  }
0x27: {  	[sflag:s12] =	ssyncadd.s32 $0xFFFFF800  }
0x28: {  	s21 =	simm.s32 $0x0;
	[bflag:$0x0] =	sbarrier.arrive $0xFFFF  }
0x29: {  	[spmem:s2] =	stream.indirect.scatter.add.f32 [tilespmem:s15], [sflag:$0x1], $0x10, s21, s16, $0xb8;
	[tilespmem:$0x8800] =	vst v63  }
0x2a: {  	_ =	swait.ge [sflag:s12], $0x800  }
0x2b: {  	s21 =	simm.s32 $0x200;
	[sflag:s12] =	ssyncset.done $0x0  }
.LBB2_2:
0x2c: {  	s22 =	sshra.s32 s21, $0x2;
	[sflag:s12] =	ssyncadd.s32 $0xFFFFF800;
	p0 =	sne.s32 s21, $0x9E00  }
0x2d: {  	[spmem:s2] =	stream.indirect.scatter.add.f32 [tilespmem:s15], [sflag:$0x1], $0x10, s22, s16, $0xb8;
	[tilespmem:$0x8800] =	vst v63  }
.Ltmp0:
0x2e: {  	_ = 	snop;
	(pc) =	sbr.rel @p0 .LBB2_2-.Ltmp0, $4  }
0x2f: {  	_ = 	snop  }
0x30: {  	s21 =	sadd.s32 $0x200, s21  }
0x31: {  	_ =	swait.ge [sflag:s12], $0x800  }
0x32: {  	[sflag:s12] =	ssyncset.done $0x0  }
0x33: {  	[sflag:s12] =	ssyncadd.s32 $0xFFFFF800  }
0x34: {  	[spmem:s3] =	stream.indirect.scatter.add.f32 [tilespmem:s15], [sflag:$0x1], $0x10, s14, s16, $0xb8;
	[tilespmem:$0x8800] =	vst v63  }
0x35: {  	_ =	swait.ge [sflag:s12], $0x800  }
0x36: {  	[sflag:s12] =	ssyncset.done $0x0  }
0x37: {  	s21 =	simm.s32 $0x2880;
	[sflag:s12] =	ssyncadd.s32 $0xFFFFF800  }
0x38: {  	[spmem:s3] =	stream.indirect.scatter.add.f32 [tilespmem:s15], [sflag:$0x1], $0x10, s21, s16, $0xb8;
	[tilespmem:$0x8800] =	vst v63  }
0x39: {  	_ =	swait.ge [sflag:s12], $0x800  }
0x3a: {  	[sflag:s12] =	ssyncset.done $0x0  }
0x3b: {  	s22 =	simm.s32 $0x2900;
	[sflag:s12] =	ssyncadd.s32 $0xFFFFF800  }
0x3c: {  	[spmem:s3] =	stream.indirect.scatter.add.f32 [tilespmem:s15], [sflag:$0x1], $0x10, s22, s16, $0xb8;
	[tilespmem:$0x8800] =	vst v63  }
0x3d: {  	_ =	swait.ge [sflag:s12], $0x800  }
0x3e: {  	[sflag:s12] =	ssyncset.done $0x0  }
0x3f: {  	s22 =	simm.s32 $0x2980;
	[sflag:s12] =	ssyncadd.s32 $0xFFFFF800  }
0x40: {  	[spmem:s3] =	stream.indirect.scatter.add.f32 [tilespmem:s15], [sflag:$0x1], $0x10, s22, s16, $0xb8;
	[tilespmem:$0x8800] =	vst v63  }
0x41: {  	_ =	swait.ge [sflag:s12], $0x800  }
0x42: {  	[sflag:s12] =	ssyncset.done $0x0  }
0x43: {  	s22 =	simm.s32 $0x2A00;
	[sflag:s12] =	ssyncadd.s32 $0xFFFFF800  }
0x44: {  	[spmem:s3] =	stream.indirect.scatter.add.f32 [tilespmem:s15], [sflag:$0x1], $0x10, s22, s16, $0xb8;
	[tilespmem:$0x8800] =	vst v63  }
0x45: {  	_ =	swait.ge [sflag:s12], $0x800  }
0x46: {  	[sflag:s12] =	ssyncset.done $0x0  }
0x47: {  	s22 =	simm.s32 $0x2A80;
	[sflag:s12] =	ssyncadd.s32 $0xFFFFF800  }
0x48: {  	[spmem:s3] =	stream.indirect.scatter.add.f32 [tilespmem:s15], [sflag:$0x1], $0x10, s22, s16, $0xb8;
	[tilespmem:$0x8800] =	vst v63  }
0x49: {  	_ =	swait.ge [sflag:s12], $0x800  }
0x4a: {  	[sflag:s12] =	ssyncset.done $0x0  }
0x4b: {  	s22 =	simm.s32 $0x2B00;
	[sflag:s12] =	ssyncadd.s32 $0xFFFFF800  }
0x4c: {  	[spmem:s3] =	stream.indirect.scatter.add.f32 [tilespmem:s15], [sflag:$0x1], $0x10, s22, s16, $0xb8;
	[tilespmem:$0x8800] =	vst v63  }
0x4d: {  	_ =	swait.ge [sflag:s12], $0x800  }
0x4e: {  	[sflag:s12] =	ssyncset.done $0x0  }
0x4f: {  	[sflag:s12] =	ssyncadd.s32 $0xFFFFF800  }
0x50: {  	[spmem:s3] =	stream.indirect.scatter.add.f32 [tilespmem:s15], [sflag:$0x1], $0x10, s25, s16, $0xb8;
	[tilespmem:$0x8800] =	vst v63  }
0x51: {  	_ =	swait.ge [sflag:s12], $0x800  }
0x52: {  	[sflag:s12] =	ssyncset.done $0x0  }
0x53: {  	[sflag:s12] =	ssyncadd.s32 $0xFFFFF800  }
0x54: {  	[spmem:s3] =	stream.indirect.scatter.add.f32 [tilespmem:s15], [sflag:$0x1], $0x10, s26, s16, $0xb8;
	[tilespmem:$0x8800] =	vst v63  }
0x55: {  	_ =	swait.ge [sflag:s12], $0x800  }
0x56: {  	[sflag:s12] =	ssyncset.done $0x0  }
0x57: {  	[sflag:s12] =	ssyncadd.s32 $0xFFFFF800  }
0x58: {  	[spmem:s3] =	stream.indirect.scatter.add.f32 [tilespmem:s15], [sflag:$0x1], $0x10, s28, s16, $0xb8;
	[tilespmem:$0x8800] =	vst v63  }
0x59: {  	_ =	swait.ge [sflag:s12], $0x800  }
0x5a: {  	[sflag:s12] =	ssyncset.done $0x0  }
0x5b: {  	[sflag:s12] =	ssyncadd.s32 $0xFFFFF800  }
0x5c: {  	[spmem:s3] =	stream.indirect.scatter.add.f32 [tilespmem:s15], [sflag:$0x1], $0x10, s29, s16, $0xb8;
	[tilespmem:$0x8800] =	vst v63  }
0x5d: {  	_ =	swait.ge [sflag:s12], $0x800  }
0x5e: {  	[sflag:s12] =	ssyncset.done $0x0  }
0x5f: {  	[sflag:s12] =	ssyncadd.s32 $0xFFFFF800  }
0x60: {  	[spmem:s3] =	stream.indirect.scatter.add.f32 [tilespmem:s15], [sflag:$0x1], $0x10, s30, s16, $0xb8;
	[tilespmem:$0x8800] =	vst v63  }
0x61: {  	_ =	swait.ge [sflag:s12], $0x800  }
0x62: {  	[sflag:s12] =	ssyncset.done $0x0  }
0x63: {  	[sflag:s12] =	ssyncadd.s32 $0xFFFFF800  }
0x64: {  	[spmem:s3] =	stream.indirect.scatter.add.f32 [tilespmem:s15], [sflag:$0x1], $0x10, s31, s16, $0xb8;
	[tilespmem:$0x8800] =	vst v63  }
0x65: {  	_ =	swait.ge [sflag:s12], $0x800  }
0x66: {  	[sflag:s12] =	ssyncset.done $0x0  }
0x67: {  	[sflag:s12] =	ssyncadd.s32 $0xFFFFF800  }
0x68: {  	[spmem:s3] =	stream.indirect.scatter.add.f32 [tilespmem:s15], [sflag:$0x1], $0x10, s1, s16, $0xb8;
	[tilespmem:$0x8800] =	vst v63  }
0x69: {  	_ =	swait.ge [sflag:s12], $0x800  }
0x6a: {  	[sflag:s12] =	ssyncset.done $0x0  }
0x6b: {  	[sflag:s12] =	ssyncadd.s32 $0xFFFFF800  }
0x6c: {  	[spmem:s3] =	stream.indirect.scatter.add.f32 [tilespmem:s15], [sflag:$0x1], $0x10, s0, s16, $0xb8;
	[tilespmem:$0x8800] =	vst v63  }
0x6d: {  	_ =	swait.ge [sflag:s12], $0x800  }
0x6e: {  	[sflag:s12] =	ssyncset.done $0x0  }
0x6f: {  	[sflag:s12] =	ssyncadd.s32 $0xFFFFF800  }
0x70: {  	[spmem:s3] =	stream.indirect.scatter.add.f32 [tilespmem:s15], [sflag:$0x1], $0x10, s17, s16, $0xb8;
	[tilespmem:$0x8800] =	vst v63  }
0x71: {  	_ =	swait.ge [sflag:s12], $0x800  }
0x72: {  	[sflag:s12] =	ssyncset.done $0x0  }
0x73: {  	[sflag:s12] =	ssyncadd.s32 $0xFFFFF800  }
0x74: {  	[bflag:$0x0] =	sbarrier.arrive $0xFFFF  }
0x75: {  	[hbm:s23@s18], [sflag:s7] =	dma.strided [spmem:s11@s19], $0x500, s12, $0x2   }
0x76: {  	s20 =	sadd.s32 $0x1, s20;
	_ =	swait.ge [sflag:s12], $0x500  }
0x77: {  	p0 =	sne.s32 s20, s10;
	[sflag:s12] =	ssyncset.done $0x0  }
.Ltmp1:
0x78: {  	[sflag:s12] =	ssyncadd.s32 $0xFFFFFB00;
	(pc) =	sbr.rel @p0 .LBB2_1-.Ltmp1, $4  }
0x79: {  	[hbm:s24@s18], [sflag:s7] =	dma.strided [spmem:s13@s19], $0x500, s12, $0x2   }
0x7a: {  	_ =	swait.ge [sflag:s12], $0x500  }
0x7b: {  	[sflag:s12] =	ssyncset.done $0x0  }
0x7c: {  	[sflag:s12] =	ssyncadd.s32 $0xFFFFFB00  }
0x7d: {  	_ =	sfence.sel $0x180000  }
0x7e: {  	[bflag:$0x0] =	sbarrier.arrive $0xFFFF  }
0x7f: {  	_ =	strace $0x90000047  }
0x80: {  	s0 =	stileid.u32;
	[bflag:$0x2] =	sbarrier.arrive $0xFFFF  }
0x81: {  	p0 =	sne.s32 s0, $0x0;
	s0 =	rddreg [dreg:$0x4]  }
0x82: {  	s0 =	sadd.s32 @!p0 $0x100000, s0  }
0x83: {  	[sflag:s0] =	ssyncadd.tile.s32 @!p0 $0x1;
	_ =	shalt  }
.Lfunc_end2:
_tile_overlayer_lowered:
.L_overlay_start_2:
0x84: {  	(tag) =	ssettag $0x2  }
0x85: {  	s0 =	rddreg [dreg:$0x0];
	s2 =	stileid.u32  }
0x86: {  	s1 =	rddreg [dreg:$0x1];
	p0 =	sne.s32 s2, $0x0  }
0x87: {  	s3 =	rddreg [dreg:$0x2];
	[bflag:$0x3] =	sbarrier.arrive $0xFFFF;
	s2 =	simm.s32 @!p0 $0x1C01  }
0x88: {  	[timem:s3], [sflag:s2] =	dma.local @!p0 [hbm:s0], s1  }
0x89: {  	s0 =	simm.s32 @!p0 $0x1  }
0x8a: {  	_ =	swait.ge @!p0 [sflag:s0], s1  }
0x8b: {  	s1 =	ssub.s32 @!p0 $0x0, s1;
	[sflag:s0] =	ssyncset.done @!p0 $0x0  }
0x8c: {  	[sflag:s0] =	ssyncadd.s32 @!p0 s1  }
0x8d: {  	[bflag:$0x3] =	sbarrier.arrive $0xFFFF  }
0x8e: {  	_ =	shalt  }

</sc_bundles>
